<compile_context>
chip_gen: v7x
topology: tpu7x:2x2x1
jax: 0.10.2.dev20260603
libtpu: 0.0.44.dev20260713+nightly
codegen_flags: <defaults>
</compile_context>

<pallas_src>
import functools

import jax
import jax.numpy as jnp
from jax import lax
from jax.experimental import pallas as pl
from jax.experimental.pallas import tpu as pltpu
from jax.experimental.pallas import tpu_sc as plsc

D_MODEL = 2048
SCALE = float(D_MODEL) ** 0.5
NC, NS, L = 2, 16, 16
NW = NC * NS
B_TOTAL = 4 * 4096
B_PER_W = B_TOTAL // NW
C = 8
N_CHUNKS = B_PER_W // C
SLOTS = 3
N_ROUNDS = (N_CHUNKS - 1) // SLOTS


@functools.cache
def _make_emb():
    mesh = plsc.VectorSubcoreMesh(
        core_axis_name="c", subcore_axis_name="s",
        num_cores=NC, num_subcores=NS)

    vmem_row_buf = pltpu.VMEM((C, D_MODEL), jnp.float32)

    @functools.partial(
        pl.kernel,
        out_type=jax.ShapeDtypeStruct((B_TOTAL, D_MODEL), jnp.float32),
        mesh=mesh,
        scratch_types=(
            [pltpu.VMEM((B_PER_W,), jnp.int32)]
            + [vmem_row_buf] * (2 * SLOTS)
            + [pltpu.SemaphoreType.DMA] * (2 * SLOTS)
        ),
    )
    def emb(idx_hbm, table_hbm, out_hbm, idx_v,
            g0, g1, g2, s0, s1, s2,
            sem_g0, sem_g1, sem_g2, sem_s0, sem_s1, sem_s2):
        wid = lax.axis_index("s") * NC + lax.axis_index("c")
        base = wid * B_PER_W
        pltpu.sync_copy(idx_hbm.at[pl.ds(base, B_PER_W)], idx_v)

        gbufs = ((g0, sem_g0), (g1, sem_g1), (g2, sem_g2))
        sbufs = ((s0, sem_s0), (s1, sem_s1), (s2, sem_s2))

        def gather(gb, sem, g):
            return pltpu.make_async_copy(
                table_hbm.at[idx_v.at[pl.ds(g * C, C)]], gb, sem)

        def scatter(sb, sem, g):
            return pltpu.make_async_copy(
                sb, out_hbm.at[pl.ds(base + g * C, C)], sem)

        def scale(gb, sb):
            for r in range(C):
                @plsc.parallel_loop(0, D_MODEL // L, unroll=8)
                def _(i):
                    sl = pl.ds(i * L, L)
                    sb[r, sl] = gb[r, sl] * SCALE

        for s in range(SLOTS):
            gather(gbufs[s][0], gbufs[s][1], s).start()

        def round_body(p, carry):
            for s in range(SLOTS):
                g = SLOTS * p + s
                gb, sg = gbufs[s]
                sb, ss = sbufs[s]
                gather(gb, sg, 0).wait()
                @pl.when(p > 0)
                def _():
                    scatter(sb, ss, 0).wait()
                scale(gb, sb)
                scatter(sb, ss, g).start()
                @pl.when(g + SLOTS < N_CHUNKS)
                def _():
                    gather(gb, sg, g + SLOTS).start()
            return carry

        lax.fori_loop(0, N_ROUNDS, round_body, None)

        gather(g0, sem_g0, 0).wait()
        scatter(s0, sem_s0, 0).wait()
        scale(g0, s0)
        scatter(s0, sem_s0, N_CHUNKS - 1).start()

        for s in range(SLOTS):
            scatter(sbufs[s][0], sbufs[s][1], 0).wait()

    return emb


def kernel(x, embedding_table):
    b, s = x.shape
    x_flat = x.reshape(-1).astype(jnp.int32)
    out = _make_emb()(x_flat, embedding_table)
    return out.reshape(b, s, D_MODEL)

# --- scband reference (transcript-rebuilt; emitter-appended) ---
"""Pipeline reference for scband-input-embeddings-3521873182760 (READ-ONLY COPY).

The authoritative reference and input builder live on the scoring server;
editing this copy changes nothing except your own understanding.
"""

import jax, jax.numpy as jnp
import numpy as np

D_MODEL = 2048
VOCAB = 100000

def setup_inputs(seed: int = 0) -> dict:
    key = jax.random.key(seed)
    k1, k2 = jax.random.split(key)
    x = jax.random.randint(k1, (4, 4096), 0, VOCAB, dtype=jnp.int64) if jax.config.jax_enable_x64 else jax.random.randint(k1, (4, 4096), 0, VOCAB, dtype=jnp.int32)
    embedding_table = jax.random.normal(k2, (VOCAB, D_MODEL), dtype=jnp.float32) * 0.02
    return {"x": x, "embedding_table": embedding_table}

def reference(x, embedding_table):
    # Faithful translation of InputEmbeddings.__call__:
    # nnx.Embed lookup followed by sqrt(d_model) scaling.
    emb = jnp.take(embedding_table, x, axis=0)
    return emb * (D_MODEL ** 0.5)

if __name__ == "__main__":
    import jax
    _d = setup_inputs()
    print(jax.jit(kernel)(*tuple(_d.values())))

</pallas_src>

<mosaic_0001>
#map = affine_map<(d0, d1) -> (0)>
#map1 = affine_map<(d0, d1) -> (0, 0)>
module attributes {stable_mosaic.version = 14 : i64} {
  func.func @emb(%arg0: i32, %arg1: i32, %arg2: memref<16384xi32, #tpu.memory_space<hbm>>, %arg3: memref<100000x2048xf32, #tpu.memory_space<hbm>>, %arg4: memref<16384x2048xf32, #tpu.memory_space<hbm>>, %arg5: memref<512xi32, #tpu.memory_space<vmem>>, %arg6: memref<8x2048xf32, #tpu.memory_space<vmem>>, %arg7: memref<8x2048xf32, #tpu.memory_space<vmem>>, %arg8: memref<8x2048xf32, #tpu.memory_space<vmem>>, %arg9: memref<8x2048xf32, #tpu.memory_space<vmem>>, %arg10: memref<8x2048xf32, #tpu.memory_space<vmem>>, %arg11: memref<8x2048xf32, #tpu.memory_space<vmem>>, %arg12: memref<!tpu.dma_semaphore, #tpu.memory_space<semaphore_mem>>, %arg13: memref<!tpu.dma_semaphore, #tpu.memory_space<semaphore_mem>>, %arg14: memref<!tpu.dma_semaphore, #tpu.memory_space<semaphore_mem>>, %arg15: memref<!tpu.dma_semaphore, #tpu.memory_space<semaphore_mem>>, %arg16: memref<!tpu.dma_semaphore, #tpu.memory_space<semaphore_mem>>, %arg17: memref<!tpu.dma_semaphore, #tpu.memory_space<semaphore_mem>>) attributes {dimension_semantics = [#tpu.dimension_semantics<core_parallel>, #tpu.dimension_semantics<subcore_parallel>], iteration_bounds = array<i64: 2, 16>, scalar_prefetch = 0 : i64, scratch_operands = 13 : i64, tpu.core_type = #tpu.core_type<sc_vector_subcore>, window_params = [{transform_indices = #map}, {transform_indices = #map1}, {transform_indices = #map1}]} {
    %mul3A = arith.constant 2 : i32
    %mul3A_0 = arith.muli %arg1, %mul3A : i32
    %add3A = arith.addi %mul3A_0, %arg0 : i32
    %mul3A_1 = arith.constant 512 : i32
    %mul3A_2 = arith.muli %add3A, %mul3A_1 : i32
    "tpu.region"() ({
      %run_scoped3A = tpu.sem_alloc : memref<!tpu.dma_semaphore, #tpu.memory_space<semaphore_mem>>
      %dma_start3A_78 = tpu.memref_slice %arg2[%mul3A_2] : memref<16384xi32, #tpu.memory_space<hbm>> -> memref<512xi32, #tpu.memory_space<hbm>>
      %dma_start3A_79 = tpu.memref_slice %arg2[%mul3A_2] : memref<16384xi32, #tpu.memory_space<hbm>> -> memref<512xi32, #tpu.memory_space<hbm>>
      tpu.enqueue_dma source(%dma_start3A_79 : memref<512xi32, #tpu.memory_space<hbm>>) target(%arg5 : memref<512xi32, #tpu.memory_space<vmem>>) target_semaphore(%run_scoped3A : memref<!tpu.dma_semaphore, #tpu.memory_space<semaphore_mem>>)
      %dma_wait3A_80 = tpu.memref_slice %arg2[%mul3A_2] : memref<16384xi32, #tpu.memory_space<hbm>> -> memref<512xi32, #tpu.memory_space<hbm>>
      %dma_wait3A_81 = tpu.memref_slice %arg2[%mul3A_2] : memref<16384xi32, #tpu.memory_space<hbm>> -> memref<512xi32, #tpu.memory_space<hbm>>
      tpu.wait_dma2 semaphore(%run_scoped3A : memref<!tpu.dma_semaphore, #tpu.memory_space<semaphore_mem>>) src(%dma_wait3A_81 : memref<512xi32, #tpu.memory_space<hbm>>) dst(%arg5 : memref<512xi32, #tpu.memory_space<vmem>>)
      tpu.yield
    }) : () -> ()
    %dma_start3A = arith.constant 0 : i32
    %dma_start3A_3 = tpu.memref_slice %arg5[%dma_start3A] : memref<512xi32, #tpu.memory_space<vmem>> -> memref<8xi32, #tpu.memory_space<vmem>>
    %dma_start3A_4 = arith.constant 0 : i32
    %dma_start3A_5 = arith.constant 0 : i32
    %dma_start3A_6 = tpu.memref_slice %arg3[%dma_start3A_4, %dma_start3A_5] : memref<100000x2048xf32, #tpu.memory_space<hbm>> -> memref<100000x2048xf32, #tpu.memory_space<hbm>>
    tpu.enqueue_indirect_dma source(%dma_start3A_6 : memref<100000x2048xf32, #tpu.memory_space<hbm>>) target(%arg6 : memref<8x2048xf32, #tpu.memory_space<vmem>>) offsets(%dma_start3A_3 : memref<8xi32, #tpu.memory_space<vmem>>) semaphore(%arg12 : memref<!tpu.dma_semaphore, #tpu.memory_space<semaphore_mem>>)
    %dma_start3A_7 = arith.constant 8 : i32
    %dma_start3A_8 = tpu.memref_slice %arg5[%dma_start3A_7] : memref<512xi32, #tpu.memory_space<vmem>> -> memref<8xi32, #tpu.memory_space<vmem>>
    %dma_start3A_9 = arith.constant 0 : i32
    %dma_start3A_10 = arith.constant 0 : i32
    %dma_start3A_11 = tpu.memref_slice %arg3[%dma_start3A_9, %dma_start3A_10] : memref<100000x2048xf32, #tpu.memory_space<hbm>> -> memref<100000x2048xf32, #tpu.memory_space<hbm>>
    tpu.enqueue_indirect_dma source(%dma_start3A_11 : memref<100000x2048xf32, #tpu.memory_space<hbm>>) target(%arg7 : memref<8x2048xf32, #tpu.memory_space<vmem>>) offsets(%dma_start3A_8 : memref<8xi32, #tpu.memory_space<vmem>>) semaphore(%arg13 : memref<!tpu.dma_semaphore, #tpu.memory_space<semaphore_mem>>)
    %dma_start3A_12 = arith.constant 16 : i32
    %dma_start3A_13 = tpu.memref_slice %arg5[%dma_start3A_12] : memref<512xi32, #tpu.memory_space<vmem>> -> memref<8xi32, #tpu.memory_space<vmem>>
    %dma_start3A_14 = arith.constant 0 : i32
    %dma_start3A_15 = arith.constant 0 : i32
    %dma_start3A_16 = tpu.memref_slice %arg3[%dma_start3A_14, %dma_start3A_15] : memref<100000x2048xf32, #tpu.memory_space<hbm>> -> memref<100000x2048xf32, #tpu.memory_space<hbm>>
    tpu.enqueue_indirect_dma source(%dma_start3A_16 : memref<100000x2048xf32, #tpu.memory_space<hbm>>) target(%arg8 : memref<8x2048xf32, #tpu.memory_space<vmem>>) offsets(%dma_start3A_13 : memref<8xi32, #tpu.memory_space<vmem>>) semaphore(%arg14 : memref<!tpu.dma_semaphore, #tpu.memory_space<semaphore_mem>>)
    %scan3A = arith.constant 0 : i32
    %scan3A_17 = arith.constant 21 : i32
    %scan3A_18 = arith.addi %scan3A, %scan3A_17 : i32
    %scan3A_19 = arith.constant 1 : i32
    scf.for %scan3A_78 = %scan3A to %scan3A_18 step %scan3A_19  : i32 {
      %mul3A_79 = arith.constant 3 : i32
      %mul3A_80 = arith.muli %mul3A_79, %scan3A_78 : i32
      %add3A_81 = arith.constant 0 : i32
      %add3A_82 = arith.addi %mul3A_80, %add3A_81 : i32
      %dma_wait3A_83 = arith.constant 0 : i32
      %dma_wait3A_84 = tpu.memref_slice %arg5[%dma_wait3A_83] : memref<512xi32, #tpu.memory_space<vmem>> -> memref<8xi32, #tpu.memory_space<vmem>>
      %dma_wait3A_85 = arith.constant 0 : i32
      %dma_wait3A_86 = arith.constant 0 : i32
      %dma_wait3A_87 = tpu.memref_slice %arg3[%dma_wait3A_85, %dma_wait3A_86] : memref<100000x2048xf32, #tpu.memory_space<hbm>> -> memref<100000x2048xf32, #tpu.memory_space<hbm>>
      tpu.wait_indirect_dma semaphore(%arg12 : memref<!tpu.dma_semaphore, #tpu.memory_space<semaphore_mem>>) src(%dma_wait3A_87 : memref<100000x2048xf32, #tpu.memory_space<hbm>>) dst(%arg6 : memref<8x2048xf32, #tpu.memory_space<vmem>>)
      %gt3A = arith.constant 0 : i32
      %gt3A_88 = arith.cmpi sgt, %scan3A_78, %gt3A : i32
      %convert_element_type3A = arith.extui %gt3A_88 : i1 to i32
      %cond3A = arith.constant 0 : i32
      %cond3A_89 = arith.cmpi ne, %convert_element_type3A, %cond3A : i32
      scf.if %cond3A_89 {
        %add3A_231 = arith.constant 0 : i32
        %add3A_232 = arith.addi %mul3A_2, %add3A_231 : i32
        %dma_wait3A_233 = arith.constant 0 : i32
        %dma_wait3A_234 = tpu.memref_slice %arg4[%add3A_232, %dma_wait3A_233] : memref<16384x2048xf32, #tpu.memory_space<hbm>> -> memref<8x2048xf32, #tpu.memory_space<hbm>>
        %dma_wait3A_235 = arith.constant 0 : i32
        %dma_wait3A_236 = tpu.memref_slice %arg4[%add3A_232, %dma_wait3A_235] : memref<16384x2048xf32, #tpu.memory_space<hbm>> -> memref<8x2048xf32, #tpu.memory_space<hbm>>
        tpu.wait_dma2 semaphore(%arg15 : memref<!tpu.dma_semaphore, #tpu.memory_space<semaphore_mem>>) src(%arg9 : memref<8x2048xf32, #tpu.memory_space<vmem>>) dst(%dma_wait3A_236 : memref<8x2048xf32, #tpu.memory_space<hbm>>)
      } else {
      }
      %parallel_loop3A_90 = arith.constant 0 : i32
      %parallel_loop3A_91 = arith.constant 128 : i32
      %parallel_loop3A_92 = arith.constant 1 : i32
      scf.for %parallel_loop3A_231 = %parallel_loop3A_90 to %parallel_loop3A_91 step %parallel_loop3A_92  : i32 {
        %parallel_loop3A_232 = arith.constant 16 : i32
        %parallel_loop3A_233 = arith.muli %parallel_loop3A_231, %parallel_loop3A_232 : i32
        %parallel_loop3A_234 = arith.constant 0 : i32
        %parallel_loop3A_235 = arith.index_cast %parallel_loop3A_234 : i32 to index
        %parallel_loop3A_236 = arith.index_cast %parallel_loop3A_233 : i32 to index
        %parallel_loop3A_237 = tpu.vector_load %arg6[%parallel_loop3A_235, %parallel_loop3A_236] {strides = array<i32>} : memref<8x2048xf32, #tpu.memory_space<vmem>>, vector<1x16xf32>,
        %parallel_loop3A_238 = vector.shape_cast %parallel_loop3A_237 : vector<1x16xf32> to vector<16xf32>
        %parallel_loop3A_239 = arith.constant 45.2548332 : f32
        %parallel_loop3A_240 = vector.broadcast %parallel_loop3A_239 : f32 to vector<16xf32>
        %parallel_loop3A_241 = arith.mulf %parallel_loop3A_238, %parallel_loop3A_240 : vector<16xf32>
        %parallel_loop3A_242 = arith.constant 0 : i32
        %parallel_loop3A_243 = arith.index_cast %parallel_loop3A_242 : i32 to index
        %parallel_loop3A_244 = arith.index_cast %parallel_loop3A_233 : i32 to index
        %parallel_loop3A_245 = tpu.vector_load %arg9[%parallel_loop3A_243, %parallel_loop3A_244] {strides = array<i32>} : memref<8x2048xf32, #tpu.memory_space<vmem>>, vector<1x16xf32>,
        %parallel_loop3A_246 = vector.shape_cast %parallel_loop3A_245 : vector<1x16xf32> to vector<16xf32>
        %parallel_loop3A_247 = vector.shape_cast %parallel_loop3A_241 : vector<16xf32> to vector<1x16xf32>
        tpu.vector_store %arg9[%parallel_loop3A_243, %parallel_loop3A_244], %parallel_loop3A_247 {strides = array<i32>} : memref<8x2048xf32, #tpu.memory_space<vmem>>, vector<1x16xf32>,
      } {sc.loop_unroll_factor = 8 : i64, sc.parallel_access}
      %parallel_loop3A_93 = arith.constant 0 : i32
      %parallel_loop3A_94 = arith.constant 128 : i32
      %parallel_loop3A_95 = arith.constant 1 : i32
      scf.for %parallel_loop3A_231 = %parallel_loop3A_93 to %parallel_loop3A_94 step %parallel_loop3A_95  : i32 {
        %parallel_loop3A_232 = arith.constant 16 : i32
        %parallel_loop3A_233 = arith.muli %parallel_loop3A_231, %parallel_loop3A_232 : i32
        %parallel_loop3A_234 = arith.constant 1 : i32
        %parallel_loop3A_235 = arith.index_cast %parallel_loop3A_234 : i32 to index
        %parallel_loop3A_236 = arith.index_cast %parallel_loop3A_233 : i32 to index
        %parallel_loop3A_237 = tpu.vector_load %arg6[%parallel_loop3A_235, %parallel_loop3A_236] {strides = array<i32>} : memref<8x2048xf32, #tpu.memory_space<vmem>>, vector<1x16xf32>,
        %parallel_loop3A_238 = vector.shape_cast %parallel_loop3A_237 : vector<1x16xf32> to vector<16xf32>
        %parallel_loop3A_239 = arith.constant 45.2548332 : f32
        %parallel_loop3A_240 = vector.broadcast %parallel_loop3A_239 : f32 to vector<16xf32>
        %parallel_loop3A_241 = arith.mulf %parallel_loop3A_238, %parallel_loop3A_240 : vector<16xf32>
        %parallel_loop3A_242 = arith.constant 1 : i32
        %parallel_loop3A_243 = arith.index_cast %parallel_loop3A_242 : i32 to index
        %parallel_loop3A_244 = arith.index_cast %parallel_loop3A_233 : i32 to index
        %parallel_loop3A_245 = tpu.vector_load %arg9[%parallel_loop3A_243, %parallel_loop3A_244] {strides = array<i32>} : memref<8x2048xf32, #tpu.memory_space<vmem>>, vector<1x16xf32>,
        %parallel_loop3A_246 = vector.shape_cast %parallel_loop3A_245 : vector<1x16xf32> to vector<16xf32>
        %parallel_loop3A_247 = vector.shape_cast %parallel_loop3A_241 : vector<16xf32> to vector<1x16xf32>
        tpu.vector_store %arg9[%parallel_loop3A_243, %parallel_loop3A_244], %parallel_loop3A_247 {strides = array<i32>} : memref<8x2048xf32, #tpu.memory_space<vmem>>, vector<1x16xf32>,
      } {sc.loop_unroll_factor = 8 : i64, sc.parallel_access}
      %parallel_loop3A_96 = arith.constant 0 : i32
      %parallel_loop3A_97 = arith.constant 128 : i32
      %parallel_loop3A_98 = arith.constant 1 : i32
      scf.for %parallel_loop3A_231 = %parallel_loop3A_96 to %parallel_loop3A_97 step %parallel_loop3A_98  : i32 {
        %parallel_loop3A_232 = arith.constant 16 : i32
        %parallel_loop3A_233 = arith.muli %parallel_loop3A_231, %parallel_loop3A_232 : i32
        %parallel_loop3A_234 = arith.constant 2 : i32
        %parallel_loop3A_235 = arith.index_cast %parallel_loop3A_234 : i32 to index
        %parallel_loop3A_236 = arith.index_cast %parallel_loop3A_233 : i32 to index
        %parallel_loop3A_237 = tpu.vector_load %arg6[%parallel_loop3A_235, %parallel_loop3A_236] {strides = array<i32>} : memref<8x2048xf32, #tpu.memory_space<vmem>>, vector<1x16xf32>,
        %parallel_loop3A_238 = vector.shape_cast %parallel_loop3A_237 : vector<1x16xf32> to vector<16xf32>
        %parallel_loop3A_239 = arith.constant 45.2548332 : f32
        %parallel_loop3A_240 = vector.broadcast %parallel_loop3A_239 : f32 to vector<16xf32>
        %parallel_loop3A_241 = arith.mulf %parallel_loop3A_238, %parallel_loop3A_240 : vector<16xf32>
        %parallel_loop3A_242 = arith.constant 2 : i32
        %parallel_loop3A_243 = arith.index_cast %parallel_loop3A_242 : i32 to index
        %parallel_loop3A_244 = arith.index_cast %parallel_loop3A_233 : i32 to index
        %parallel_loop3A_245 = tpu.vector_load %arg9[%parallel_loop3A_243, %parallel_loop3A_244] {strides = array<i32>} : memref<8x2048xf32, #tpu.memory_space<vmem>>, vector<1x16xf32>,
        %parallel_loop3A_246 = vector.shape_cast %parallel_loop3A_245 : vector<1x16xf32> to vector<16xf32>
        %parallel_loop3A_247 = vector.shape_cast %parallel_loop3A_241 : vector<16xf32> to vector<1x16xf32>
        tpu.vector_store %arg9[%parallel_loop3A_243, %parallel_loop3A_244], %parallel_loop3A_247 {strides = array<i32>} : memref<8x2048xf32, #tpu.memory_space<vmem>>, vector<1x16xf32>,
      } {sc.loop_unroll_factor = 8 : i64, sc.parallel_access}
      %parallel_loop3A_99 = arith.constant 0 : i32
      %parallel_loop3A_100 = arith.constant 128 : i32
      %parallel_loop3A_101 = arith.constant 1 : i32
      scf.for %parallel_loop3A_231 = %parallel_loop3A_99 to %parallel_loop3A_100 step %parallel_loop3A_101  : i32 {
        %parallel_loop3A_232 = arith.constant 16 : i32
        %parallel_loop3A_233 = arith.muli %parallel_loop3A_231, %parallel_loop3A_232 : i32
        %parallel_loop3A_234 = arith.constant 3 : i32
        %parallel_loop3A_235 = arith.index_cast %parallel_loop3A_234 : i32 to index
        %parallel_loop3A_236 = arith.index_cast %parallel_loop3A_233 : i32 to index
        %parallel_loop3A_237 = tpu.vector_load %arg6[%parallel_loop3A_235, %parallel_loop3A_236] {strides = array<i32>} : memref<8x2048xf32, #tpu.memory_space<vmem>>, vector<1x16xf32>,
        %parallel_loop3A_238 = vector.shape_cast %parallel_loop3A_237 : vector<1x16xf32> to vector<16xf32>
        %parallel_loop3A_239 = arith.constant 45.2548332 : f32
        %parallel_loop3A_240 = vector.broadcast %parallel_loop3A_239 : f32 to vector<16xf32>
        %parallel_loop3A_241 = arith.mulf %parallel_loop3A_238, %parallel_loop3A_240 : vector<16xf32>
        %parallel_loop3A_242 = arith.constant 3 : i32
        %parallel_loop3A_243 = arith.index_cast %parallel_loop3A_242 : i32 to index
        %parallel_loop3A_244 = arith.index_cast %parallel_loop3A_233 : i32 to index
        %parallel_loop3A_245 = tpu.vector_load %arg9[%parallel_loop3A_243, %parallel_loop3A_244] {strides = array<i32>} : memref<8x2048xf32, #tpu.memory_space<vmem>>, vector<1x16xf32>,
        %parallel_loop3A_246 = vector.shape_cast %parallel_loop3A_245 : vector<1x16xf32> to vector<16xf32>
        %parallel_loop3A_247 = vector.shape_cast %parallel_loop3A_241 : vector<16xf32> to vector<1x16xf32>
        tpu.vector_store %arg9[%parallel_loop3A_243, %parallel_loop3A_244], %parallel_loop3A_247 {strides = array<i32>} : memref<8x2048xf32, #tpu.memory_space<vmem>>, vector<1x16xf32>,
      } {sc.loop_unroll_factor = 8 : i64, sc.parallel_access}
      %parallel_loop3A_102 = arith.constant 0 : i32
      %parallel_loop3A_103 = arith.constant 128 : i32
      %parallel_loop3A_104 = arith.constant 1 : i32
      scf.for %parallel_loop3A_231 = %parallel_loop3A_102 to %parallel_loop3A_103 step %parallel_loop3A_104  : i32 {
        %parallel_loop3A_232 = arith.constant 16 : i32
        %parallel_loop3A_233 = arith.muli %parallel_loop3A_231, %parallel_loop3A_232 : i32
        %parallel_loop3A_234 = arith.constant 4 : i32
        %parallel_loop3A_235 = arith.index_cast %parallel_loop3A_234 : i32 to index
        %parallel_loop3A_236 = arith.index_cast %parallel_loop3A_233 : i32 to index
        %parallel_loop3A_237 = tpu.vector_load %arg6[%parallel_loop3A_235, %parallel_loop3A_236] {strides = array<i32>} : memref<8x2048xf32, #tpu.memory_space<vmem>>, vector<1x16xf32>,
        %parallel_loop3A_238 = vector.shape_cast %parallel_loop3A_237 : vector<1x16xf32> to vector<16xf32>
        %parallel_loop3A_239 = arith.constant 45.2548332 : f32
        %parallel_loop3A_240 = vector.broadcast %parallel_loop3A_239 : f32 to vector<16xf32>
        %parallel_loop3A_241 = arith.mulf %parallel_loop3A_238, %parallel_loop3A_240 : vector<16xf32>
        %parallel_loop3A_242 = arith.constant 4 : i32
        %parallel_loop3A_243 = arith.index_cast %parallel_loop3A_242 : i32 to index
        %parallel_loop3A_244 = arith.index_cast %parallel_loop3A_233 : i32 to index
        %parallel_loop3A_245 = tpu.vector_load %arg9[%parallel_loop3A_243, %parallel_loop3A_244] {strides = array<i32>} : memref<8x2048xf32, #tpu.memory_space<vmem>>, vector<1x16xf32>,
        %parallel_loop3A_246 = vector.shape_cast %parallel_loop3A_245 : vector<1x16xf32> to vector<16xf32>
        %parallel_loop3A_247 = vector.shape_cast %parallel_loop3A_241 : vector<16xf32> to vector<1x16xf32>
        tpu.vector_store %arg9[%parallel_loop3A_243, %parallel_loop3A_244], %parallel_loop3A_247 {strides = array<i32>} : memref<8x2048xf32, #tpu.memory_space<vmem>>, vector<1x16xf32>,
      } {sc.loop_unroll_factor = 8 : i64, sc.parallel_access}
      %parallel_loop3A_105 = arith.constant 0 : i32
      %parallel_loop3A_106 = arith.constant 128 : i32
      %parallel_loop3A_107 = arith.constant 1 : i32
      scf.for %parallel_loop3A_231 = %parallel_loop3A_105 to %parallel_loop3A_106 step %parallel_loop3A_107  : i32 {
        %parallel_loop3A_232 = arith.constant 16 : i32
        %parallel_loop3A_233 = arith.muli %parallel_loop3A_231, %parallel_loop3A_232 : i32
        %parallel_loop3A_234 = arith.constant 5 : i32
        %parallel_loop3A_235 = arith.index_cast %parallel_loop3A_234 : i32 to index
        %parallel_loop3A_236 = arith.index_cast %parallel_loop3A_233 : i32 to index
        %parallel_loop3A_237 = tpu.vector_load %arg6[%parallel_loop3A_235, %parallel_loop3A_236] {strides = array<i32>} : memref<8x2048xf32, #tpu.memory_space<vmem>>, vector<1x16xf32>,
        %parallel_loop3A_238 = vector.shape_cast %parallel_loop3A_237 : vector<1x16xf32> to vector<16xf32>
        %parallel_loop3A_239 = arith.constant 45.2548332 : f32
        %parallel_loop3A_240 = vector.broadcast %parallel_loop3A_239 : f32 to vector<16xf32>
        %parallel_loop3A_241 = arith.mulf %parallel_loop3A_238, %parallel_loop3A_240 : vector<16xf32>
        %parallel_loop3A_242 = arith.constant 5 : i32
        %parallel_loop3A_243 = arith.index_cast %parallel_loop3A_242 : i32 to index
        %parallel_loop3A_244 = arith.index_cast %parallel_loop3A_233 : i32 to index
        %parallel_loop3A_245 = tpu.vector_load %arg9[%parallel_loop3A_243, %parallel_loop3A_244] {strides = array<i32>} : memref<8x2048xf32, #tpu.memory_space<vmem>>, vector<1x16xf32>,
        %parallel_loop3A_246 = vector.shape_cast %parallel_loop3A_245 : vector<1x16xf32> to vector<16xf32>
        %parallel_loop3A_247 = vector.shape_cast %parallel_loop3A_241 : vector<16xf32> to vector<1x16xf32>
        tpu.vector_store %arg9[%parallel_loop3A_243, %parallel_loop3A_244], %parallel_loop3A_247 {strides = array<i32>} : memref<8x2048xf32, #tpu.memory_space<vmem>>, vector<1x16xf32>,
      } {sc.loop_unroll_factor = 8 : i64, sc.parallel_access}
      %parallel_loop3A_108 = arith.constant 0 : i32
      %parallel_loop3A_109 = arith.constant 128 : i32
      %parallel_loop3A_110 = arith.constant 1 : i32
      scf.for %parallel_loop3A_231 = %parallel_loop3A_108 to %parallel_loop3A_109 step %parallel_loop3A_110  : i32 {
        %parallel_loop3A_232 = arith.constant 16 : i32
        %parallel_loop3A_233 = arith.muli %parallel_loop3A_231, %parallel_loop3A_232 : i32
        %parallel_loop3A_234 = arith.constant 6 : i32
        %parallel_loop3A_235 = arith.index_cast %parallel_loop3A_234 : i32 to index
        %parallel_loop3A_236 = arith.index_cast %parallel_loop3A_233 : i32 to index
        %parallel_loop3A_237 = tpu.vector_load %arg6[%parallel_loop3A_235, %parallel_loop3A_236] {strides = array<i32>} : memref<8x2048xf32, #tpu.memory_space<vmem>>, vector<1x16xf32>,
        %parallel_loop3A_238 = vector.shape_cast %parallel_loop3A_237 : vector<1x16xf32> to vector<16xf32>
        %parallel_loop3A_239 = arith.constant 45.2548332 : f32
        %parallel_loop3A_240 = vector.broadcast %parallel_loop3A_239 : f32 to vector<16xf32>
        %parallel_loop3A_241 = arith.mulf %parallel_loop3A_238, %parallel_loop3A_240 : vector<16xf32>
        %parallel_loop3A_242 = arith.constant 6 : i32
        %parallel_loop3A_243 = arith.index_cast %parallel_loop3A_242 : i32 to index
        %parallel_loop3A_244 = arith.index_cast %parallel_loop3A_233 : i32 to index
        %parallel_loop3A_245 = tpu.vector_load %arg9[%parallel_loop3A_243, %parallel_loop3A_244] {strides = array<i32>} : memref<8x2048xf32, #tpu.memory_space<vmem>>, vector<1x16xf32>,
        %parallel_loop3A_246 = vector.shape_cast %parallel_loop3A_245 : vector<1x16xf32> to vector<16xf32>
        %parallel_loop3A_247 = vector.shape_cast %parallel_loop3A_241 : vector<16xf32> to vector<1x16xf32>
        tpu.vector_store %arg9[%parallel_loop3A_243, %parallel_loop3A_244], %parallel_loop3A_247 {strides = array<i32>} : memref<8x2048xf32, #tpu.memory_space<vmem>>, vector<1x16xf32>,
      } {sc.loop_unroll_factor = 8 : i64, sc.parallel_access}
      %parallel_loop3A_111 = arith.constant 0 : i32
      %parallel_loop3A_112 = arith.constant 128 : i32
      %parallel_loop3A_113 = arith.constant 1 : i32
      scf.for %parallel_loop3A_231 = %parallel_loop3A_111 to %parallel_loop3A_112 step %parallel_loop3A_113  : i32 {
        %parallel_loop3A_232 = arith.constant 16 : i32
        %parallel_loop3A_233 = arith.muli %parallel_loop3A_231, %parallel_loop3A_232 : i32
        %parallel_loop3A_234 = arith.constant 7 : i32
        %parallel_loop3A_235 = arith.index_cast %parallel_loop3A_234 : i32 to index
        %parallel_loop3A_236 = arith.index_cast %parallel_loop3A_233 : i32 to index
        %parallel_loop3A_237 = tpu.vector_load %arg6[%parallel_loop3A_235, %parallel_loop3A_236] {strides = array<i32>} : memref<8x2048xf32, #tpu.memory_space<vmem>>, vector<1x16xf32>,
        %parallel_loop3A_238 = vector.shape_cast %parallel_loop3A_237 : vector<1x16xf32> to vector<16xf32>
        %parallel_loop3A_239 = arith.constant 45.2548332 : f32
        %parallel_loop3A_240 = vector.broadcast %parallel_loop3A_239 : f32 to vector<16xf32>
        %parallel_loop3A_241 = arith.mulf %parallel_loop3A_238, %parallel_loop3A_240 : vector<16xf32>
        %parallel_loop3A_242 = arith.constant 7 : i32
        %parallel_loop3A_243 = arith.index_cast %parallel_loop3A_242 : i32 to index
        %parallel_loop3A_244 = arith.index_cast %parallel_loop3A_233 : i32 to index
        %parallel_loop3A_245 = tpu.vector_load %arg9[%parallel_loop3A_243, %parallel_loop3A_244] {strides = array<i32>} : memref<8x2048xf32, #tpu.memory_space<vmem>>, vector<1x16xf32>,
        %parallel_loop3A_246 = vector.shape_cast %parallel_loop3A_245 : vector<1x16xf32> to vector<16xf32>
        %parallel_loop3A_247 = vector.shape_cast %parallel_loop3A_241 : vector<16xf32> to vector<1x16xf32>
        tpu.vector_store %arg9[%parallel_loop3A_243, %parallel_loop3A_244], %parallel_loop3A_247 {strides = array<i32>} : memref<8x2048xf32, #tpu.memory_space<vmem>>, vector<1x16xf32>,
      } {sc.loop_unroll_factor = 8 : i64, sc.parallel_access}
      %mul3A_114 = arith.constant 8 : i32
      %mul3A_115 = arith.muli %add3A_82, %mul3A_114 : i32
      %add3A_116 = arith.addi %mul3A_2, %mul3A_115 : i32
      %dma_start3A_117 = arith.constant 0 : i32
      %dma_start3A_118 = tpu.memref_slice %arg4[%add3A_116, %dma_start3A_117] : memref<16384x2048xf32, #tpu.memory_space<hbm>> -> memref<8x2048xf32, #tpu.memory_space<hbm>>
      %dma_start3A_119 = arith.constant 0 : i32
      %dma_start3A_120 = tpu.memref_slice %arg4[%add3A_116, %dma_start3A_119] : memref<16384x2048xf32, #tpu.memory_space<hbm>> -> memref<8x2048xf32, #tpu.memory_space<hbm>>
      tpu.enqueue_dma source(%arg9 : memref<8x2048xf32, #tpu.memory_space<vmem>>) target(%dma_start3A_120 : memref<8x2048xf32, #tpu.memory_space<hbm>>) target_semaphore(%arg15 : memref<!tpu.dma_semaphore, #tpu.memory_space<semaphore_mem>>)
      %add3A_121 = arith.constant 3 : i32
      %add3A_122 = arith.addi %add3A_82, %add3A_121 : i32
      %lt3A = arith.constant 64 : i32
      %lt3A_123 = arith.cmpi slt, %add3A_122, %lt3A : i32
      %convert_element_type3A_124 = arith.extui %lt3A_123 : i1 to i32
      %cond3A_125 = arith.constant 0 : i32
      %cond3A_126 = arith.cmpi ne, %convert_element_type3A_124, %cond3A_125 : i32
      scf.if %cond3A_126 {
        %add3A_231 = arith.constant 3 : i32
        %add3A_232 = arith.addi %add3A_82, %add3A_231 : i32
        %mul3A_233 = arith.constant 8 : i32
        %mul3A_234 = arith.muli %add3A_232, %mul3A_233 : i32
        %dma_start3A_235 = tpu.memref_slice %arg5[%mul3A_234] : memref<512xi32, #tpu.memory_space<vmem>> -> memref<8xi32, #tpu.memory_space<vmem>>
        %dma_start3A_236 = arith.constant 0 : i32
        %dma_start3A_237 = arith.constant 0 : i32
        %dma_start3A_238 = tpu.memref_slice %arg3[%dma_start3A_236, %dma_start3A_237] : memref<100000x2048xf32, #tpu.memory_space<hbm>> -> memref<100000x2048xf32, #tpu.memory_space<hbm>>
        tpu.enqueue_indirect_dma source(%dma_start3A_238 : memref<100000x2048xf32, #tpu.memory_space<hbm>>) target(%arg6 : memref<8x2048xf32, #tpu.memory_space<vmem>>) offsets(%dma_start3A_235 : memref<8xi32, #tpu.memory_space<vmem>>) semaphore(%arg12 : memref<!tpu.dma_semaphore, #tpu.memory_space<semaphore_mem>>)
      } else {
      }
      %mul3A_127 = arith.constant 3 : i32
      %mul3A_128 = arith.muli %mul3A_127, %scan3A_78 : i32
      %add3A_129 = arith.constant 1 : i32
      %add3A_130 = arith.addi %mul3A_128, %add3A_129 : i32
      %dma_wait3A_131 = arith.constant 0 : i32
      %dma_wait3A_132 = tpu.memref_slice %arg5[%dma_wait3A_131] : memref<512xi32, #tpu.memory_space<vmem>> -> memref<8xi32, #tpu.memory_space<vmem>>
      %dma_wait3A_133 = arith.constant 0 : i32
      %dma_wait3A_134 = arith.constant 0 : i32
      %dma_wait3A_135 = tpu.memref_slice %arg3[%dma_wait3A_133, %dma_wait3A_134] : memref<100000x2048xf32, #tpu.memory_space<hbm>> -> memref<100000x2048xf32, #tpu.memory_space<hbm>>
      tpu.wait_indirect_dma semaphore(%arg13 : memref<!tpu.dma_semaphore, #tpu.memory_space<semaphore_mem>>) src(%dma_wait3A_135 : memref<100000x2048xf32, #tpu.memory_space<hbm>>) dst(%arg7 : memref<8x2048xf32, #tpu.memory_space<vmem>>)
      %gt3A_136 = arith.constant 0 : i32
      %gt3A_137 = arith.cmpi sgt, %scan3A_78, %gt3A_136 : i32
      %convert_element_type3A_138 = arith.extui %gt3A_137 : i1 to i32
      %cond3A_139 = arith.constant 0 : i32
      %cond3A_140 = arith.cmpi ne, %convert_element_type3A_138, %cond3A_139 : i32
      scf.if %cond3A_140 {
        %add3A_231 = arith.constant 0 : i32
        %add3A_232 = arith.addi %mul3A_2, %add3A_231 : i32
        %dma_wait3A_233 = arith.constant 0 : i32
        %dma_wait3A_234 = tpu.memref_slice %arg4[%add3A_232, %dma_wait3A_233] : memref<16384x2048xf32, #tpu.memory_space<hbm>> -> memref<8x2048xf32, #tpu.memory_space<hbm>>
        %dma_wait3A_235 = arith.constant 0 : i32
        %dma_wait3A_236 = tpu.memref_slice %arg4[%add3A_232, %dma_wait3A_235] : memref<16384x2048xf32, #tpu.memory_space<hbm>> -> memref<8x2048xf32, #tpu.memory_space<hbm>>
        tpu.wait_dma2 semaphore(%arg16 : memref<!tpu.dma_semaphore, #tpu.memory_space<semaphore_mem>>) src(%arg10 : memref<8x2048xf32, #tpu.memory_space<vmem>>) dst(%dma_wait3A_236 : memref<8x2048xf32, #tpu.memory_space<hbm>>)
      } else {
      }
      %parallel_loop3A_141 = arith.constant 0 : i32
      %parallel_loop3A_142 = arith.constant 128 : i32
      %parallel_loop3A_143 = arith.constant 1 : i32
      scf.for %parallel_loop3A_231 = %parallel_loop3A_141 to %parallel_loop3A_142 step %parallel_loop3A_143  : i32 {
        %parallel_loop3A_232 = arith.constant 16 : i32
        %parallel_loop3A_233 = arith.muli %parallel_loop3A_231, %parallel_loop3A_232 : i32
        %parallel_loop3A_234 = arith.constant 0 : i32
        %parallel_loop3A_235 = arith.index_cast %parallel_loop3A_234 : i32 to index
        %parallel_loop3A_236 = arith.index_cast %parallel_loop3A_233 : i32 to index
        %parallel_loop3A_237 = tpu.vector_load %arg7[%parallel_loop3A_235, %parallel_loop3A_236] {strides = array<i32>} : memref<8x2048xf32, #tpu.memory_space<vmem>>, vector<1x16xf32>,
        %parallel_loop3A_238 = vector.shape_cast %parallel_loop3A_237 : vector<1x16xf32> to vector<16xf32>
        %parallel_loop3A_239 = arith.constant 45.2548332 : f32
        %parallel_loop3A_240 = vector.broadcast %parallel_loop3A_239 : f32 to vector<16xf32>
        %parallel_loop3A_241 = arith.mulf %parallel_loop3A_238, %parallel_loop3A_240 : vector<16xf32>
        %parallel_loop3A_242 = arith.constant 0 : i32
        %parallel_loop3A_243 = arith.index_cast %parallel_loop3A_242 : i32 to index
        %parallel_loop3A_244 = arith.index_cast %parallel_loop3A_233 : i32 to index
        %parallel_loop3A_245 = tpu.vector_load %arg10[%parallel_loop3A_243, %parallel_loop3A_244] {strides = array<i32>} : memref<8x2048xf32, #tpu.memory_space<vmem>>, vector<1x16xf32>,
        %parallel_loop3A_246 = vector.shape_cast %parallel_loop3A_245 : vector<1x16xf32> to vector<16xf32>
        %parallel_loop3A_247 = vector.shape_cast %parallel_loop3A_241 : vector<16xf32> to vector<1x16xf32>
        tpu.vector_store %arg10[%parallel_loop3A_243, %parallel_loop3A_244], %parallel_loop3A_247 {strides = array<i32>} : memref<8x2048xf32, #tpu.memory_space<vmem>>, vector<1x16xf32>,
      } {sc.loop_unroll_factor = 8 : i64, sc.parallel_access}
      %parallel_loop3A_144 = arith.constant 0 : i32
      %parallel_loop3A_145 = arith.constant 128 : i32
      %parallel_loop3A_146 = arith.constant 1 : i32
      scf.for %parallel_loop3A_231 = %parallel_loop3A_144 to %parallel_loop3A_145 step %parallel_loop3A_146  : i32 {
        %parallel_loop3A_232 = arith.constant 16 : i32
        %parallel_loop3A_233 = arith.muli %parallel_loop3A_231, %parallel_loop3A_232 : i32
        %parallel_loop3A_234 = arith.constant 1 : i32
        %parallel_loop3A_235 = arith.index_cast %parallel_loop3A_234 : i32 to index
        %parallel_loop3A_236 = arith.index_cast %parallel_loop3A_233 : i32 to index
        %parallel_loop3A_237 = tpu.vector_load %arg7[%parallel_loop3A_235, %parallel_loop3A_236] {strides = array<i32>} : memref<8x2048xf32, #tpu.memory_space<vmem>>, vector<1x16xf32>,
        %parallel_loop3A_238 = vector.shape_cast %parallel_loop3A_237 : vector<1x16xf32> to vector<16xf32>
        %parallel_loop3A_239 = arith.constant 45.2548332 : f32
        %parallel_loop3A_240 = vector.broadcast %parallel_loop3A_239 : f32 to vector<16xf32>
        %parallel_loop3A_241 = arith.mulf %parallel_loop3A_238, %parallel_loop3A_240 : vector<16xf32>
        %parallel_loop3A_242 = arith.constant 1 : i32
        %parallel_loop3A_243 = arith.index_cast %parallel_loop3A_242 : i32 to index
        %parallel_loop3A_244 = arith.index_cast %parallel_loop3A_233 : i32 to index
        %parallel_loop3A_245 = tpu.vector_load %arg10[%parallel_loop3A_243, %parallel_loop3A_244] {strides = array<i32>} : memref<8x2048xf32, #tpu.memory_space<vmem>>, vector<1x16xf32>,
        %parallel_loop3A_246 = vector.shape_cast %parallel_loop3A_245 : vector<1x16xf32> to vector<16xf32>
        %parallel_loop3A_247 = vector.shape_cast %parallel_loop3A_241 : vector<16xf32> to vector<1x16xf32>
        tpu.vector_store %arg10[%parallel_loop3A_243, %parallel_loop3A_244], %parallel_loop3A_247 {strides = array<i32>} : memref<8x2048xf32, #tpu.memory_space<vmem>>, vector<1x16xf32>,
      } {sc.loop_unroll_factor = 8 : i64, sc.parallel_access}
      %parallel_loop3A_147 = arith.constant 0 : i32
      %parallel_loop3A_148 = arith.constant 128 : i32
      %parallel_loop3A_149 = arith.constant 1 : i32
      scf.for %parallel_loop3A_231 = %parallel_loop3A_147 to %parallel_loop3A_148 step %parallel_loop3A_149  : i32 {
        %parallel_loop3A_232 = arith.constant 16 : i32
        %parallel_loop3A_233 = arith.muli %parallel_loop3A_231, %parallel_loop3A_232 : i32
        %parallel_loop3A_234 = arith.constant 2 : i32
        %parallel_loop3A_235 = arith.index_cast %parallel_loop3A_234 : i32 to index
        %parallel_loop3A_236 = arith.index_cast %parallel_loop3A_233 : i32 to index
        %parallel_loop3A_237 = tpu.vector_load %arg7[%parallel_loop3A_235, %parallel_loop3A_236] {strides = array<i32>} : memref<8x2048xf32, #tpu.memory_space<vmem>>, vector<1x16xf32>,
        %parallel_loop3A_238 = vector.shape_cast %parallel_loop3A_237 : vector<1x16xf32> to vector<16xf32>
        %parallel_loop3A_239 = arith.constant 45.2548332 : f32
        %parallel_loop3A_240 = vector.broadcast %parallel_loop3A_239 : f32 to vector<16xf32>
        %parallel_loop3A_241 = arith.mulf %parallel_loop3A_238, %parallel_loop3A_240 : vector<16xf32>
        %parallel_loop3A_242 = arith.constant 2 : i32
        %parallel_loop3A_243 = arith.index_cast %parallel_loop3A_242 : i32 to index
        %parallel_loop3A_244 = arith.index_cast %parallel_loop3A_233 : i32 to index
        %parallel_loop3A_245 = tpu.vector_load %arg10[%parallel_loop3A_243, %parallel_loop3A_244] {strides = array<i32>} : memref<8x2048xf32, #tpu.memory_space<vmem>>, vector<1x16xf32>,
        %parallel_loop3A_246 = vector.shape_cast %parallel_loop3A_245 : vector<1x16xf32> to vector<16xf32>
        %parallel_loop3A_247 = vector.shape_cast %parallel_loop3A_241 : vector<16xf32> to vector<1x16xf32>
        tpu.vector_store %arg10[%parallel_loop3A_243, %parallel_loop3A_244], %parallel_loop3A_247 {strides = array<i32>} : memref<8x2048xf32, #tpu.memory_space<vmem>>, vector<1x16xf32>,
      } {sc.loop_unroll_factor = 8 : i64, sc.parallel_access}
      %parallel_loop3A_150 = arith.constant 0 : i32
      %parallel_loop3A_151 = arith.constant 128 : i32
      %parallel_loop3A_152 = arith.constant 1 : i32
      scf.for %parallel_loop3A_231 = %parallel_loop3A_150 to %parallel_loop3A_151 step %parallel_loop3A_152  : i32 {
        %parallel_loop3A_232 = arith.constant 16 : i32
        %parallel_loop3A_233 = arith.muli %parallel_loop3A_231, %parallel_loop3A_232 : i32
        %parallel_loop3A_234 = arith.constant 3 : i32
        %parallel_loop3A_235 = arith.index_cast %parallel_loop3A_234 : i32 to index
        %parallel_loop3A_236 = arith.index_cast %parallel_loop3A_233 : i32 to index
        %parallel_loop3A_237 = tpu.vector_load %arg7[%parallel_loop3A_235, %parallel_loop3A_236] {strides = array<i32>} : memref<8x2048xf32, #tpu.memory_space<vmem>>, vector<1x16xf32>,
        %parallel_loop3A_238 = vector.shape_cast %parallel_loop3A_237 : vector<1x16xf32> to vector<16xf32>
        %parallel_loop3A_239 = arith.constant 45.2548332 : f32
        %parallel_loop3A_240 = vector.broadcast %parallel_loop3A_239 : f32 to vector<16xf32>
        %parallel_loop3A_241 = arith.mulf %parallel_loop3A_238, %parallel_loop3A_240 : vector<16xf32>
        %parallel_loop3A_242 = arith.constant 3 : i32
        %parallel_loop3A_243 = arith.index_cast %parallel_loop3A_242 : i32 to index
        %parallel_loop3A_244 = arith.index_cast %parallel_loop3A_233 : i32 to index
        %parallel_loop3A_245 = tpu.vector_load %arg10[%parallel_loop3A_243, %parallel_loop3A_244] {strides = array<i32>} : memref<8x2048xf32, #tpu.memory_space<vmem>>, vector<1x16xf32>,
        %parallel_loop3A_246 = vector.shape_cast %parallel_loop3A_245 : vector<1x16xf32> to vector<16xf32>
        %parallel_loop3A_247 = vector.shape_cast %parallel_loop3A_241 : vector<16xf32> to vector<1x16xf32>
        tpu.vector_store %arg10[%parallel_loop3A_243, %parallel_loop3A_244], %parallel_loop3A_247 {strides = array<i32>} : memref<8x2048xf32, #tpu.memory_space<vmem>>, vector<1x16xf32>,
      } {sc.loop_unroll_factor = 8 : i64, sc.parallel_access}
      %parallel_loop3A_153 = arith.constant 0 : i32
      %parallel_loop3A_154 = arith.constant 128 : i32
      %parallel_loop3A_155 = arith.constant 1 : i32
      scf.for %parallel_loop3A_231 = %parallel_loop3A_153 to %parallel_loop3A_154 step %parallel_loop3A_155  : i32 {
        %parallel_loop3A_232 = arith.constant 16 : i32
        %parallel_loop3A_233 = arith.muli %parallel_loop3A_231, %parallel_loop3A_232 : i32
        %parallel_loop3A_234 = arith.constant 4 : i32
        %parallel_loop3A_235 = arith.index_cast %parallel_loop3A_234 : i32 to index
        %parallel_loop3A_236 = arith.index_cast %parallel_loop3A_233 : i32 to index
        %parallel_loop3A_237 = tpu.vector_load %arg7[%parallel_loop3A_235, %parallel_loop3A_236] {strides = array<i32>} : memref<8x2048xf32, #tpu.memory_space<vmem>>, vector<1x16xf32>,
        %parallel_loop3A_238 = vector.shape_cast %parallel_loop3A_237 : vector<1x16xf32> to vector<16xf32>
        %parallel_loop3A_239 = arith.constant 45.2548332 : f32
        %parallel_loop3A_240 = vector.broadcast %parallel_loop3A_239 : f32 to vector<16xf32>
        %parallel_loop3A_241 = arith.mulf %parallel_loop3A_238, %parallel_loop3A_240 : vector<16xf32>
        %parallel_loop3A_242 = arith.constant 4 : i32
        %parallel_loop3A_243 = arith.index_cast %parallel_loop3A_242 : i32 to index
        %parallel_loop3A_244 = arith.index_cast %parallel_loop3A_233 : i32 to index
        %parallel_loop3A_245 = tpu.vector_load %arg10[%parallel_loop3A_243, %parallel_loop3A_244] {strides = array<i32>} : memref<8x2048xf32, #tpu.memory_space<vmem>>, vector<1x16xf32>,
        %parallel_loop3A_246 = vector.shape_cast %parallel_loop3A_245 : vector<1x16xf32> to vector<16xf32>
        %parallel_loop3A_247 = vector.shape_cast %parallel_loop3A_241 : vector<16xf32> to vector<1x16xf32>
        tpu.vector_store %arg10[%parallel_loop3A_243, %parallel_loop3A_244], %parallel_loop3A_247 {strides = array<i32>} : memref<8x2048xf32, #tpu.memory_space<vmem>>, vector<1x16xf32>,
      } {sc.loop_unroll_factor = 8 : i64, sc.parallel_access}
      %parallel_loop3A_156 = arith.constant 0 : i32
      %parallel_loop3A_157 = arith.constant 128 : i32
      %parallel_loop3A_158 = arith.constant 1 : i32
      scf.for %parallel_loop3A_231 = %parallel_loop3A_156 to %parallel_loop3A_157 step %parallel_loop3A_158  : i32 {
        %parallel_loop3A_232 = arith.constant 16 : i32
        %parallel_loop3A_233 = arith.muli %parallel_loop3A_231, %parallel_loop3A_232 : i32
        %parallel_loop3A_234 = arith.constant 5 : i32
        %parallel_loop3A_235 = arith.index_cast %parallel_loop3A_234 : i32 to index
        %parallel_loop3A_236 = arith.index_cast %parallel_loop3A_233 : i32 to index
        %parallel_loop3A_237 = tpu.vector_load %arg7[%parallel_loop3A_235, %parallel_loop3A_236] {strides = array<i32>} : memref<8x2048xf32, #tpu.memory_space<vmem>>, vector<1x16xf32>,
        %parallel_loop3A_238 = vector.shape_cast %parallel_loop3A_237 : vector<1x16xf32> to vector<16xf32>
        %parallel_loop3A_239 = arith.constant 45.2548332 : f32
        %parallel_loop3A_240 = vector.broadcast %parallel_loop3A_239 : f32 to vector<16xf32>
        %parallel_loop3A_241 = arith.mulf %parallel_loop3A_238, %parallel_loop3A_240 : vector<16xf32>
        %parallel_loop3A_242 = arith.constant 5 : i32
        %parallel_loop3A_243 = arith.index_cast %parallel_loop3A_242 : i32 to index
        %parallel_loop3A_244 = arith.index_cast %parallel_loop3A_233 : i32 to index
        %parallel_loop3A_245 = tpu.vector_load %arg10[%parallel_loop3A_243, %parallel_loop3A_244] {strides = array<i32>} : memref<8x2048xf32, #tpu.memory_space<vmem>>, vector<1x16xf32>,
        %parallel_loop3A_246 = vector.shape_cast %parallel_loop3A_245 : vector<1x16xf32> to vector<16xf32>
        %parallel_loop3A_247 = vector.shape_cast %parallel_loop3A_241 : vector<16xf32> to vector<1x16xf32>
        tpu.vector_store %arg10[%parallel_loop3A_243, %parallel_loop3A_244], %parallel_loop3A_247 {strides = array<i32>} : memref<8x2048xf32, #tpu.memory_space<vmem>>, vector<1x16xf32>,
      } {sc.loop_unroll_factor = 8 : i64, sc.parallel_access}
      %parallel_loop3A_159 = arith.constant 0 : i32
      %parallel_loop3A_160 = arith.constant 128 : i32
      %parallel_loop3A_161 = arith.constant 1 : i32
      scf.for %parallel_loop3A_231 = %parallel_loop3A_159 to %parallel_loop3A_160 step %parallel_loop3A_161  : i32 {
        %parallel_loop3A_232 = arith.constant 16 : i32
        %parallel_loop3A_233 = arith.muli %parallel_loop3A_231, %parallel_loop3A_232 : i32
        %parallel_loop3A_234 = arith.constant 6 : i32
        %parallel_loop3A_235 = arith.index_cast %parallel_loop3A_234 : i32 to index
        %parallel_loop3A_236 = arith.index_cast %parallel_loop3A_233 : i32 to index
        %parallel_loop3A_237 = tpu.vector_load %arg7[%parallel_loop3A_235, %parallel_loop3A_236] {strides = array<i32>} : memref<8x2048xf32, #tpu.memory_space<vmem>>, vector<1x16xf32>,
        %parallel_loop3A_238 = vector.shape_cast %parallel_loop3A_237 : vector<1x16xf32> to vector<16xf32>
        %parallel_loop3A_239 = arith.constant 45.2548332 : f32
        %parallel_loop3A_240 = vector.broadcast %parallel_loop3A_239 : f32 to vector<16xf32>
        %parallel_loop3A_241 = arith.mulf %parallel_loop3A_238, %parallel_loop3A_240 : vector<16xf32>
        %parallel_loop3A_242 = arith.constant 6 : i32
        %parallel_loop3A_243 = arith.index_cast %parallel_loop3A_242 : i32 to index
        %parallel_loop3A_244 = arith.index_cast %parallel_loop3A_233 : i32 to index
        %parallel_loop3A_245 = tpu.vector_load %arg10[%parallel_loop3A_243, %parallel_loop3A_244] {strides = array<i32>} : memref<8x2048xf32, #tpu.memory_space<vmem>>, vector<1x16xf32>,
        %parallel_loop3A_246 = vector.shape_cast %parallel_loop3A_245 : vector<1x16xf32> to vector<16xf32>
        %parallel_loop3A_247 = vector.shape_cast %parallel_loop3A_241 : vector<16xf32> to vector<1x16xf32>
        tpu.vector_store %arg10[%parallel_loop3A_243, %parallel_loop3A_244], %parallel_loop3A_247 {strides = array<i32>} : memref<8x2048xf32, #tpu.memory_space<vmem>>, vector<1x16xf32>,
      } {sc.loop_unroll_factor = 8 : i64, sc.parallel_access}
      %parallel_loop3A_162 = arith.constant 0 : i32
      %parallel_loop3A_163 = arith.constant 128 : i32
      %parallel_loop3A_164 = arith.constant 1 : i32
      scf.for %parallel_loop3A_231 = %parallel_loop3A_162 to %parallel_loop3A_163 step %parallel_loop3A_164  : i32 {
        %parallel_loop3A_232 = arith.constant 16 : i32
        %parallel_loop3A_233 = arith.muli %parallel_loop3A_231, %parallel_loop3A_232 : i32
        %parallel_loop3A_234 = arith.constant 7 : i32
        %parallel_loop3A_235 = arith.index_cast %parallel_loop3A_234 : i32 to index
        %parallel_loop3A_236 = arith.index_cast %parallel_loop3A_233 : i32 to index
        %parallel_loop3A_237 = tpu.vector_load %arg7[%parallel_loop3A_235, %parallel_loop3A_236] {strides = array<i32>} : memref<8x2048xf32, #tpu.memory_space<vmem>>, vector<1x16xf32>,
        %parallel_loop3A_238 = vector.shape_cast %parallel_loop3A_237 : vector<1x16xf32> to vector<16xf32>
        %parallel_loop3A_239 = arith.constant 45.2548332 : f32
        %parallel_loop3A_240 = vector.broadcast %parallel_loop3A_239 : f32 to vector<16xf32>
        %parallel_loop3A_241 = arith.mulf %parallel_loop3A_238, %parallel_loop3A_240 : vector<16xf32>
        %parallel_loop3A_242 = arith.constant 7 : i32
        %parallel_loop3A_243 = arith.index_cast %parallel_loop3A_242 : i32 to index
        %parallel_loop3A_244 = arith.index_cast %parallel_loop3A_233 : i32 to index
        %parallel_loop3A_245 = tpu.vector_load %arg10[%parallel_loop3A_243, %parallel_loop3A_244] {strides = array<i32>} : memref<8x2048xf32, #tpu.memory_space<vmem>>, vector<1x16xf32>,
        %parallel_loop3A_246 = vector.shape_cast %parallel_loop3A_245 : vector<1x16xf32> to vector<16xf32>
        %parallel_loop3A_247 = vector.shape_cast %parallel_loop3A_241 : vector<16xf32> to vector<1x16xf32>
        tpu.vector_store %arg10[%parallel_loop3A_243, %parallel_loop3A_244], %parallel_loop3A_247 {strides = array<i32>} : memref<8x2048xf32, #tpu.memory_space<vmem>>, vector<1x16xf32>,
      } {sc.loop_unroll_factor = 8 : i64, sc.parallel_access}
      %mul3A_165 = arith.constant 8 : i32
      %mul3A_166 = arith.muli %add3A_130, %mul3A_165 : i32
      %add3A_167 = arith.addi %mul3A_2, %mul3A_166 : i32
      %dma_start3A_168 = arith.constant 0 : i32
      %dma_start3A_169 = tpu.memref_slice %arg4[%add3A_167, %dma_start3A_168] : memref<16384x2048xf32, #tpu.memory_space<hbm>> -> memref<8x2048xf32, #tpu.memory_space<hbm>>
      %dma_start3A_170 = arith.constant 0 : i32
      %dma_start3A_171 = tpu.memref_slice %arg4[%add3A_167, %dma_start3A_170] : memref<16384x2048xf32, #tpu.memory_space<hbm>> -> memref<8x2048xf32, #tpu.memory_space<hbm>>
      tpu.enqueue_dma source(%arg10 : memref<8x2048xf32, #tpu.memory_space<vmem>>) target(%dma_start3A_171 : memref<8x2048xf32, #tpu.memory_space<hbm>>) target_semaphore(%arg16 : memref<!tpu.dma_semaphore, #tpu.memory_space<semaphore_mem>>)
      %add3A_172 = arith.constant 3 : i32
      %add3A_173 = arith.addi %add3A_130, %add3A_172 : i32
      %lt3A_174 = arith.constant 64 : i32
      %lt3A_175 = arith.cmpi slt, %add3A_173, %lt3A_174 : i32
      %convert_element_type3A_176 = arith.extui %lt3A_175 : i1 to i32
      %cond3A_177 = arith.constant 0 : i32
      %cond3A_178 = arith.cmpi ne, %convert_element_type3A_176, %cond3A_177 : i32
      scf.if %cond3A_178 {
        %add3A_231 = arith.constant 3 : i32
        %add3A_232 = arith.addi %add3A_130, %add3A_231 : i32
        %mul3A_233 = arith.constant 8 : i32
        %mul3A_234 = arith.muli %add3A_232, %mul3A_233 : i32
        %dma_start3A_235 = tpu.memref_slice %arg5[%mul3A_234] : memref<512xi32, #tpu.memory_space<vmem>> -> memref<8xi32, #tpu.memory_space<vmem>>
        %dma_start3A_236 = arith.constant 0 : i32
        %dma_start3A_237 = arith.constant 0 : i32
        %dma_start3A_238 = tpu.memref_slice %arg3[%dma_start3A_236, %dma_start3A_237] : memref<100000x2048xf32, #tpu.memory_space<hbm>> -> memref<100000x2048xf32, #tpu.memory_space<hbm>>
        tpu.enqueue_indirect_dma source(%dma_start3A_238 : memref<100000x2048xf32, #tpu.memory_space<hbm>>) target(%arg7 : memref<8x2048xf32, #tpu.memory_space<vmem>>) offsets(%dma_start3A_235 : memref<8xi32, #tpu.memory_space<vmem>>) semaphore(%arg13 : memref<!tpu.dma_semaphore, #tpu.memory_space<semaphore_mem>>)
      } else {
      }
      %mul3A_179 = arith.constant 3 : i32
      %mul3A_180 = arith.muli %mul3A_179, %scan3A_78 : i32
      %add3A_181 = arith.constant 2 : i32
      %add3A_182 = arith.addi %mul3A_180, %add3A_181 : i32
      %dma_wait3A_183 = arith.constant 0 : i32
      %dma_wait3A_184 = tpu.memref_slice %arg5[%dma_wait3A_183] : memref<512xi32, #tpu.memory_space<vmem>> -> memref<8xi32, #tpu.memory_space<vmem>>
      %dma_wait3A_185 = arith.constant 0 : i32
      %dma_wait3A_186 = arith.constant 0 : i32
      %dma_wait3A_187 = tpu.memref_slice %arg3[%dma_wait3A_185, %dma_wait3A_186] : memref<100000x2048xf32, #tpu.memory_space<hbm>> -> memref<100000x2048xf32, #tpu.memory_space<hbm>>
      tpu.wait_indirect_dma semaphore(%arg14 : memref<!tpu.dma_semaphore, #tpu.memory_space<semaphore_mem>>) src(%dma_wait3A_187 : memref<100000x2048xf32, #tpu.memory_space<hbm>>) dst(%arg8 : memref<8x2048xf32, #tpu.memory_space<vmem>>)
      %gt3A_188 = arith.constant 0 : i32
      %gt3A_189 = arith.cmpi sgt, %scan3A_78, %gt3A_188 : i32
      %convert_element_type3A_190 = arith.extui %gt3A_189 : i1 to i32
      %cond3A_191 = arith.constant 0 : i32
      %cond3A_192 = arith.cmpi ne, %convert_element_type3A_190, %cond3A_191 : i32
      scf.if %cond3A_192 {
        %add3A_231 = arith.constant 0 : i32
        %add3A_232 = arith.addi %mul3A_2, %add3A_231 : i32
        %dma_wait3A_233 = arith.constant 0 : i32
        %dma_wait3A_234 = tpu.memref_slice %arg4[%add3A_232, %dma_wait3A_233] : memref<16384x2048xf32, #tpu.memory_space<hbm>> -> memref<8x2048xf32, #tpu.memory_space<hbm>>
        %dma_wait3A_235 = arith.constant 0 : i32
        %dma_wait3A_236 = tpu.memref_slice %arg4[%add3A_232, %dma_wait3A_235] : memref<16384x2048xf32, #tpu.memory_space<hbm>> -> memref<8x2048xf32, #tpu.memory_space<hbm>>
        tpu.wait_dma2 semaphore(%arg17 : memref<!tpu.dma_semaphore, #tpu.memory_space<semaphore_mem>>) src(%arg11 : memref<8x2048xf32, #tpu.memory_space<vmem>>) dst(%dma_wait3A_236 : memref<8x2048xf32, #tpu.memory_space<hbm>>)
      } else {
      }
      %parallel_loop3A_193 = arith.constant 0 : i32
      %parallel_loop3A_194 = arith.constant 128 : i32
      %parallel_loop3A_195 = arith.constant 1 : i32
      scf.for %parallel_loop3A_231 = %parallel_loop3A_193 to %parallel_loop3A_194 step %parallel_loop3A_195  : i32 {
        %parallel_loop3A_232 = arith.constant 16 : i32
        %parallel_loop3A_233 = arith.muli %parallel_loop3A_231, %parallel_loop3A_232 : i32
        %parallel_loop3A_234 = arith.constant 0 : i32
        %parallel_loop3A_235 = arith.index_cast %parallel_loop3A_234 : i32 to index
        %parallel_loop3A_236 = arith.index_cast %parallel_loop3A_233 : i32 to index
        %parallel_loop3A_237 = tpu.vector_load %arg8[%parallel_loop3A_235, %parallel_loop3A_236] {strides = array<i32>} : memref<8x2048xf32, #tpu.memory_space<vmem>>, vector<1x16xf32>,
        %parallel_loop3A_238 = vector.shape_cast %parallel_loop3A_237 : vector<1x16xf32> to vector<16xf32>
        %parallel_loop3A_239 = arith.constant 45.2548332 : f32
        %parallel_loop3A_240 = vector.broadcast %parallel_loop3A_239 : f32 to vector<16xf32>
        %parallel_loop3A_241 = arith.mulf %parallel_loop3A_238, %parallel_loop3A_240 : vector<16xf32>
        %parallel_loop3A_242 = arith.constant 0 : i32
        %parallel_loop3A_243 = arith.index_cast %parallel_loop3A_242 : i32 to index
        %parallel_loop3A_244 = arith.index_cast %parallel_loop3A_233 : i32 to index
        %parallel_loop3A_245 = tpu.vector_load %arg11[%parallel_loop3A_243, %parallel_loop3A_244] {strides = array<i32>} : memref<8x2048xf32, #tpu.memory_space<vmem>>, vector<1x16xf32>,
        %parallel_loop3A_246 = vector.shape_cast %parallel_loop3A_245 : vector<1x16xf32> to vector<16xf32>
        %parallel_loop3A_247 = vector.shape_cast %parallel_loop3A_241 : vector<16xf32> to vector<1x16xf32>
        tpu.vector_store %arg11[%parallel_loop3A_243, %parallel_loop3A_244], %parallel_loop3A_247 {strides = array<i32>} : memref<8x2048xf32, #tpu.memory_space<vmem>>, vector<1x16xf32>,
      } {sc.loop_unroll_factor = 8 : i64, sc.parallel_access}
      %parallel_loop3A_196 = arith.constant 0 : i32
      %parallel_loop3A_197 = arith.constant 128 : i32
      %parallel_loop3A_198 = arith.constant 1 : i32
      scf.for %parallel_loop3A_231 = %parallel_loop3A_196 to %parallel_loop3A_197 step %parallel_loop3A_198  : i32 {
        %parallel_loop3A_232 = arith.constant 16 : i32
        %parallel_loop3A_233 = arith.muli %parallel_loop3A_231, %parallel_loop3A_232 : i32
        %parallel_loop3A_234 = arith.constant 1 : i32
        %parallel_loop3A_235 = arith.index_cast %parallel_loop3A_234 : i32 to index
        %parallel_loop3A_236 = arith.index_cast %parallel_loop3A_233 : i32 to index
        %parallel_loop3A_237 = tpu.vector_load %arg8[%parallel_loop3A_235, %parallel_loop3A_236] {strides = array<i32>} : memref<8x2048xf32, #tpu.memory_space<vmem>>, vector<1x16xf32>,
        %parallel_loop3A_238 = vector.shape_cast %parallel_loop3A_237 : vector<1x16xf32> to vector<16xf32>
        %parallel_loop3A_239 = arith.constant 45.2548332 : f32
        %parallel_loop3A_240 = vector.broadcast %parallel_loop3A_239 : f32 to vector<16xf32>
        %parallel_loop3A_241 = arith.mulf %parallel_loop3A_238, %parallel_loop3A_240 : vector<16xf32>
        %parallel_loop3A_242 = arith.constant 1 : i32
        %parallel_loop3A_243 = arith.index_cast %parallel_loop3A_242 : i32 to index
        %parallel_loop3A_244 = arith.index_cast %parallel_loop3A_233 : i32 to index
        %parallel_loop3A_245 = tpu.vector_load %arg11[%parallel_loop3A_243, %parallel_loop3A_244] {strides = array<i32>} : memref<8x2048xf32, #tpu.memory_space<vmem>>, vector<1x16xf32>,
        %parallel_loop3A_246 = vector.shape_cast %parallel_loop3A_245 : vector<1x16xf32> to vector<16xf32>
        %parallel_loop3A_247 = vector.shape_cast %parallel_loop3A_241 : vector<16xf32> to vector<1x16xf32>
        tpu.vector_store %arg11[%parallel_loop3A_243, %parallel_loop3A_244], %parallel_loop3A_247 {strides = array<i32>} : memref<8x2048xf32, #tpu.memory_space<vmem>>, vector<1x16xf32>,
      } {sc.loop_unroll_factor = 8 : i64, sc.parallel_access}
      %parallel_loop3A_199 = arith.constant 0 : i32
      %parallel_loop3A_200 = arith.constant 128 : i32
      %parallel_loop3A_201 = arith.constant 1 : i32
      scf.for %parallel_loop3A_231 = %parallel_loop3A_199 to %parallel_loop3A_200 step %parallel_loop3A_201  : i32 {
        %parallel_loop3A_232 = arith.constant 16 : i32
        %parallel_loop3A_233 = arith.muli %parallel_loop3A_231, %parallel_loop3A_232 : i32
        %parallel_loop3A_234 = arith.constant 2 : i32
        %parallel_loop3A_235 = arith.index_cast %parallel_loop3A_234 : i32 to index
        %parallel_loop3A_236 = arith.index_cast %parallel_loop3A_233 : i32 to index
        %parallel_loop3A_237 = tpu.vector_load %arg8[%parallel_loop3A_235, %parallel_loop3A_236] {strides = array<i32>} : memref<8x2048xf32, #tpu.memory_space<vmem>>, vector<1x16xf32>,
        %parallel_loop3A_238 = vector.shape_cast %parallel_loop3A_237 : vector<1x16xf32> to vector<16xf32>
        %parallel_loop3A_239 = arith.constant 45.2548332 : f32
        %parallel_loop3A_240 = vector.broadcast %parallel_loop3A_239 : f32 to vector<16xf32>
        %parallel_loop3A_241 = arith.mulf %parallel_loop3A_238, %parallel_loop3A_240 : vector<16xf32>
        %parallel_loop3A_242 = arith.constant 2 : i32
        %parallel_loop3A_243 = arith.index_cast %parallel_loop3A_242 : i32 to index
        %parallel_loop3A_244 = arith.index_cast %parallel_loop3A_233 : i32 to index
        %parallel_loop3A_245 = tpu.vector_load %arg11[%parallel_loop3A_243, %parallel_loop3A_244] {strides = array<i32>} : memref<8x2048xf32, #tpu.memory_space<vmem>>, vector<1x16xf32>,
        %parallel_loop3A_246 = vector.shape_cast %parallel_loop3A_245 : vector<1x16xf32> to vector<16xf32>
        %parallel_loop3A_247 = vector.shape_cast %parallel_loop3A_241 : vector<16xf32> to vector<1x16xf32>
        tpu.vector_store %arg11[%parallel_loop3A_243, %parallel_loop3A_244], %parallel_loop3A_247 {strides = array<i32>} : memref<8x2048xf32, #tpu.memory_space<vmem>>, vector<1x16xf32>,
      } {sc.loop_unroll_factor = 8 : i64, sc.parallel_access}
      %parallel_loop3A_202 = arith.constant 0 : i32
      %parallel_loop3A_203 = arith.constant 128 : i32
      %parallel_loop3A_204 = arith.constant 1 : i32
      scf.for %parallel_loop3A_231 = %parallel_loop3A_202 to %parallel_loop3A_203 step %parallel_loop3A_204  : i32 {
        %parallel_loop3A_232 = arith.constant 16 : i32
        %parallel_loop3A_233 = arith.muli %parallel_loop3A_231, %parallel_loop3A_232 : i32
        %parallel_loop3A_234 = arith.constant 3 : i32
        %parallel_loop3A_235 = arith.index_cast %parallel_loop3A_234 : i32 to index
        %parallel_loop3A_236 = arith.index_cast %parallel_loop3A_233 : i32 to index
        %parallel_loop3A_237 = tpu.vector_load %arg8[%parallel_loop3A_235, %parallel_loop3A_236] {strides = array<i32>} : memref<8x2048xf32, #tpu.memory_space<vmem>>, vector<1x16xf32>,
        %parallel_loop3A_238 = vector.shape_cast %parallel_loop3A_237 : vector<1x16xf32> to vector<16xf32>
        %parallel_loop3A_239 = arith.constant 45.2548332 : f32
        %parallel_loop3A_240 = vector.broadcast %parallel_loop3A_239 : f32 to vector<16xf32>
        %parallel_loop3A_241 = arith.mulf %parallel_loop3A_238, %parallel_loop3A_240 : vector<16xf32>
        %parallel_loop3A_242 = arith.constant 3 : i32
        %parallel_loop3A_243 = arith.index_cast %parallel_loop3A_242 : i32 to index
        %parallel_loop3A_244 = arith.index_cast %parallel_loop3A_233 : i32 to index
        %parallel_loop3A_245 = tpu.vector_load %arg11[%parallel_loop3A_243, %parallel_loop3A_244] {strides = array<i32>} : memref<8x2048xf32, #tpu.memory_space<vmem>>, vector<1x16xf32>,
        %parallel_loop3A_246 = vector.shape_cast %parallel_loop3A_245 : vector<1x16xf32> to vector<16xf32>
        %parallel_loop3A_247 = vector.shape_cast %parallel_loop3A_241 : vector<16xf32> to vector<1x16xf32>
        tpu.vector_store %arg11[%parallel_loop3A_243, %parallel_loop3A_244], %parallel_loop3A_247 {strides = array<i32>} : memref<8x2048xf32, #tpu.memory_space<vmem>>, vector<1x16xf32>,
      } {sc.loop_unroll_factor = 8 : i64, sc.parallel_access}
      %parallel_loop3A_205 = arith.constant 0 : i32
      %parallel_loop3A_206 = arith.constant 128 : i32
      %parallel_loop3A_207 = arith.constant 1 : i32
      scf.for %parallel_loop3A_231 = %parallel_loop3A_205 to %parallel_loop3A_206 step %parallel_loop3A_207  : i32 {
        %parallel_loop3A_232 = arith.constant 16 : i32
        %parallel_loop3A_233 = arith.muli %parallel_loop3A_231, %parallel_loop3A_232 : i32
        %parallel_loop3A_234 = arith.constant 4 : i32
        %parallel_loop3A_235 = arith.index_cast %parallel_loop3A_234 : i32 to index
        %parallel_loop3A_236 = arith.index_cast %parallel_loop3A_233 : i32 to index
        %parallel_loop3A_237 = tpu.vector_load %arg8[%parallel_loop3A_235, %parallel_loop3A_236] {strides = array<i32>} : memref<8x2048xf32, #tpu.memory_space<vmem>>, vector<1x16xf32>,
        %parallel_loop3A_238 = vector.shape_cast %parallel_loop3A_237 : vector<1x16xf32> to vector<16xf32>
        %parallel_loop3A_239 = arith.constant 45.2548332 : f32
        %parallel_loop3A_240 = vector.broadcast %parallel_loop3A_239 : f32 to vector<16xf32>
        %parallel_loop3A_241 = arith.mulf %parallel_loop3A_238, %parallel_loop3A_240 : vector<16xf32>
        %parallel_loop3A_242 = arith.constant 4 : i32
        %parallel_loop3A_243 = arith.index_cast %parallel_loop3A_242 : i32 to index
        %parallel_loop3A_244 = arith.index_cast %parallel_loop3A_233 : i32 to index
        %parallel_loop3A_245 = tpu.vector_load %arg11[%parallel_loop3A_243, %parallel_loop3A_244] {strides = array<i32>} : memref<8x2048xf32, #tpu.memory_space<vmem>>, vector<1x16xf32>,
        %parallel_loop3A_246 = vector.shape_cast %parallel_loop3A_245 : vector<1x16xf32> to vector<16xf32>
        %parallel_loop3A_247 = vector.shape_cast %parallel_loop3A_241 : vector<16xf32> to vector<1x16xf32>
        tpu.vector_store %arg11[%parallel_loop3A_243, %parallel_loop3A_244], %parallel_loop3A_247 {strides = array<i32>} : memref<8x2048xf32, #tpu.memory_space<vmem>>, vector<1x16xf32>,
      } {sc.loop_unroll_factor = 8 : i64, sc.parallel_access}
      %parallel_loop3A_208 = arith.constant 0 : i32
      %parallel_loop3A_209 = arith.constant 128 : i32
      %parallel_loop3A_210 = arith.constant 1 : i32
      scf.for %parallel_loop3A_231 = %parallel_loop3A_208 to %parallel_loop3A_209 step %parallel_loop3A_210  : i32 {
        %parallel_loop3A_232 = arith.constant 16 : i32
        %parallel_loop3A_233 = arith.muli %parallel_loop3A_231, %parallel_loop3A_232 : i32
        %parallel_loop3A_234 = arith.constant 5 : i32
        %parallel_loop3A_235 = arith.index_cast %parallel_loop3A_234 : i32 to index
        %parallel_loop3A_236 = arith.index_cast %parallel_loop3A_233 : i32 to index
        %parallel_loop3A_237 = tpu.vector_load %arg8[%parallel_loop3A_235, %parallel_loop3A_236] {strides = array<i32>} : memref<8x2048xf32, #tpu.memory_space<vmem>>, vector<1x16xf32>,
        %parallel_loop3A_238 = vector.shape_cast %parallel_loop3A_237 : vector<1x16xf32> to vector<16xf32>
        %parallel_loop3A_239 = arith.constant 45.2548332 : f32
        %parallel_loop3A_240 = vector.broadcast %parallel_loop3A_239 : f32 to vector<16xf32>
        %parallel_loop3A_241 = arith.mulf %parallel_loop3A_238, %parallel_loop3A_240 : vector<16xf32>
        %parallel_loop3A_242 = arith.constant 5 : i32
        %parallel_loop3A_243 = arith.index_cast %parallel_loop3A_242 : i32 to index
        %parallel_loop3A_244 = arith.index_cast %parallel_loop3A_233 : i32 to index
        %parallel_loop3A_245 = tpu.vector_load %arg11[%parallel_loop3A_243, %parallel_loop3A_244] {strides = array<i32>} : memref<8x2048xf32, #tpu.memory_space<vmem>>, vector<1x16xf32>,
        %parallel_loop3A_246 = vector.shape_cast %parallel_loop3A_245 : vector<1x16xf32> to vector<16xf32>
        %parallel_loop3A_247 = vector.shape_cast %parallel_loop3A_241 : vector<16xf32> to vector<1x16xf32>
        tpu.vector_store %arg11[%parallel_loop3A_243, %parallel_loop3A_244], %parallel_loop3A_247 {strides = array<i32>} : memref<8x2048xf32, #tpu.memory_space<vmem>>, vector<1x16xf32>,
      } {sc.loop_unroll_factor = 8 : i64, sc.parallel_access}
      %parallel_loop3A_211 = arith.constant 0 : i32
      %parallel_loop3A_212 = arith.constant 128 : i32
      %parallel_loop3A_213 = arith.constant 1 : i32
      scf.for %parallel_loop3A_231 = %parallel_loop3A_211 to %parallel_loop3A_212 step %parallel_loop3A_213  : i32 {
        %parallel_loop3A_232 = arith.constant 16 : i32
        %parallel_loop3A_233 = arith.muli %parallel_loop3A_231, %parallel_loop3A_232 : i32
        %parallel_loop3A_234 = arith.constant 6 : i32
        %parallel_loop3A_235 = arith.index_cast %parallel_loop3A_234 : i32 to index
        %parallel_loop3A_236 = arith.index_cast %parallel_loop3A_233 : i32 to index
        %parallel_loop3A_237 = tpu.vector_load %arg8[%parallel_loop3A_235, %parallel_loop3A_236] {strides = array<i32>} : memref<8x2048xf32, #tpu.memory_space<vmem>>, vector<1x16xf32>,
        %parallel_loop3A_238 = vector.shape_cast %parallel_loop3A_237 : vector<1x16xf32> to vector<16xf32>
        %parallel_loop3A_239 = arith.constant 45.2548332 : f32
        %parallel_loop3A_240 = vector.broadcast %parallel_loop3A_239 : f32 to vector<16xf32>
        %parallel_loop3A_241 = arith.mulf %parallel_loop3A_238, %parallel_loop3A_240 : vector<16xf32>
        %parallel_loop3A_242 = arith.constant 6 : i32
        %parallel_loop3A_243 = arith.index_cast %parallel_loop3A_242 : i32 to index
        %parallel_loop3A_244 = arith.index_cast %parallel_loop3A_233 : i32 to index
        %parallel_loop3A_245 = tpu.vector_load %arg11[%parallel_loop3A_243, %parallel_loop3A_244] {strides = array<i32>} : memref<8x2048xf32, #tpu.memory_space<vmem>>, vector<1x16xf32>,
        %parallel_loop3A_246 = vector.shape_cast %parallel_loop3A_245 : vector<1x16xf32> to vector<16xf32>
        %parallel_loop3A_247 = vector.shape_cast %parallel_loop3A_241 : vector<16xf32> to vector<1x16xf32>
        tpu.vector_store %arg11[%parallel_loop3A_243, %parallel_loop3A_244], %parallel_loop3A_247 {strides = array<i32>} : memref<8x2048xf32, #tpu.memory_space<vmem>>, vector<1x16xf32>,
      } {sc.loop_unroll_factor = 8 : i64, sc.parallel_access}
      %parallel_loop3A_214 = arith.constant 0 : i32
      %parallel_loop3A_215 = arith.constant 128 : i32
      %parallel_loop3A_216 = arith.constant 1 : i32
      scf.for %parallel_loop3A_231 = %parallel_loop3A_214 to %parallel_loop3A_215 step %parallel_loop3A_216  : i32 {
        %parallel_loop3A_232 = arith.constant 16 : i32
        %parallel_loop3A_233 = arith.muli %parallel_loop3A_231, %parallel_loop3A_232 : i32
        %parallel_loop3A_234 = arith.constant 7 : i32
        %parallel_loop3A_235 = arith.index_cast %parallel_loop3A_234 : i32 to index
        %parallel_loop3A_236 = arith.index_cast %parallel_loop3A_233 : i32 to index
        %parallel_loop3A_237 = tpu.vector_load %arg8[%parallel_loop3A_235, %parallel_loop3A_236] {strides = array<i32>} : memref<8x2048xf32, #tpu.memory_space<vmem>>, vector<1x16xf32>,
        %parallel_loop3A_238 = vector.shape_cast %parallel_loop3A_237 : vector<1x16xf32> to vector<16xf32>
        %parallel_loop3A_239 = arith.constant 45.2548332 : f32
        %parallel_loop3A_240 = vector.broadcast %parallel_loop3A_239 : f32 to vector<16xf32>
        %parallel_loop3A_241 = arith.mulf %parallel_loop3A_238, %parallel_loop3A_240 : vector<16xf32>
        %parallel_loop3A_242 = arith.constant 7 : i32
        %parallel_loop3A_243 = arith.index_cast %parallel_loop3A_242 : i32 to index
        %parallel_loop3A_244 = arith.index_cast %parallel_loop3A_233 : i32 to index
        %parallel_loop3A_245 = tpu.vector_load %arg11[%parallel_loop3A_243, %parallel_loop3A_244] {strides = array<i32>} : memref<8x2048xf32, #tpu.memory_space<vmem>>, vector<1x16xf32>,
        %parallel_loop3A_246 = vector.shape_cast %parallel_loop3A_245 : vector<1x16xf32> to vector<16xf32>
        %parallel_loop3A_247 = vector.shape_cast %parallel_loop3A_241 : vector<16xf32> to vector<1x16xf32>
        tpu.vector_store %arg11[%parallel_loop3A_243, %parallel_loop3A_244], %parallel_loop3A_247 {strides = array<i32>} : memref<8x2048xf32, #tpu.memory_space<vmem>>, vector<1x16xf32>,
      } {sc.loop_unroll_factor = 8 : i64, sc.parallel_access}
      %mul3A_217 = arith.constant 8 : i32
      %mul3A_218 = arith.muli %add3A_182, %mul3A_217 : i32
      %add3A_219 = arith.addi %mul3A_2, %mul3A_218 : i32
      %dma_start3A_220 = arith.constant 0 : i32
      %dma_start3A_221 = tpu.memref_slice %arg4[%add3A_219, %dma_start3A_220] : memref<16384x2048xf32, #tpu.memory_space<hbm>> -> memref<8x2048xf32, #tpu.memory_space<hbm>>
      %dma_start3A_222 = arith.constant 0 : i32
      %dma_start3A_223 = tpu.memref_slice %arg4[%add3A_219, %dma_start3A_222] : memref<16384x2048xf32, #tpu.memory_space<hbm>> -> memref<8x2048xf32, #tpu.memory_space<hbm>>
      tpu.enqueue_dma source(%arg11 : memref<8x2048xf32, #tpu.memory_space<vmem>>) target(%dma_start3A_223 : memref<8x2048xf32, #tpu.memory_space<hbm>>) target_semaphore(%arg17 : memref<!tpu.dma_semaphore, #tpu.memory_space<semaphore_mem>>)
      %add3A_224 = arith.constant 3 : i32
      %add3A_225 = arith.addi %add3A_182, %add3A_224 : i32
      %lt3A_226 = arith.constant 64 : i32
      %lt3A_227 = arith.cmpi slt, %add3A_225, %lt3A_226 : i32
      %convert_element_type3A_228 = arith.extui %lt3A_227 : i1 to i32
      %cond3A_229 = arith.constant 0 : i32
      %cond3A_230 = arith.cmpi ne, %convert_element_type3A_228, %cond3A_229 : i32
      scf.if %cond3A_230 {
        %add3A_231 = arith.constant 3 : i32
        %add3A_232 = arith.addi %add3A_182, %add3A_231 : i32
        %mul3A_233 = arith.constant 8 : i32
        %mul3A_234 = arith.muli %add3A_232, %mul3A_233 : i32
        %dma_start3A_235 = tpu.memref_slice %arg5[%mul3A_234] : memref<512xi32, #tpu.memory_space<vmem>> -> memref<8xi32, #tpu.memory_space<vmem>>
        %dma_start3A_236 = arith.constant 0 : i32
        %dma_start3A_237 = arith.constant 0 : i32
        %dma_start3A_238 = tpu.memref_slice %arg3[%dma_start3A_236, %dma_start3A_237] : memref<100000x2048xf32, #tpu.memory_space<hbm>> -> memref<100000x2048xf32, #tpu.memory_space<hbm>>
        tpu.enqueue_indirect_dma source(%dma_start3A_238 : memref<100000x2048xf32, #tpu.memory_space<hbm>>) target(%arg8 : memref<8x2048xf32, #tpu.memory_space<vmem>>) offsets(%dma_start3A_235 : memref<8xi32, #tpu.memory_space<vmem>>) semaphore(%arg14 : memref<!tpu.dma_semaphore, #tpu.memory_space<semaphore_mem>>)
      } else {
      }
    }
    %scan3A_20 = arith.constant 21 : i32
    %dma_wait3A = arith.constant 0 : i32
    %dma_wait3A_21 = tpu.memref_slice %arg5[%dma_wait3A] : memref<512xi32, #tpu.memory_space<vmem>> -> memref<8xi32, #tpu.memory_space<vmem>>
    %dma_wait3A_22 = arith.constant 0 : i32
    %dma_wait3A_23 = arith.constant 0 : i32
    %dma_wait3A_24 = tpu.memref_slice %arg3[%dma_wait3A_22, %dma_wait3A_23] : memref<100000x2048xf32, #tpu.memory_space<hbm>> -> memref<100000x2048xf32, #tpu.memory_space<hbm>>
    tpu.wait_indirect_dma semaphore(%arg12 : memref<!tpu.dma_semaphore, #tpu.memory_space<semaphore_mem>>) src(%dma_wait3A_24 : memref<100000x2048xf32, #tpu.memory_space<hbm>>) dst(%arg6 : memref<8x2048xf32, #tpu.memory_space<vmem>>)
    %add3A_25 = arith.constant 0 : i32
    %add3A_26 = arith.addi %mul3A_2, %add3A_25 : i32
    %dma_wait3A_27 = arith.constant 0 : i32
    %dma_wait3A_28 = tpu.memref_slice %arg4[%add3A_26, %dma_wait3A_27] : memref<16384x2048xf32, #tpu.memory_space<hbm>> -> memref<8x2048xf32, #tpu.memory_space<hbm>>
    %dma_wait3A_29 = arith.constant 0 : i32
    %dma_wait3A_30 = tpu.memref_slice %arg4[%add3A_26, %dma_wait3A_29] : memref<16384x2048xf32, #tpu.memory_space<hbm>> -> memref<8x2048xf32, #tpu.memory_space<hbm>>
    tpu.wait_dma2 semaphore(%arg15 : memref<!tpu.dma_semaphore, #tpu.memory_space<semaphore_mem>>) src(%arg9 : memref<8x2048xf32, #tpu.memory_space<vmem>>) dst(%dma_wait3A_30 : memref<8x2048xf32, #tpu.memory_space<hbm>>)
    %parallel_loop3A = arith.constant 0 : i32
    %parallel_loop3A_31 = arith.constant 128 : i32
    %parallel_loop3A_32 = arith.constant 1 : i32
    scf.for %parallel_loop3A_78 = %parallel_loop3A to %parallel_loop3A_31 step %parallel_loop3A_32  : i32 {
      %parallel_loop3A_79 = arith.constant 16 : i32
      %parallel_loop3A_80 = arith.muli %parallel_loop3A_78, %parallel_loop3A_79 : i32
      %parallel_loop3A_81 = arith.constant 0 : i32
      %parallel_loop3A_82 = arith.index_cast %parallel_loop3A_81 : i32 to index
      %parallel_loop3A_83 = arith.index_cast %parallel_loop3A_80 : i32 to index
      %parallel_loop3A_84 = tpu.vector_load %arg6[%parallel_loop3A_82, %parallel_loop3A_83] {strides = array<i32>} : memref<8x2048xf32, #tpu.memory_space<vmem>>, vector<1x16xf32>,
      %parallel_loop3A_85 = vector.shape_cast %parallel_loop3A_84 : vector<1x16xf32> to vector<16xf32>
      %parallel_loop3A_86 = arith.constant 45.2548332 : f32
      %parallel_loop3A_87 = vector.broadcast %parallel_loop3A_86 : f32 to vector<16xf32>
      %parallel_loop3A_88 = arith.mulf %parallel_loop3A_85, %parallel_loop3A_87 : vector<16xf32>
      %parallel_loop3A_89 = arith.constant 0 : i32
      %parallel_loop3A_90 = arith.index_cast %parallel_loop3A_89 : i32 to index
      %parallel_loop3A_91 = arith.index_cast %parallel_loop3A_80 : i32 to index
      %parallel_loop3A_92 = tpu.vector_load %arg9[%parallel_loop3A_90, %parallel_loop3A_91] {strides = array<i32>} : memref<8x2048xf32, #tpu.memory_space<vmem>>, vector<1x16xf32>,
      %parallel_loop3A_93 = vector.shape_cast %parallel_loop3A_92 : vector<1x16xf32> to vector<16xf32>
      %parallel_loop3A_94 = vector.shape_cast %parallel_loop3A_88 : vector<16xf32> to vector<1x16xf32>
      tpu.vector_store %arg9[%parallel_loop3A_90, %parallel_loop3A_91], %parallel_loop3A_94 {strides = array<i32>} : memref<8x2048xf32, #tpu.memory_space<vmem>>, vector<1x16xf32>,
    } {sc.loop_unroll_factor = 8 : i64, sc.parallel_access}
    %parallel_loop3A_33 = arith.constant 0 : i32
    %parallel_loop3A_34 = arith.constant 128 : i32
    %parallel_loop3A_35 = arith.constant 1 : i32
    scf.for %parallel_loop3A_78 = %parallel_loop3A_33 to %parallel_loop3A_34 step %parallel_loop3A_35  : i32 {
      %parallel_loop3A_79 = arith.constant 16 : i32
      %parallel_loop3A_80 = arith.muli %parallel_loop3A_78, %parallel_loop3A_79 : i32
      %parallel_loop3A_81 = arith.constant 1 : i32
      %parallel_loop3A_82 = arith.index_cast %parallel_loop3A_81 : i32 to index
      %parallel_loop3A_83 = arith.index_cast %parallel_loop3A_80 : i32 to index
      %parallel_loop3A_84 = tpu.vector_load %arg6[%parallel_loop3A_82, %parallel_loop3A_83] {strides = array<i32>} : memref<8x2048xf32, #tpu.memory_space<vmem>>, vector<1x16xf32>,
      %parallel_loop3A_85 = vector.shape_cast %parallel_loop3A_84 : vector<1x16xf32> to vector<16xf32>
      %parallel_loop3A_86 = arith.constant 45.2548332 : f32
      %parallel_loop3A_87 = vector.broadcast %parallel_loop3A_86 : f32 to vector<16xf32>
      %parallel_loop3A_88 = arith.mulf %parallel_loop3A_85, %parallel_loop3A_87 : vector<16xf32>
      %parallel_loop3A_89 = arith.constant 1 : i32
      %parallel_loop3A_90 = arith.index_cast %parallel_loop3A_89 : i32 to index
      %parallel_loop3A_91 = arith.index_cast %parallel_loop3A_80 : i32 to index
      %parallel_loop3A_92 = tpu.vector_load %arg9[%parallel_loop3A_90, %parallel_loop3A_91] {strides = array<i32>} : memref<8x2048xf32, #tpu.memory_space<vmem>>, vector<1x16xf32>,
      %parallel_loop3A_93 = vector.shape_cast %parallel_loop3A_92 : vector<1x16xf32> to vector<16xf32>
      %parallel_loop3A_94 = vector.shape_cast %parallel_loop3A_88 : vector<16xf32> to vector<1x16xf32>
      tpu.vector_store %arg9[%parallel_loop3A_90, %parallel_loop3A_91], %parallel_loop3A_94 {strides = array<i32>} : memref<8x2048xf32, #tpu.memory_space<vmem>>, vector<1x16xf32>,
    } {sc.loop_unroll_factor = 8 : i64, sc.parallel_access}
    %parallel_loop3A_36 = arith.constant 0 : i32
    %parallel_loop3A_37 = arith.constant 128 : i32
    %parallel_loop3A_38 = arith.constant 1 : i32
    scf.for %parallel_loop3A_78 = %parallel_loop3A_36 to %parallel_loop3A_37 step %parallel_loop3A_38  : i32 {
      %parallel_loop3A_79 = arith.constant 16 : i32
      %parallel_loop3A_80 = arith.muli %parallel_loop3A_78, %parallel_loop3A_79 : i32
      %parallel_loop3A_81 = arith.constant 2 : i32
      %parallel_loop3A_82 = arith.index_cast %parallel_loop3A_81 : i32 to index
      %parallel_loop3A_83 = arith.index_cast %parallel_loop3A_80 : i32 to index
      %parallel_loop3A_84 = tpu.vector_load %arg6[%parallel_loop3A_82, %parallel_loop3A_83] {strides = array<i32>} : memref<8x2048xf32, #tpu.memory_space<vmem>>, vector<1x16xf32>,
      %parallel_loop3A_85 = vector.shape_cast %parallel_loop3A_84 : vector<1x16xf32> to vector<16xf32>
      %parallel_loop3A_86 = arith.constant 45.2548332 : f32
      %parallel_loop3A_87 = vector.broadcast %parallel_loop3A_86 : f32 to vector<16xf32>
      %parallel_loop3A_88 = arith.mulf %parallel_loop3A_85, %parallel_loop3A_87 : vector<16xf32>
      %parallel_loop3A_89 = arith.constant 2 : i32
      %parallel_loop3A_90 = arith.index_cast %parallel_loop3A_89 : i32 to index
      %parallel_loop3A_91 = arith.index_cast %parallel_loop3A_80 : i32 to index
      %parallel_loop3A_92 = tpu.vector_load %arg9[%parallel_loop3A_90, %parallel_loop3A_91] {strides = array<i32>} : memref<8x2048xf32, #tpu.memory_space<vmem>>, vector<1x16xf32>,
      %parallel_loop3A_93 = vector.shape_cast %parallel_loop3A_92 : vector<1x16xf32> to vector<16xf32>
      %parallel_loop3A_94 = vector.shape_cast %parallel_loop3A_88 : vector<16xf32> to vector<1x16xf32>
      tpu.vector_store %arg9[%parallel_loop3A_90, %parallel_loop3A_91], %parallel_loop3A_94 {strides = array<i32>} : memref<8x2048xf32, #tpu.memory_space<vmem>>, vector<1x16xf32>,
    } {sc.loop_unroll_factor = 8 : i64, sc.parallel_access}
    %parallel_loop3A_39 = arith.constant 0 : i32
    %parallel_loop3A_40 = arith.constant 128 : i32
    %parallel_loop3A_41 = arith.constant 1 : i32
    scf.for %parallel_loop3A_78 = %parallel_loop3A_39 to %parallel_loop3A_40 step %parallel_loop3A_41  : i32 {
      %parallel_loop3A_79 = arith.constant 16 : i32
      %parallel_loop3A_80 = arith.muli %parallel_loop3A_78, %parallel_loop3A_79 : i32
      %parallel_loop3A_81 = arith.constant 3 : i32
      %parallel_loop3A_82 = arith.index_cast %parallel_loop3A_81 : i32 to index
      %parallel_loop3A_83 = arith.index_cast %parallel_loop3A_80 : i32 to index
      %parallel_loop3A_84 = tpu.vector_load %arg6[%parallel_loop3A_82, %parallel_loop3A_83] {strides = array<i32>} : memref<8x2048xf32, #tpu.memory_space<vmem>>, vector<1x16xf32>,
      %parallel_loop3A_85 = vector.shape_cast %parallel_loop3A_84 : vector<1x16xf32> to vector<16xf32>
      %parallel_loop3A_86 = arith.constant 45.2548332 : f32
      %parallel_loop3A_87 = vector.broadcast %parallel_loop3A_86 : f32 to vector<16xf32>
      %parallel_loop3A_88 = arith.mulf %parallel_loop3A_85, %parallel_loop3A_87 : vector<16xf32>
      %parallel_loop3A_89 = arith.constant 3 : i32
      %parallel_loop3A_90 = arith.index_cast %parallel_loop3A_89 : i32 to index
      %parallel_loop3A_91 = arith.index_cast %parallel_loop3A_80 : i32 to index
      %parallel_loop3A_92 = tpu.vector_load %arg9[%parallel_loop3A_90, %parallel_loop3A_91] {strides = array<i32>} : memref<8x2048xf32, #tpu.memory_space<vmem>>, vector<1x16xf32>,
      %parallel_loop3A_93 = vector.shape_cast %parallel_loop3A_92 : vector<1x16xf32> to vector<16xf32>
      %parallel_loop3A_94 = vector.shape_cast %parallel_loop3A_88 : vector<16xf32> to vector<1x16xf32>
      tpu.vector_store %arg9[%parallel_loop3A_90, %parallel_loop3A_91], %parallel_loop3A_94 {strides = array<i32>} : memref<8x2048xf32, #tpu.memory_space<vmem>>, vector<1x16xf32>,
    } {sc.loop_unroll_factor = 8 : i64, sc.parallel_access}
    %parallel_loop3A_42 = arith.constant 0 : i32
    %parallel_loop3A_43 = arith.constant 128 : i32
    %parallel_loop3A_44 = arith.constant 1 : i32
    scf.for %parallel_loop3A_78 = %parallel_loop3A_42 to %parallel_loop3A_43 step %parallel_loop3A_44  : i32 {
      %parallel_loop3A_79 = arith.constant 16 : i32
      %parallel_loop3A_80 = arith.muli %parallel_loop3A_78, %parallel_loop3A_79 : i32
      %parallel_loop3A_81 = arith.constant 4 : i32
      %parallel_loop3A_82 = arith.index_cast %parallel_loop3A_81 : i32 to index
      %parallel_loop3A_83 = arith.index_cast %parallel_loop3A_80 : i32 to index
      %parallel_loop3A_84 = tpu.vector_load %arg6[%parallel_loop3A_82, %parallel_loop3A_83] {strides = array<i32>} : memref<8x2048xf32, #tpu.memory_space<vmem>>, vector<1x16xf32>,
      %parallel_loop3A_85 = vector.shape_cast %parallel_loop3A_84 : vector<1x16xf32> to vector<16xf32>
      %parallel_loop3A_86 = arith.constant 45.2548332 : f32
      %parallel_loop3A_87 = vector.broadcast %parallel_loop3A_86 : f32 to vector<16xf32>
      %parallel_loop3A_88 = arith.mulf %parallel_loop3A_85, %parallel_loop3A_87 : vector<16xf32>
      %parallel_loop3A_89 = arith.constant 4 : i32
      %parallel_loop3A_90 = arith.index_cast %parallel_loop3A_89 : i32 to index
      %parallel_loop3A_91 = arith.index_cast %parallel_loop3A_80 : i32 to index
      %parallel_loop3A_92 = tpu.vector_load %arg9[%parallel_loop3A_90, %parallel_loop3A_91] {strides = array<i32>} : memref<8x2048xf32, #tpu.memory_space<vmem>>, vector<1x16xf32>,
      %parallel_loop3A_93 = vector.shape_cast %parallel_loop3A_92 : vector<1x16xf32> to vector<16xf32>
      %parallel_loop3A_94 = vector.shape_cast %parallel_loop3A_88 : vector<16xf32> to vector<1x16xf32>
      tpu.vector_store %arg9[%parallel_loop3A_90, %parallel_loop3A_91], %parallel_loop3A_94 {strides = array<i32>} : memref<8x2048xf32, #tpu.memory_space<vmem>>, vector<1x16xf32>,
    } {sc.loop_unroll_factor = 8 : i64, sc.parallel_access}
    %parallel_loop3A_45 = arith.constant 0 : i32
    %parallel_loop3A_46 = arith.constant 128 : i32
    %parallel_loop3A_47 = arith.constant 1 : i32
    scf.for %parallel_loop3A_78 = %parallel_loop3A_45 to %parallel_loop3A_46 step %parallel_loop3A_47  : i32 {
      %parallel_loop3A_79 = arith.constant 16 : i32
      %parallel_loop3A_80 = arith.muli %parallel_loop3A_78, %parallel_loop3A_79 : i32
      %parallel_loop3A_81 = arith.constant 5 : i32
      %parallel_loop3A_82 = arith.index_cast %parallel_loop3A_81 : i32 to index
      %parallel_loop3A_83 = arith.index_cast %parallel_loop3A_80 : i32 to index
      %parallel_loop3A_84 = tpu.vector_load %arg6[%parallel_loop3A_82, %parallel_loop3A_83] {strides = array<i32>} : memref<8x2048xf32, #tpu.memory_space<vmem>>, vector<1x16xf32>,
      %parallel_loop3A_85 = vector.shape_cast %parallel_loop3A_84 : vector<1x16xf32> to vector<16xf32>
      %parallel_loop3A_86 = arith.constant 45.2548332 : f32
      %parallel_loop3A_87 = vector.broadcast %parallel_loop3A_86 : f32 to vector<16xf32>
      %parallel_loop3A_88 = arith.mulf %parallel_loop3A_85, %parallel_loop3A_87 : vector<16xf32>
      %parallel_loop3A_89 = arith.constant 5 : i32
      %parallel_loop3A_90 = arith.index_cast %parallel_loop3A_89 : i32 to index
      %parallel_loop3A_91 = arith.index_cast %parallel_loop3A_80 : i32 to index
      %parallel_loop3A_92 = tpu.vector_load %arg9[%parallel_loop3A_90, %parallel_loop3A_91] {strides = array<i32>} : memref<8x2048xf32, #tpu.memory_space<vmem>>, vector<1x16xf32>,
      %parallel_loop3A_93 = vector.shape_cast %parallel_loop3A_92 : vector<1x16xf32> to vector<16xf32>
      %parallel_loop3A_94 = vector.shape_cast %parallel_loop3A_88 : vector<16xf32> to vector<1x16xf32>
      tpu.vector_store %arg9[%parallel_loop3A_90, %parallel_loop3A_91], %parallel_loop3A_94 {strides = array<i32>} : memref<8x2048xf32, #tpu.memory_space<vmem>>, vector<1x16xf32>,
    } {sc.loop_unroll_factor = 8 : i64, sc.parallel_access}
    %parallel_loop3A_48 = arith.constant 0 : i32
    %parallel_loop3A_49 = arith.constant 128 : i32
    %parallel_loop3A_50 = arith.constant 1 : i32
    scf.for %parallel_loop3A_78 = %parallel_loop3A_48 to %parallel_loop3A_49 step %parallel_loop3A_50  : i32 {
      %parallel_loop3A_79 = arith.constant 16 : i32
      %parallel_loop3A_80 = arith.muli %parallel_loop3A_78, %parallel_loop3A_79 : i32
      %parallel_loop3A_81 = arith.constant 6 : i32
      %parallel_loop3A_82 = arith.index_cast %parallel_loop3A_81 : i32 to index
      %parallel_loop3A_83 = arith.index_cast %parallel_loop3A_80 : i32 to index
      %parallel_loop3A_84 = tpu.vector_load %arg6[%parallel_loop3A_82, %parallel_loop3A_83] {strides = array<i32>} : memref<8x2048xf32, #tpu.memory_space<vmem>>, vector<1x16xf32>,
      %parallel_loop3A_85 = vector.shape_cast %parallel_loop3A_84 : vector<1x16xf32> to vector<16xf32>
      %parallel_loop3A_86 = arith.constant 45.2548332 : f32
      %parallel_loop3A_87 = vector.broadcast %parallel_loop3A_86 : f32 to vector<16xf32>
      %parallel_loop3A_88 = arith.mulf %parallel_loop3A_85, %parallel_loop3A_87 : vector<16xf32>
      %parallel_loop3A_89 = arith.constant 6 : i32
      %parallel_loop3A_90 = arith.index_cast %parallel_loop3A_89 : i32 to index
      %parallel_loop3A_91 = arith.index_cast %parallel_loop3A_80 : i32 to index
      %parallel_loop3A_92 = tpu.vector_load %arg9[%parallel_loop3A_90, %parallel_loop3A_91] {strides = array<i32>} : memref<8x2048xf32, #tpu.memory_space<vmem>>, vector<1x16xf32>,
      %parallel_loop3A_93 = vector.shape_cast %parallel_loop3A_92 : vector<1x16xf32> to vector<16xf32>
      %parallel_loop3A_94 = vector.shape_cast %parallel_loop3A_88 : vector<16xf32> to vector<1x16xf32>
      tpu.vector_store %arg9[%parallel_loop3A_90, %parallel_loop3A_91], %parallel_loop3A_94 {strides = array<i32>} : memref<8x2048xf32, #tpu.memory_space<vmem>>, vector<1x16xf32>,
    } {sc.loop_unroll_factor = 8 : i64, sc.parallel_access}
    %parallel_loop3A_51 = arith.constant 0 : i32
    %parallel_loop3A_52 = arith.constant 128 : i32
    %parallel_loop3A_53 = arith.constant 1 : i32
    scf.for %parallel_loop3A_78 = %parallel_loop3A_51 to %parallel_loop3A_52 step %parallel_loop3A_53  : i32 {
      %parallel_loop3A_79 = arith.constant 16 : i32
      %parallel_loop3A_80 = arith.muli %parallel_loop3A_78, %parallel_loop3A_79 : i32
      %parallel_loop3A_81 = arith.constant 7 : i32
      %parallel_loop3A_82 = arith.index_cast %parallel_loop3A_81 : i32 to index
      %parallel_loop3A_83 = arith.index_cast %parallel_loop3A_80 : i32 to index
      %parallel_loop3A_84 = tpu.vector_load %arg6[%parallel_loop3A_82, %parallel_loop3A_83] {strides = array<i32>} : memref<8x2048xf32, #tpu.memory_space<vmem>>, vector<1x16xf32>,
      %parallel_loop3A_85 = vector.shape_cast %parallel_loop3A_84 : vector<1x16xf32> to vector<16xf32>
      %parallel_loop3A_86 = arith.constant 45.2548332 : f32
      %parallel_loop3A_87 = vector.broadcast %parallel_loop3A_86 : f32 to vector<16xf32>
      %parallel_loop3A_88 = arith.mulf %parallel_loop3A_85, %parallel_loop3A_87 : vector<16xf32>
      %parallel_loop3A_89 = arith.constant 7 : i32
      %parallel_loop3A_90 = arith.index_cast %parallel_loop3A_89 : i32 to index
      %parallel_loop3A_91 = arith.index_cast %parallel_loop3A_80 : i32 to index
      %parallel_loop3A_92 = tpu.vector_load %arg9[%parallel_loop3A_90, %parallel_loop3A_91] {strides = array<i32>} : memref<8x2048xf32, #tpu.memory_space<vmem>>, vector<1x16xf32>,
      %parallel_loop3A_93 = vector.shape_cast %parallel_loop3A_92 : vector<1x16xf32> to vector<16xf32>
      %parallel_loop3A_94 = vector.shape_cast %parallel_loop3A_88 : vector<16xf32> to vector<1x16xf32>
      tpu.vector_store %arg9[%parallel_loop3A_90, %parallel_loop3A_91], %parallel_loop3A_94 {strides = array<i32>} : memref<8x2048xf32, #tpu.memory_space<vmem>>, vector<1x16xf32>,
    } {sc.loop_unroll_factor = 8 : i64, sc.parallel_access}
    %add3A_54 = arith.constant 504 : i32
    %add3A_55 = arith.addi %mul3A_2, %add3A_54 : i32
    %dma_start3A_56 = arith.constant 0 : i32
    %dma_start3A_57 = tpu.memref_slice %arg4[%add3A_55, %dma_start3A_56] : memref<16384x2048xf32, #tpu.memory_space<hbm>> -> memref<8x2048xf32, #tpu.memory_space<hbm>>
    %dma_start3A_58 = arith.constant 0 : i32
    %dma_start3A_59 = tpu.memref_slice %arg4[%add3A_55, %dma_start3A_58] : memref<16384x2048xf32, #tpu.memory_space<hbm>> -> memref<8x2048xf32, #tpu.memory_space<hbm>>
    tpu.enqueue_dma source(%arg9 : memref<8x2048xf32, #tpu.memory_space<vmem>>) target(%dma_start3A_59 : memref<8x2048xf32, #tpu.memory_space<hbm>>) target_semaphore(%arg15 : memref<!tpu.dma_semaphore, #tpu.memory_space<semaphore_mem>>)
    %add3A_60 = arith.constant 0 : i32
    %add3A_61 = arith.addi %mul3A_2, %add3A_60 : i32
    %dma_wait3A_62 = arith.constant 0 : i32
    %dma_wait3A_63 = tpu.memref_slice %arg4[%add3A_61, %dma_wait3A_62] : memref<16384x2048xf32, #tpu.memory_space<hbm>> -> memref<8x2048xf32, #tpu.memory_space<hbm>>
    %dma_wait3A_64 = arith.constant 0 : i32
    %dma_wait3A_65 = tpu.memref_slice %arg4[%add3A_61, %dma_wait3A_64] : memref<16384x2048xf32, #tpu.memory_space<hbm>> -> memref<8x2048xf32, #tpu.memory_space<hbm>>
    tpu.wait_dma2 semaphore(%arg15 : memref<!tpu.dma_semaphore, #tpu.memory_space<semaphore_mem>>) src(%arg9 : memref<8x2048xf32, #tpu.memory_space<vmem>>) dst(%dma_wait3A_65 : memref<8x2048xf32, #tpu.memory_space<hbm>>)
    %add3A_66 = arith.constant 0 : i32
    %add3A_67 = arith.addi %mul3A_2, %add3A_66 : i32
    %dma_wait3A_68 = arith.constant 0 : i32
    %dma_wait3A_69 = tpu.memref_slice %arg4[%add3A_67, %dma_wait3A_68] : memref<16384x2048xf32, #tpu.memory_space<hbm>> -> memref<8x2048xf32, #tpu.memory_space<hbm>>
    %dma_wait3A_70 = arith.constant 0 : i32
    %dma_wait3A_71 = tpu.memref_slice %arg4[%add3A_67, %dma_wait3A_70] : memref<16384x2048xf32, #tpu.memory_space<hbm>> -> memref<8x2048xf32, #tpu.memory_space<hbm>>
    tpu.wait_dma2 semaphore(%arg16 : memref<!tpu.dma_semaphore, #tpu.memory_space<semaphore_mem>>) src(%arg10 : memref<8x2048xf32, #tpu.memory_space<vmem>>) dst(%dma_wait3A_71 : memref<8x2048xf32, #tpu.memory_space<hbm>>)
    %add3A_72 = arith.constant 0 : i32
    %add3A_73 = arith.addi %mul3A_2, %add3A_72 : i32
    %dma_wait3A_74 = arith.constant 0 : i32
    %dma_wait3A_75 = tpu.memref_slice %arg4[%add3A_73, %dma_wait3A_74] : memref<16384x2048xf32, #tpu.memory_space<hbm>> -> memref<8x2048xf32, #tpu.memory_space<hbm>>
    %dma_wait3A_76 = arith.constant 0 : i32
    %dma_wait3A_77 = tpu.memref_slice %arg4[%add3A_73, %dma_wait3A_76] : memref<16384x2048xf32, #tpu.memory_space<hbm>> -> memref<8x2048xf32, #tpu.memory_space<hbm>>
    tpu.wait_dma2 semaphore(%arg17 : memref<!tpu.dma_semaphore, #tpu.memory_space<semaphore_mem>>) src(%arg11 : memref<8x2048xf32, #tpu.memory_space<vmem>>) dst(%dma_wait3A_77 : memref<8x2048xf32, #tpu.memory_space<hbm>>)
    return
  }
}

</mosaic_0001>

<sc_bundles>
// kernel: kernel.3.cloned.1.call-start
scs
__scs_entry_jumppad:
0x0: {  	(pc) =	sbr.rel $0x88, $3  }
0x1: {  	(tag) =	ssettag $0x0;
	lr =	simm.s32 $0x1  }
0x2: {  	[smem:$0x3F9F] =	sst lr;
	_ =	strace $0xD0000000  }
0x3: {  	_ = 	snop  }
0x4: {  	_ = 	snop  }
0x5: {  	_ = 	snop  }
0x6: {  	_ = 	snop  }
0x7: {  	_ = 	snop  }
__scs_overlays_trampoline_lowered:
0x8: {  	[smem:$0x3FAE] =	sst s0  }
0x9: {  	[smem:$0x3FAF] =	sst s1  }
0xa: {  	[smem:$0x3FB0] =	sst s2  }
0xb: {  	[smem:$0x3FB1] =	sst s3  }
0xc: {  	[smem:$0x3FB2] =	sst s4  }
0xd: {  	[smem:$0x3FB3] =	sst s5  }
0xe: {  	[smem:$0x3FB4] =	sst s6  }
0xf: {  	[smem:$0x3FB5] =	sst s7  }
0x10: {  	[smem:$0x3FB6] =	sst s8  }
0x11: {  	[smem:$0x3FB7] =	sst s9;
	s0 =	simm.s32 @!p0 $0x0  }
0x12: {  	s1 =	sld [smem:$0x3F9D];
	s0 =	simm.s32 @p0 $0x1  }
0x13: {  	[smem:$0x3FB8] =	sst s0;
	s0 =	simm.s32 @!p1 $0x0  }
0x14: {  	s2 =	sld [smem:$0x3F9C];
	s0 =	simm.s32 @p1 $0x1  }
0x15: {  	[smem:$0x3FB9] =	sst s0;
	s0 =	simm.s32 @!p2 $0x0  }
0x16: {  	s3 =	sld [smem:$0x3FDB];
	s0 =	simm.s32 @p2 $0x1  }
0x17: {  	s4 =	simm.s32 $0x1BF5;
	[smem:$0x3FBB] =	sst s0  }
0x18: {  	s0 =	sld [smem:$0x3F9E];
	_ =	swait.ge [sflag:s4], $0x0  }
0x19: {  	s7 =	sld [smem:$0x3F9F]  }
0x1a: {  	s8 =	sadd.s32 $0xFFFFE003, lr  }
0x1b: {  	s9 =	sadd.s32 $0xFFFFFEF7, lr;
	s5 =	simm.s32 $0xFFFFFFFF;
	p2 =	slt.u32 s8, $0xFFFFF086  }
0x1c: {  	p1 =	slt.u32 s9, $0xF7A;
	s5 =	simm.s32 @!p2 $0x0  }
0x1d: {  	s5 =	simm.s32 @p1 $0x1;
	p0 =	seq.s32 s7, s2  }
0x1e: {  	s7 =	smul.u32 @!p0 $0xF7A, s2;
	p2 =	seq.s32 @!p0 s5, $0x0  }
0x1f: {  	s9 =	smul.u32 $0xF7A, s1;
	s8 =	simm.s32 @!p0 $0x1BF5;
	p2 =	por !p2, p0  }
0x20: {  	[sflag:s8] =	ssyncset.s32 @!p0 $0xFFFFF086;
	s6 =	sadd.s32 @!p0 s3, s7;
	s7 =	simm.s32 @!p0 $0x108  }
0x21: {  	s3 =	sadd.s32 s3, s9;
	s6 =	sadd.s32 @!p0 $0x88, s6;
	s7 =	simm.s32 @p2 $0x1082  }
0x22: {  	[simem:s7], [sflag:s8] =	dma.local @!p0 [hbm:s6], $0xF7A  }
0x23: {  	s9 =	sor.u32 $0xD0000000, s2;
	s6 =	simm.s32 $0x108;
	_ =	swait.ge @!p0 [sflag:s8], $0x0  }
0x24: {  	s3 =	sadd.s32 $0x88, s3;
	s6 =	simm.s32 @!p1 $0x1082;
	[sflag:s4] =	ssyncset.s32 $0xFFFFF086  }
0x25: {  	[simem:s6], [sflag:s4] =	dma.local [hbm:s3], $0xF7A  }
0x26: {  	[smem:$0x3F9F] =	sst s1;
	(tag) =	ssettag s2;
	_ =	strace s9  }
0x27: {  	s1 =	sld [smem:$0x3FAF]  }
0x28: {  	s2 =	sld [smem:$0x3FB0]  }
0x29: {  	s4 =	sld [smem:$0x3FB2]  }
0x2a: {  	p0 =	seq.s32 s5, $0x0;
	s5 =	sld [smem:$0x3FB3]  }
0x2b: {  	s6 =	sld [smem:$0x3FB4]  }
0x2c: {  	s7 =	sld [smem:$0x3FB5]  }
0x2d: {  	s3 =	simm.s32 $0x108;
	s8 =	sld [smem:$0x3FB6]  }
0x2e: {  	s3 =	simm.s32 @!p0 $0x1082;
	s9 =	sld [smem:$0x3FB7]  }
0x2f: {  	lr =	sadd.s32 s0, s3;
	s0 =	sld [smem:$0x3FAE]  }
0x30: {  	s3 =	sld [smem:$0x3FB1]  }
0x31: {  	[smem:$0x3FBA] =	sst s10  }
0x32: {  	s10 =	sld [smem:$0x3FB8];
	_ =	sdelay $0x3  }
0x33: {  	p0 =	seq.s32 s10, $0x1;
	s10 =	sld [smem:$0x3FBA];
	_ =	sdelay $0x3  }
0x34: {  	[smem:$0x3FBA] =	sst s10  }
0x35: {  	s10 =	sld [smem:$0x3FB9];
	_ =	sdelay $0x3  }
0x36: {  	p1 =	seq.s32 s10, $0x1;
	s10 =	sld [smem:$0x3FBA];
	_ =	sdelay $0x3  }
0x37: {  	[smem:$0x3FBA] =	sst s10  }
0x38: {  	s10 =	sld [smem:$0x3FBB]  }
0x39: {  	_ = 	snop;
	(pc) =	sbr.ind lr, $3  }
0x3a: {  	_ = 	snop  }
0x3b: {  	_ = 	snop  }
0x3c: {  	p2 =	seq.s32 s10, $0x1;
	s10 =	sld [smem:$0x3FBA]  }
0x3d: {  	_ =	shalt  }
0x3e: {  	_ =	shalt  }
0x3f: {  	_ =	shalt  }
0x40: {  	_ =	shalt  }
0x41: {  	_ =	shalt  }
0x42: {  	_ =	shalt  }
0x43: {  	_ =	shalt  }
0x44: {  	_ =	shalt  }
0x45: {  	_ =	shalt  }
0x46: {  	_ =	shalt  }
0x47: {  	_ =	shalt  }
0x48: {  	_ =	shalt  }
0x49: {  	_ =	shalt  }
0x4a: {  	_ =	shalt  }
0x4b: {  	_ =	shalt  }
0x4c: {  	_ =	shalt  }
0x4d: {  	_ =	shalt  }
0x4e: {  	_ =	shalt  }
0x4f: {  	_ =	shalt  }
0x50: {  	_ =	shalt  }
0x51: {  	_ =	shalt  }
0x52: {  	_ =	shalt  }
0x53: {  	_ =	shalt  }
0x54: {  	_ =	shalt  }
0x55: {  	_ =	shalt  }
0x56: {  	_ =	shalt  }
0x57: {  	_ =	shalt  }
0x58: {  	_ =	shalt  }
0x59: {  	_ =	shalt  }
0x5a: {  	_ =	shalt  }
0x5b: {  	_ =	shalt  }
0x5c: {  	_ =	shalt  }
0x5d: {  	_ =	shalt  }
0x5e: {  	_ =	shalt  }
0x5f: {  	_ =	shalt  }
0x60: {  	_ =	shalt  }
0x61: {  	_ =	shalt  }
0x62: {  	_ =	shalt  }
0x63: {  	_ =	shalt  }
0x64: {  	_ =	shalt  }
0x65: {  	_ =	shalt  }
0x66: {  	_ =	shalt  }
0x67: {  	_ =	shalt  }
0x68: {  	_ =	shalt  }
0x69: {  	_ =	shalt  }
0x6a: {  	_ =	shalt  }
0x6b: {  	_ =	shalt  }
0x6c: {  	_ =	shalt  }
0x6d: {  	_ =	shalt  }
0x6e: {  	_ =	shalt  }
0x6f: {  	_ =	shalt  }
0x70: {  	_ =	shalt  }
0x71: {  	_ =	shalt  }
0x72: {  	_ =	shalt  }
0x73: {  	_ =	shalt  }
0x74: {  	_ =	shalt  }
0x75: {  	_ =	shalt  }
0x76: {  	_ =	shalt  }
0x77: {  	_ =	shalt  }
0x78: {  	_ =	shalt  }
0x79: {  	_ =	shalt  }
0x7a: {  	_ =	shalt  }
0x7b: {  	_ =	shalt  }
0x7c: {  	_ =	shalt  }
0x7d: {  	_ =	shalt  }
0x7e: {  	_ =	shalt  }
0x7f: {  	_ =	shalt  }
0x80: {  	_ =	shalt  }
0x81: {  	_ =	shalt  }
0x82: {  	_ =	shalt  }
0x83: {  	_ =	shalt  }
0x84: {  	_ =	shalt  }
0x85: {  	_ =	shalt  }
0x86: {  	_ =	shalt  }
0x87: {  	_ =	shalt  }
.Lfunc_end0:
.L_simem_size_0:
called_computation_lowered:
.L_overlay_start_0:
0x88: {  	s2 =	sld [smem:$0x3FD9]  }
0x89: {  	s3 =	sld [smem:$0x3FFE];
	_ =	sdelay $0x1  }
0x8a: {  	s1 =	srdreg.scid  }
0x8b: {  	s0 =	sand.u32 $0x1, s1  }
0x8c: {  	s17 =	sshll.u32 s0, $0xA;
	s2 =	sadd.s32 s3, s2  }
0x8d: {  	s2 =	sadd.s32 s2, s17  }
0x8e: {  	[smem:$0x3FC6] =	sst s2  }
0x8f: {  	_ = 	snop  }
0x90: {  	s2 =	sld [smem:$0x3FC8]  }
0x91: {  	s18 =	sld [smem:$0x3FD0];
	(tm) =	ssettm $0x1  }
0x92: {  	s4 =	sld [smem:$0x3FFB];
	_ =	sdelay $0x3  }
0x93: {  	_ =	strace s4  }
0x94: {  	s4 =	sld [smem:$0x3FFC];
	_ =	sdelay $0x3  }
0x95: {  	_ =	strace s4  }
0x96: {  	s4 =	sld [smem:$0x3FFD];
	_ =	sdelay $0x3  }
0x97: {  	_ =	strace s4  }
0x98: {  	_ =	strace $0x8FFFFFFF  }
0x99: {  	s19 =	sld [smem:$0x3FDB];
	_ =	sdelay $0x1  }
0x9a: {  	s5 =	simm.s32 $_scs_section_size  }
0x9b: {  	s6 =	simm.s32 $_size__tile_overlayer_lowered;
	s7 =	simm.s32 $_tile_overlayer_lowered  }
0x9c: {  	s22 =	simm.s32 $0x1BFF;
	s21 =	sshll.u32 s7, $0x1;
	s4 =	sadd.s32 s5, s19  }
0x9d: {  	s8 =	simm.s32 $0x0;
	s20 =	sshll.u32 s6, $0x1;
	s6 =	sadd.s32 s21, s4  }
0x9e: {  	[timem:s8], [sflag:s22] =	dma.local [hbm:s6], s20  }
0x9f: {  	_ =	swait.ge [sflag:s22], s20  }
0xa0: {  	s5 =	ssub.s32 $0x0, s20;
	[sflag:s22] =	ssyncset.done $0x0  }
0xa1: {  	[sflag:s22] =	ssyncadd.s32 s5;
	_ =	sdelay $0x1  }
0xa2: {  	s23 =	simm.s32 $0x1B8B  }
0xa3: {  	_ =	swait.ge [sflag:s23], $0x1  }
0xa4: {  	[sflag:s23] =	ssyncset.done $0x0  }
0xa5: {  	s25 =	simm.s32 $0x1B8E;
	s24 =	sld [smem:$0x3FFE];
	[sflag:s23] =	ssyncadd.s32 $0xFFFFFFFF  }
0xa6: {  	s26 =	simm.s32 $execute0_lowered;
	[smem:$0x3FD2] =	sst s25  }
0xa7: {  	s6 =	sshll.u32 s26, $0x1;
	_ =	strace $0x80000046;
	[dreg:$0x1] =	wrdreg $0xFFFFFFFF  }
0xa8: {  	s28 =	simm.s32 $_size_execute0_lowered;
	s4 =	sadd.s32 s4, s6;
	[dreg:$0x0] =	wrdreg $0x0  }
0xa9: {  	s6 =	sshll.u32 s28, $0x1;
	[dreg:$0x2] =	wrdreg s4  }
0xaa: {  	[dreg:$0x3] =	wrdreg s6  }
0xab: {  	[dreg:$0x4] =	wrdreg $0xC0  }
0xac: {  	_ =	task [dreg:s8], $0x5FFFF  }
0xad: {  	[dreg:$0x1] =	wrdreg $0xFFFFFFFF  }
0xae: {  	[dreg:$0x0] =	wrdreg $0x60  }
0xaf: {  	[dreg:$0x2] =	wrdreg s24  }
0xb0: {  	[dreg:$0x3] =	wrdreg s2  }
0xb1: {  	[dreg:$0x4] =	wrdreg s18  }
0xb2: {  	[dreg:$0x5] =	wrdreg $0x9  }
0xb3: {  	_ =	task.clear_ibuf [dreg:s8], $0x6FFFF;
	_ =	strace $0x90000046  }
0xb4: {  	s29 =	simm.s32 $0x9;
	_ =	strace $0x80000048  }
0xb5: {  	_ =	swait.ge [sflag:s29], $0x1  }
0xb6: {  	[sflag:s29] =	ssyncadd.s32 $0xFFFFFFFF  }
0xb7: {  	_ =	strace $0x90000048  }
0xb8: {  	_ =	sfence  }
0xb9: {  	s30 =	sld [smem:$0x0];
	_ =	sdelay $0x2  }
0xba: {  	s31 =	sshll.u32 s1, $0xD;
	s1 =	sshrl.u32 s1, $0x2  }
0xbb: {  	s3 =	sand.u32 $0x4000, s31;
	s1 =	sadd.s32 s1, s30  }
0xbc: {  	s0 =	sor.u32 s3, s0;
	s1 =	sshll.u32 s1, $0x11  }
0xbd: {  	s0 =	sor.u32 s1, s0  }
0xbe: {  	s0 =	sadd.s32 $0x8F2B, s0  }
0xbf: {  	[sflag:s0] =	ssyncadd.remote.s32 $0x1  }
0xc0: {  	_ =	sfence.sel $0xFFFF  }
0xc1: {  	[dreg:$0x0] =	wrdreg $0xFFFFFFFF;
	(pc) =	sbr.abs _section_cstart, $3  }
0xc2: {  	[dreg:$0x1] =	wrdreg $0xFFFFFFFF  }
0xc3: {  	_ =	task.clear_ibuf [dreg:s8], $0x2FFFF;
	_ =	strace $0x9FFFFFFF  }
0xc4: {  	(tm) =	ssettm $0x7FFFFFFF  }
0xc5: {  	_ =	shalt  }
tec
execute0_lowered:
.L_overlay_start_1:
0x0: {  	(tag) =	ssettag $0x1  }
0x1: {  	s0 =	rddreg [dreg:$0x0]  }
0x2: {  	s1 =	srdreg.scid;
	s2 =	rddreg [dreg:$0x1]  }
0x3: {  	s4 =	stileid.u32;
	s3 =	rddreg [dreg:$0x2];
	s22 =	simm.s32 $0x1A00  }
0x4: {  	s23 =	simm.s32 $0x2200;
	s24 =	simm.s32 $0x2A00;
	s25 =	simm.s32 $0x3200  }
0x5: {  	s16 =	simm.s32 $0xC200;
	s17 =	simm.s32 $0x2;
	s28 =	simm.s32 $0x3  }
0x6: {  	s29 =	simm.s32 $0x6;
	s1 =	sand.u32 $0x1, s1;
	s4 =	sshll.u32 s4, $0xA  }
0x7: {  	s7 =	sadd.s32 $0x100, s2;
	s8 =	sadd.s32 $0x200, s2;
	s9 =	sadd.s32 $0x300, s2  }
0x8: {  	s10 =	sadd.s32 $0x400, s2;
	s11 =	sadd.s32 $0x500, s2;
	s12 =	sadd.s32 $0x600, s2  }
0x9: {  	s13 =	sadd.s32 $0x700, s2;
	s5 =	sshll.u32 s1, $0x9;
	s1 =	ssub.s32 $0x2, s1  }
0xa: {  	s4 =	sor.u32 s5, s4;
	s5 =	simm.s32 $0x0;
	s26 =	sshrl.u32 s1, $0x1  }
0xb: {  	s6 =	sshrl.u32 s4, $0x3;
	[smem:$0x7FF] =	sst s5;
	s1 =	ssub.s32 s1, s26  }
0xc: {  	s30 =	sshll.u32 s4, $0x8;
	s14 =	sor.u32 $0x8, s4;
	s0 =	sadd.s32 s6, s0  }
0xd: {  	s15 =	sor.u32 $0x10, s4;
	_ =	strace $0x80000047;
	s0 =	sadd.s32 $0x400, s0  }
0xe: {  	v0 =	vlaneseq.u32;
	s31 =	smax.u32 s1, $0x1;
	[dreg:$0x4] =	wrdreg s0;
	s0 =	sadd.s32 s30, s3  }
0xf: {  	v1 =	vshrl.u32 v0, $0x3;
	s26 =	simm.s32 $0x3A00;
	[dreg:$0x6] =	wrdreg s31;
	s0 =	sadd.s32 $0x1F800, s0  }
0x10: {  	vm0 =	vmmov $0xffff;
	v0 =	vand.u32 $0x7, v0;
	v1 =	vmul.u32 $0x8, v1;
	s6 =	simm.s32 $0x1;
	s1 =	simm.s32 $0x0;
	[dreg:$0x5] =	wrdreg s0  }
.LBB2_1:
0x11: {  	[dreg:$0x7] =	wrdreg s1  }
0x12: {  	s0 =	rddreg [dreg:$0x4];
	s21 =	simm.s32 $0x7  }
0x13: {  	[tilespmem:s5], [sflag:$0x7] =	stream.linear.gather [hbm4b:s0+s5], $0x200, $0x38;
	[tilespmem:$0x18200] =	vst v63  }
0x14: {  	_ =	swait.ge [sflag:s21], $0x200  }
0x15: {  	[sflag:s21] =	ssyncset.done $0x0  }
0x16: {  	[sflag:s21] =	ssyncadd.s32 $0xFFFFFE00  }
0x17: {  	v2 =	vld.msk [tilespmem:$0x0], $0xff;
	_ =	sdelay $0x4  }
0x18: {  	v3 =	vshll.u32 v2, $0x4  }
0x19: {  	v2 =	vand.u32 $0x7, v2;
	v3 =	vand.u32 $0xFFFFFF80, v3  }
0x1a: {  	v2 =	vor.u32 v2, v3  }
0x1b: {  	v2 =	vperm.xlane v2, v0;
	_ =	sdelay $0x1  }
0x1c: {  	v2 =	vadd.s32 v1, v2;
	_ =	sdelay $0x3  }
0x1d: {  	s30 =	simm.s32 $0x200  }
0x1e: {  	[tilespmem:s30], [sflag:$0x1] =	stream.indirect_vreg.gather [hbm4b:s2+s5], $0x80, v2, vm0, $0xb8;
	[tilespmem:$0x18200] =	vst v63  }
0x1f: {  	s1 =	simm.s32 $0xA00  }
0x20: {  	[tilespmem:s1], [sflag:$0x1] =	stream.indirect_vreg.gather [hbm4b:s7+s5], $0x80, v2, vm0, $0xb8;
	[tilespmem:$0x18200] =	vst v63  }
0x21: {  	s18 =	simm.s32 $0x1200  }
0x22: {  	[tilespmem:s18], [sflag:$0x1] =	stream.indirect_vreg.gather [hbm4b:s8+s5], $0x80, v2, vm0, $0xb8;
	[tilespmem:$0x18200] =	vst v63  }
0x23: {  	_ = 	snop  }
0x24: {  	[tilespmem:s22], [sflag:$0x1] =	stream.indirect_vreg.gather [hbm4b:s9+s5], $0x80, v2, vm0, $0xb8;
	[tilespmem:$0x18200] =	vst v63  }
0x25: {  	_ = 	snop  }
0x26: {  	[tilespmem:s23], [sflag:$0x1] =	stream.indirect_vreg.gather [hbm4b:s10+s5], $0x80, v2, vm0, $0xb8;
	[tilespmem:$0x18200] =	vst v63  }
0x27: {  	_ = 	snop  }
0x28: {  	[tilespmem:s24], [sflag:$0x1] =	stream.indirect_vreg.gather [hbm4b:s11+s5], $0x80, v2, vm0, $0xb8;
	[tilespmem:$0x18200] =	vst v63  }
0x29: {  	_ = 	snop  }
0x2a: {  	[tilespmem:s25], [sflag:$0x1] =	stream.indirect_vreg.gather [hbm4b:s12+s5], $0x80, v2, vm0, $0xb8;
	[tilespmem:$0x18200] =	vst v63  }
0x2b: {  	_ = 	snop  }
0x2c: {  	[tilespmem:s26], [sflag:$0x1] =	stream.indirect_vreg.gather [hbm4b:s13+s5], $0x80, v2, vm0, $0xb8;
	[tilespmem:$0x18200] =	vst v63  }
0x2d: {  	v2 =	vld.msk [tilespmem:$0x8], $0xff;
	_ =	sdelay $0x4  }
0x2e: {  	v3 =	vshll.u32 v2, $0x4  }
0x2f: {  	v2 =	vand.u32 $0x7, v2;
	v3 =	vand.u32 $0xFFFFFF80, v3  }
0x30: {  	v2 =	vor.u32 v2, v3  }
0x31: {  	v2 =	vperm.xlane v2, v0;
	_ =	sdelay $0x1  }
0x32: {  	v2 =	vadd.s32 v1, v2;
	_ =	sdelay $0x3  }
0x33: {  	s19 =	simm.s32 $0x4200  }
0x34: {  	[tilespmem:s19], [sflag:$0x2] =	stream.indirect_vreg.gather [hbm4b:s2+s5], $0x80, v2, vm0, $0xb8;
	[tilespmem:$0x18200] =	vst v63  }
0x35: {  	s20 =	simm.s32 $0x4A00  }
0x36: {  	[tilespmem:s20], [sflag:$0x2] =	stream.indirect_vreg.gather [hbm4b:s7+s5], $0x80, v2, vm0, $0xb8;
	[tilespmem:$0x18200] =	vst v63  }
0x37: {  	s21 =	simm.s32 $0x5200  }
0x38: {  	[tilespmem:s21], [sflag:$0x2] =	stream.indirect_vreg.gather [hbm4b:s8+s5], $0x80, v2, vm0, $0xb8;
	[tilespmem:$0x18200] =	vst v63  }
0x39: {  	s30 =	simm.s32 $0x5A00  }
0x3a: {  	[tilespmem:s30], [sflag:$0x2] =	stream.indirect_vreg.gather [hbm4b:s9+s5], $0x80, v2, vm0, $0xb8;
	[tilespmem:$0x18200] =	vst v63  }
0x3b: {  	s1 =	simm.s32 $0x6200  }
0x3c: {  	[tilespmem:s1], [sflag:$0x2] =	stream.indirect_vreg.gather [hbm4b:s10+s5], $0x80, v2, vm0, $0xb8;
	[tilespmem:$0x18200] =	vst v63  }
0x3d: {  	s18 =	simm.s32 $0x6A00  }
0x3e: {  	[tilespmem:s18], [sflag:$0x2] =	stream.indirect_vreg.gather [hbm4b:s11+s5], $0x80, v2, vm0, $0xb8;
	[tilespmem:$0x18200] =	vst v63  }
0x3f: {  	s19 =	simm.s32 $0x7200  }
0x40: {  	[tilespmem:s19], [sflag:$0x2] =	stream.indirect_vreg.gather [hbm4b:s12+s5], $0x80, v2, vm0, $0xb8;
	[tilespmem:$0x18200] =	vst v63  }
0x41: {  	s20 =	simm.s32 $0x7A00  }
0x42: {  	[tilespmem:s20], [sflag:$0x2] =	stream.indirect_vreg.gather [hbm4b:s13+s5], $0x80, v2, vm0, $0xb8;
	[tilespmem:$0x18200] =	vst v63  }
0x43: {  	v2 =	vld.msk [tilespmem:$0x10], $0xff;
	_ =	sdelay $0x4  }
0x44: {  	v3 =	vshll.u32 v2, $0x4  }
0x45: {  	v2 =	vand.u32 $0x7, v2;
	v3 =	vand.u32 $0xFFFFFF80, v3  }
0x46: {  	v2 =	vor.u32 v2, v3  }
0x47: {  	v2 =	vperm.xlane v2, v0;
	_ =	sdelay $0x1  }
0x48: {  	v2 =	vadd.s32 v1, v2;
	_ =	sdelay $0x3  }
0x49: {  	s21 =	simm.s32 $0x8200  }
0x4a: {  	[tilespmem:s21], [sflag:$0x3] =	stream.indirect_vreg.gather [hbm4b:s2+s5], $0x80, v2, vm0, $0xb8;
	[tilespmem:$0x18200] =	vst v63  }
0x4b: {  	s30 =	simm.s32 $0x8A00  }
0x4c: {  	[tilespmem:s30], [sflag:$0x3] =	stream.indirect_vreg.gather [hbm4b:s7+s5], $0x80, v2, vm0, $0xb8;
	[tilespmem:$0x18200] =	vst v63  }
0x4d: {  	s1 =	simm.s32 $0x9200  }
0x4e: {  	[tilespmem:s1], [sflag:$0x3] =	stream.indirect_vreg.gather [hbm4b:s8+s5], $0x80, v2, vm0, $0xb8;
	[tilespmem:$0x18200] =	vst v63  }
0x4f: {  	s18 =	simm.s32 $0x9A00  }
0x50: {  	[tilespmem:s18], [sflag:$0x3] =	stream.indirect_vreg.gather [hbm4b:s9+s5], $0x80, v2, vm0, $0xb8;
	[tilespmem:$0x18200] =	vst v63  }
0x51: {  	s19 =	simm.s32 $0xA200  }
0x52: {  	[tilespmem:s19], [sflag:$0x3] =	stream.indirect_vreg.gather [hbm4b:s10+s5], $0x80, v2, vm0, $0xb8;
	[tilespmem:$0x18200] =	vst v63  }
0x53: {  	s20 =	simm.s32 $0xAA00  }
0x54: {  	[tilespmem:s20], [sflag:$0x3] =	stream.indirect_vreg.gather [hbm4b:s11+s5], $0x80, v2, vm0, $0xb8;
	[tilespmem:$0x18200] =	vst v63  }
0x55: {  	s21 =	simm.s32 $0xB200  }
0x56: {  	[tilespmem:s21], [sflag:$0x3] =	stream.indirect_vreg.gather [hbm4b:s12+s5], $0x80, v2, vm0, $0xb8;
	[tilespmem:$0x18200] =	vst v63  }
0x57: {  	s31 =	simm.s32 $0x0;
	s30 =	simm.s32 $0xBA00  }
0x58: {  	[tilespmem:s30], [sflag:$0x3] =	stream.indirect_vreg.gather [hbm4b:s13+s5], $0x80, v2, vm0, $0xb8;
	[tilespmem:$0x18200] =	vst v63  }
.LBB2_2:
0x59: {  	_ =	swait.ge [sflag:s6], $0x4000  }
0x5a: {  	p0 =	seq.s32 s31, $0x0;
	[sflag:s6] =	ssyncset.done $0x0  }
0x5b: {  	s0 =	simm.s32 @!p0 $0x4;
	[sflag:s6] =	ssyncadd.s32 $0xFFFFC000  }
0x5c: {  	_ =	swait.ge @!p0 [sflag:s0], $0x4000  }
0x5d: {  	[sflag:s0] =	ssyncset.done @!p0 $0x0  }
0x5e: {  	s1 =	simm.s32 $0x240;
	[sflag:s0] =	ssyncadd.s32 @!p0 $0xFFFFC000  }
0x5f: {  	v4 =	vld [tilespmem:s1+$0x30]  }
0x60: {  	v6 =	vld [tilespmem:s1+$0xFFFFFFD0]  }
0x61: {  	v8 =	vld [tilespmem:s1+$0xFFFFFFE0]  }
0x62: {  	v5 =	vld [tilespmem:s1+$0xFFFFFFF0]  }
0x63: {  	v3 =	vld [tilespmem:s1+$0x0]  }
0x64: {  	v2 =	vld [tilespmem:s1+$0x10];
	v9 =	vmul.f32 $4.525483320e+01, v4  }
0x65: {  	s18 =	simm.s32 $0x2F0;
	s0 =	simm.s32 $0xC240;
	v4 =	vld [tilespmem:s1+$0x20];
	v7 =	vmul.f32 $4.525483320e+01, v6  }
0x66: {  	s19 =	simm.s32 $0x0;
	s20 =	simm.s32 $0x640;
	v6 =	vld [tilespmem:s1+$0xFFFFFFC0];
	v8 =	vmul.f32 $4.525483320e+01, v8;
	s1 =	simm.s32 $0xC2F0;
	[tilespmem:s0+$0x30] =	vst v9  }
.LBB2_3:
0x67: {  	v9 =	vld [tilespmem:s20+$0x30];
	s19 =	sadd.s32 $0x8, s19;
	[tilespmem:s0+$0xFFFFFFD0] =	vst v7;
	v5 =	vmul.f32 $4.525483320e+01, v5  }
0x68: {  	v7 =	vld [tilespmem:s20+$0xFFFFFFD0];
	p1 =	slt.u32 s19, $0x78;
	[tilespmem:s0+$0xFFFFFFE0] =	vst v8;
	v3 =	vmul.f32 $4.525483320e+01, v3  }
0x69: {  	v8 =	vld [tilespmem:s20+$0xFFFFFFE0];
	[tilespmem:s0+$0xFFFFFFF0] =	vst v5;
	v2 =	vmul.f32 $4.525483320e+01, v2  }
.Ltmp0:
0x6a: {  	v5 =	vld [tilespmem:s20+$0xFFFFFFF0];
	[tilespmem:s0+$0x0] =	vst v3;
	v4 =	vmul.f32 $4.525483320e+01, v4;
	(pc) =	sbr.rel @p1 .LBB2_3-.Ltmp0, $4  }
0x6b: {  	v3 =	vld [tilespmem:s20+$0x0];
	v6 =	vmul.f32 $4.525483320e+01, v6;
	[tilespmem:s0+$0x10] =	vst v2  }
0x6c: {  	v2 =	vld [tilespmem:s20+$0x10];
	v9 =	vmul.f32 $4.525483320e+01, v9;
	[tilespmem:s0+$0x20] =	vst v4  }
0x6d: {  	v7 =	vmul.f32 $4.525483320e+01, v7;
	v4 =	vld [tilespmem:s20+$0x20];
	[tilespmem:s0+$0xFFFFFFC0] =	vst v6;
	s0 =	sadd.s32 $0x400, s0  }
0x6e: {  	v6 =	vld [tilespmem:s20+$0xFFFFFFC0];
	v8 =	vmul.f32 $4.525483320e+01, v8;
	[tilespmem:s0+$0x30] =	vst v9;
	s20 =	sadd.s32 $0x400, s20  }
0x6f: {  	[tilespmem:s0+$0xFFFFFFD0] =	vst v7;
	v5 =	vmul.f32 $4.525483320e+01, v5  }
0x70: {  	[tilespmem:s0+$0xFFFFFFE0] =	vst v8;
	v3 =	vmul.f32 $4.525483320e+01, v3  }
0x71: {  	[tilespmem:s0+$0xFFFFFFF0] =	vst v5;
	v2 =	vmul.f32 $4.525483320e+01, v2  }
0x72: {  	[tilespmem:s0+$0x0] =	vst v3;
	v3 =	vmul.f32 $4.525483320e+01, v4  }
0x73: {  	v4 =	vmul.f32 $4.525483320e+01, v6;
	[tilespmem:s0+$0x10] =	vst v2  }
0x74: {  	[tilespmem:s0+$0x20] =	vst v3  }
0x75: {  	[tilespmem:s0+$0xFFFFFFC0] =	vst v4  }
0x76: {  	v4 =	vld [tilespmem:s18+$0x0]  }
0x77: {  	v6 =	vld [tilespmem:s18+$0xFFFFFFA0]  }
0x78: {  	v8 =	vld [tilespmem:s18+$0xFFFFFFB0]  }
0x79: {  	v5 =	vld [tilespmem:s18+$0xFFFFFFC0]  }
0x7a: {  	v3 =	vld [tilespmem:s18+$0xFFFFFFD0]  }
0x7b: {  	v2 =	vld [tilespmem:s18+$0xFFFFFFE0];
	v9 =	vmul.f32 $4.525483320e+01, v4  }
0x7c: {  	s20 =	simm.s32 $0x0;
	v4 =	vld [tilespmem:s18+$0xFFFFFFF0];
	v7 =	vmul.f32 $4.525483320e+01, v6  }
0x7d: {  	s19 =	simm.s32 $0x370;
	s0 =	simm.s32 $0xC370;
	v6 =	vld [tilespmem:s18+$0xFFFFFF90];
	v8 =	vmul.f32 $4.525483320e+01, v8;
	s18 =	simm.s32 $0x6F0;
	[tilespmem:s1+$0x0] =	vst v9  }
.LBB2_5:
0x7e: {  	v9 =	vld [tilespmem:s18+$0x0];
	s20 =	sadd.s32 $0x8, s20;
	[tilespmem:s1+$0xFFFFFFA0] =	vst v7;
	v5 =	vmul.f32 $4.525483320e+01, v5  }
0x7f: {  	v7 =	vld [tilespmem:s18+$0xFFFFFFA0];
	p1 =	slt.u32 s20, $0x78;
	[tilespmem:s1+$0xFFFFFFB0] =	vst v8;
	v3 =	vmul.f32 $4.525483320e+01, v3  }
0x80: {  	v8 =	vld [tilespmem:s18+$0xFFFFFFB0];
	[tilespmem:s1+$0xFFFFFFC0] =	vst v5;
	v2 =	vmul.f32 $4.525483320e+01, v2  }
.Ltmp1:
0x81: {  	v5 =	vld [tilespmem:s18+$0xFFFFFFC0];
	[tilespmem:s1+$0xFFFFFFD0] =	vst v3;
	v4 =	vmul.f32 $4.525483320e+01, v4;
	(pc) =	sbr.rel @p1 .LBB2_5-.Ltmp1, $4  }
0x82: {  	v3 =	vld [tilespmem:s18+$0xFFFFFFD0];
	v6 =	vmul.f32 $4.525483320e+01, v6;
	[tilespmem:s1+$0xFFFFFFE0] =	vst v2  }
0x83: {  	v2 =	vld [tilespmem:s18+$0xFFFFFFE0];
	v9 =	vmul.f32 $4.525483320e+01, v9;
	[tilespmem:s1+$0xFFFFFFF0] =	vst v4  }
0x84: {  	v7 =	vmul.f32 $4.525483320e+01, v7;
	v4 =	vld [tilespmem:s18+$0xFFFFFFF0];
	[tilespmem:s1+$0xFFFFFF90] =	vst v6;
	s1 =	sadd.s32 $0x400, s1  }
0x85: {  	v6 =	vld [tilespmem:s18+$0xFFFFFF90];
	v8 =	vmul.f32 $4.525483320e+01, v8;
	[tilespmem:s1+$0x0] =	vst v9;
	s18 =	sadd.s32 $0x400, s18  }
0x86: {  	[tilespmem:s1+$0xFFFFFFA0] =	vst v7;
	v5 =	vmul.f32 $4.525483320e+01, v5  }
0x87: {  	[tilespmem:s1+$0xFFFFFFB0] =	vst v8;
	v3 =	vmul.f32 $4.525483320e+01, v3  }
0x88: {  	[tilespmem:s1+$0xFFFFFFC0] =	vst v5;
	v2 =	vmul.f32 $4.525483320e+01, v2  }
0x89: {  	[tilespmem:s1+$0xFFFFFFD0] =	vst v3;
	v3 =	vmul.f32 $4.525483320e+01, v4  }
0x8a: {  	v4 =	vmul.f32 $4.525483320e+01, v6;
	[tilespmem:s1+$0xFFFFFFE0] =	vst v2  }
0x8b: {  	[tilespmem:s1+$0xFFFFFFF0] =	vst v3  }
0x8c: {  	[tilespmem:s1+$0xFFFFFF90] =	vst v4  }
0x8d: {  	v4 =	vld [tilespmem:s19+$0x0]  }
0x8e: {  	v6 =	vld [tilespmem:s19+$0xFFFFFFA0]  }
0x8f: {  	v8 =	vld [tilespmem:s19+$0xFFFFFFB0]  }
0x90: {  	v5 =	vld [tilespmem:s19+$0xFFFFFFC0]  }
0x91: {  	v3 =	vld [tilespmem:s19+$0xFFFFFFD0]  }
0x92: {  	v2 =	vld [tilespmem:s19+$0xFFFFFFE0];
	v9 =	vmul.f32 $4.525483320e+01, v4  }
0x93: {  	s20 =	simm.s32 $0x0;
	v4 =	vld [tilespmem:s19+$0xFFFFFFF0];
	v7 =	vmul.f32 $4.525483320e+01, v6  }
0x94: {  	s18 =	simm.s32 $0x3F0;
	s1 =	simm.s32 $0xC3F0;
	v6 =	vld [tilespmem:s19+$0xFFFFFF90];
	v8 =	vmul.f32 $4.525483320e+01, v8;
	s19 =	simm.s32 $0x770;
	[tilespmem:s0+$0x0] =	vst v9  }
.LBB2_7:
0x95: {  	v9 =	vld [tilespmem:s19+$0x0];
	s20 =	sadd.s32 $0x8, s20;
	[tilespmem:s0+$0xFFFFFFA0] =	vst v7;
	v5 =	vmul.f32 $4.525483320e+01, v5  }
0x96: {  	v7 =	vld [tilespmem:s19+$0xFFFFFFA0];
	p1 =	slt.u32 s20, $0x78;
	[tilespmem:s0+$0xFFFFFFB0] =	vst v8;
	v3 =	vmul.f32 $4.525483320e+01, v3  }
0x97: {  	v8 =	vld [tilespmem:s19+$0xFFFFFFB0];
	[tilespmem:s0+$0xFFFFFFC0] =	vst v5;
	v2 =	vmul.f32 $4.525483320e+01, v2  }
.Ltmp2:
0x98: {  	v5 =	vld [tilespmem:s19+$0xFFFFFFC0];
	[tilespmem:s0+$0xFFFFFFD0] =	vst v3;
	v4 =	vmul.f32 $4.525483320e+01, v4;
	(pc) =	sbr.rel @p1 .LBB2_7-.Ltmp2, $4  }
0x99: {  	v3 =	vld [tilespmem:s19+$0xFFFFFFD0];
	v6 =	vmul.f32 $4.525483320e+01, v6;
	[tilespmem:s0+$0xFFFFFFE0] =	vst v2  }
0x9a: {  	v2 =	vld [tilespmem:s19+$0xFFFFFFE0];
	v9 =	vmul.f32 $4.525483320e+01, v9;
	[tilespmem:s0+$0xFFFFFFF0] =	vst v4  }
0x9b: {  	v7 =	vmul.f32 $4.525483320e+01, v7;
	v4 =	vld [tilespmem:s19+$0xFFFFFFF0];
	[tilespmem:s0+$0xFFFFFF90] =	vst v6;
	s0 =	sadd.s32 $0x400, s0  }
0x9c: {  	v6 =	vld [tilespmem:s19+$0xFFFFFF90];
	v8 =	vmul.f32 $4.525483320e+01, v8;
	[tilespmem:s0+$0x0] =	vst v9;
	s19 =	sadd.s32 $0x400, s19  }
0x9d: {  	[tilespmem:s0+$0xFFFFFFA0] =	vst v7;
	v5 =	vmul.f32 $4.525483320e+01, v5  }
0x9e: {  	[tilespmem:s0+$0xFFFFFFB0] =	vst v8;
	v3 =	vmul.f32 $4.525483320e+01, v3  }
0x9f: {  	[tilespmem:s0+$0xFFFFFFC0] =	vst v5;
	v2 =	vmul.f32 $4.525483320e+01, v2  }
0xa0: {  	[tilespmem:s0+$0xFFFFFFD0] =	vst v3;
	v3 =	vmul.f32 $4.525483320e+01, v4  }
0xa1: {  	v4 =	vmul.f32 $4.525483320e+01, v6;
	[tilespmem:s0+$0xFFFFFFE0] =	vst v2  }
0xa2: {  	[tilespmem:s0+$0xFFFFFFF0] =	vst v3  }
0xa3: {  	[tilespmem:s0+$0xFFFFFF90] =	vst v4  }
0xa4: {  	v4 =	vld [tilespmem:s18+$0x0]  }
0xa5: {  	v6 =	vld [tilespmem:s18+$0xFFFFFFA0]  }
0xa6: {  	v8 =	vld [tilespmem:s18+$0xFFFFFFB0]  }
0xa7: {  	v5 =	vld [tilespmem:s18+$0xFFFFFFC0]  }
0xa8: {  	v3 =	vld [tilespmem:s18+$0xFFFFFFD0]  }
0xa9: {  	v2 =	vld [tilespmem:s18+$0xFFFFFFE0];
	v9 =	vmul.f32 $4.525483320e+01, v4  }
0xaa: {  	s20 =	simm.s32 $0x0;
	v4 =	vld [tilespmem:s18+$0xFFFFFFF0];
	v7 =	vmul.f32 $4.525483320e+01, v6  }
0xab: {  	s19 =	simm.s32 $0x470;
	s0 =	simm.s32 $0xC470;
	v6 =	vld [tilespmem:s18+$0xFFFFFF90];
	v8 =	vmul.f32 $4.525483320e+01, v8;
	s18 =	simm.s32 $0x7F0;
	[tilespmem:s1+$0x0] =	vst v9  }
.LBB2_9:
0xac: {  	v9 =	vld [tilespmem:s18+$0x0];
	s20 =	sadd.s32 $0x8, s20;
	[tilespmem:s1+$0xFFFFFFA0] =	vst v7;
	v5 =	vmul.f32 $4.525483320e+01, v5  }
0xad: {  	v7 =	vld [tilespmem:s18+$0xFFFFFFA0];
	p1 =	slt.u32 s20, $0x78;
	[tilespmem:s1+$0xFFFFFFB0] =	vst v8;
	v3 =	vmul.f32 $4.525483320e+01, v3  }
0xae: {  	v8 =	vld [tilespmem:s18+$0xFFFFFFB0];
	[tilespmem:s1+$0xFFFFFFC0] =	vst v5;
	v2 =	vmul.f32 $4.525483320e+01, v2  }
.Ltmp3:
0xaf: {  	v5 =	vld [tilespmem:s18+$0xFFFFFFC0];
	[tilespmem:s1+$0xFFFFFFD0] =	vst v3;
	v4 =	vmul.f32 $4.525483320e+01, v4;
	(pc) =	sbr.rel @p1 .LBB2_9-.Ltmp3, $4  }
0xb0: {  	v3 =	vld [tilespmem:s18+$0xFFFFFFD0];
	v6 =	vmul.f32 $4.525483320e+01, v6;
	[tilespmem:s1+$0xFFFFFFE0] =	vst v2  }
0xb1: {  	v2 =	vld [tilespmem:s18+$0xFFFFFFE0];
	v9 =	vmul.f32 $4.525483320e+01, v9;
	[tilespmem:s1+$0xFFFFFFF0] =	vst v4  }
0xb2: {  	v7 =	vmul.f32 $4.525483320e+01, v7;
	v4 =	vld [tilespmem:s18+$0xFFFFFFF0];
	[tilespmem:s1+$0xFFFFFF90] =	vst v6;
	s1 =	sadd.s32 $0x400, s1  }
0xb3: {  	v6 =	vld [tilespmem:s18+$0xFFFFFF90];
	v8 =	vmul.f32 $4.525483320e+01, v8;
	[tilespmem:s1+$0x0] =	vst v9;
	s18 =	sadd.s32 $0x400, s18  }
0xb4: {  	[tilespmem:s1+$0xFFFFFFA0] =	vst v7;
	v5 =	vmul.f32 $4.525483320e+01, v5  }
0xb5: {  	[tilespmem:s1+$0xFFFFFFB0] =	vst v8;
	v3 =	vmul.f32 $4.525483320e+01, v3  }
0xb6: {  	[tilespmem:s1+$0xFFFFFFC0] =	vst v5;
	v2 =	vmul.f32 $4.525483320e+01, v2  }
0xb7: {  	[tilespmem:s1+$0xFFFFFFD0] =	vst v3;
	v3 =	vmul.f32 $4.525483320e+01, v4  }
0xb8: {  	v4 =	vmul.f32 $4.525483320e+01, v6;
	[tilespmem:s1+$0xFFFFFFE0] =	vst v2  }
0xb9: {  	[tilespmem:s1+$0xFFFFFFF0] =	vst v3  }
0xba: {  	[tilespmem:s1+$0xFFFFFF90] =	vst v4  }
0xbb: {  	v4 =	vld [tilespmem:s19+$0x0]  }
0xbc: {  	v6 =	vld [tilespmem:s19+$0xFFFFFFA0]  }
0xbd: {  	v8 =	vld [tilespmem:s19+$0xFFFFFFB0]  }
0xbe: {  	v5 =	vld [tilespmem:s19+$0xFFFFFFC0]  }
0xbf: {  	v3 =	vld [tilespmem:s19+$0xFFFFFFD0]  }
0xc0: {  	v2 =	vld [tilespmem:s19+$0xFFFFFFE0];
	v9 =	vmul.f32 $4.525483320e+01, v4  }
0xc1: {  	s20 =	simm.s32 $0x0;
	v4 =	vld [tilespmem:s19+$0xFFFFFFF0];
	v7 =	vmul.f32 $4.525483320e+01, v6  }
0xc2: {  	s18 =	simm.s32 $0x4F0;
	s1 =	simm.s32 $0xC4F0;
	v6 =	vld [tilespmem:s19+$0xFFFFFF90];
	v8 =	vmul.f32 $4.525483320e+01, v8;
	s19 =	simm.s32 $0x870;
	[tilespmem:s0+$0x0] =	vst v9  }
.LBB2_11:
0xc3: {  	v9 =	vld [tilespmem:s19+$0x0];
	s20 =	sadd.s32 $0x8, s20;
	[tilespmem:s0+$0xFFFFFFA0] =	vst v7;
	v5 =	vmul.f32 $4.525483320e+01, v5  }
0xc4: {  	v7 =	vld [tilespmem:s19+$0xFFFFFFA0];
	p1 =	slt.u32 s20, $0x78;
	[tilespmem:s0+$0xFFFFFFB0] =	vst v8;
	v3 =	vmul.f32 $4.525483320e+01, v3  }
0xc5: {  	v8 =	vld [tilespmem:s19+$0xFFFFFFB0];
	[tilespmem:s0+$0xFFFFFFC0] =	vst v5;
	v2 =	vmul.f32 $4.525483320e+01, v2  }
.Ltmp4:
0xc6: {  	v5 =	vld [tilespmem:s19+$0xFFFFFFC0];
	[tilespmem:s0+$0xFFFFFFD0] =	vst v3;
	v4 =	vmul.f32 $4.525483320e+01, v4;
	(pc) =	sbr.rel @p1 .LBB2_11-.Ltmp4, $4  }
0xc7: {  	v3 =	vld [tilespmem:s19+$0xFFFFFFD0];
	v6 =	vmul.f32 $4.525483320e+01, v6;
	[tilespmem:s0+$0xFFFFFFE0] =	vst v2  }
0xc8: {  	v2 =	vld [tilespmem:s19+$0xFFFFFFE0];
	v9 =	vmul.f32 $4.525483320e+01, v9;
	[tilespmem:s0+$0xFFFFFFF0] =	vst v4  }
0xc9: {  	v7 =	vmul.f32 $4.525483320e+01, v7;
	v4 =	vld [tilespmem:s19+$0xFFFFFFF0];
	[tilespmem:s0+$0xFFFFFF90] =	vst v6;
	s0 =	sadd.s32 $0x400, s0  }
0xca: {  	v6 =	vld [tilespmem:s19+$0xFFFFFF90];
	v8 =	vmul.f32 $4.525483320e+01, v8;
	[tilespmem:s0+$0x0] =	vst v9;
	s19 =	sadd.s32 $0x400, s19  }
0xcb: {  	[tilespmem:s0+$0xFFFFFFA0] =	vst v7;
	v5 =	vmul.f32 $4.525483320e+01, v5  }
0xcc: {  	[tilespmem:s0+$0xFFFFFFB0] =	vst v8;
	v3 =	vmul.f32 $4.525483320e+01, v3  }
0xcd: {  	[tilespmem:s0+$0xFFFFFFC0] =	vst v5;
	v2 =	vmul.f32 $4.525483320e+01, v2  }
0xce: {  	[tilespmem:s0+$0xFFFFFFD0] =	vst v3;
	v3 =	vmul.f32 $4.525483320e+01, v4  }
0xcf: {  	v4 =	vmul.f32 $4.525483320e+01, v6;
	[tilespmem:s0+$0xFFFFFFE0] =	vst v2  }
0xd0: {  	[tilespmem:s0+$0xFFFFFFF0] =	vst v3  }
0xd1: {  	[tilespmem:s0+$0xFFFFFF90] =	vst v4  }
0xd2: {  	v4 =	vld [tilespmem:s18+$0x0]  }
0xd3: {  	v6 =	vld [tilespmem:s18+$0xFFFFFFA0]  }
0xd4: {  	v8 =	vld [tilespmem:s18+$0xFFFFFFB0]  }
0xd5: {  	v5 =	vld [tilespmem:s18+$0xFFFFFFC0]  }
0xd6: {  	v3 =	vld [tilespmem:s18+$0xFFFFFFD0]  }
0xd7: {  	v2 =	vld [tilespmem:s18+$0xFFFFFFE0];
	v9 =	vmul.f32 $4.525483320e+01, v4  }
0xd8: {  	s20 =	simm.s32 $0x0;
	v4 =	vld [tilespmem:s18+$0xFFFFFFF0];
	v7 =	vmul.f32 $4.525483320e+01, v6  }
0xd9: {  	s19 =	simm.s32 $0x570;
	s0 =	simm.s32 $0xC570;
	v6 =	vld [tilespmem:s18+$0xFFFFFF90];
	v8 =	vmul.f32 $4.525483320e+01, v8;
	s18 =	simm.s32 $0x8F0;
	[tilespmem:s1+$0x0] =	vst v9  }
.LBB2_13:
0xda: {  	v9 =	vld [tilespmem:s18+$0x0];
	s20 =	sadd.s32 $0x8, s20;
	[tilespmem:s1+$0xFFFFFFA0] =	vst v7;
	v5 =	vmul.f32 $4.525483320e+01, v5  }
0xdb: {  	v7 =	vld [tilespmem:s18+$0xFFFFFFA0];
	p1 =	slt.u32 s20, $0x78;
	[tilespmem:s1+$0xFFFFFFB0] =	vst v8;
	v3 =	vmul.f32 $4.525483320e+01, v3  }
0xdc: {  	v8 =	vld [tilespmem:s18+$0xFFFFFFB0];
	[tilespmem:s1+$0xFFFFFFC0] =	vst v5;
	v2 =	vmul.f32 $4.525483320e+01, v2  }
.Ltmp5:
0xdd: {  	v5 =	vld [tilespmem:s18+$0xFFFFFFC0];
	[tilespmem:s1+$0xFFFFFFD0] =	vst v3;
	v4 =	vmul.f32 $4.525483320e+01, v4;
	(pc) =	sbr.rel @p1 .LBB2_13-.Ltmp5, $4  }
0xde: {  	v3 =	vld [tilespmem:s18+$0xFFFFFFD0];
	v6 =	vmul.f32 $4.525483320e+01, v6;
	[tilespmem:s1+$0xFFFFFFE0] =	vst v2  }
0xdf: {  	v2 =	vld [tilespmem:s18+$0xFFFFFFE0];
	v9 =	vmul.f32 $4.525483320e+01, v9;
	[tilespmem:s1+$0xFFFFFFF0] =	vst v4  }
0xe0: {  	v7 =	vmul.f32 $4.525483320e+01, v7;
	v4 =	vld [tilespmem:s18+$0xFFFFFFF0];
	[tilespmem:s1+$0xFFFFFF90] =	vst v6;
	s1 =	sadd.s32 $0x400, s1  }
0xe1: {  	v6 =	vld [tilespmem:s18+$0xFFFFFF90];
	v8 =	vmul.f32 $4.525483320e+01, v8;
	[tilespmem:s1+$0x0] =	vst v9;
	s18 =	sadd.s32 $0x400, s18  }
0xe2: {  	[tilespmem:s1+$0xFFFFFFA0] =	vst v7;
	v5 =	vmul.f32 $4.525483320e+01, v5  }
0xe3: {  	[tilespmem:s1+$0xFFFFFFB0] =	vst v8;
	v3 =	vmul.f32 $4.525483320e+01, v3  }
0xe4: {  	[tilespmem:s1+$0xFFFFFFC0] =	vst v5;
	v2 =	vmul.f32 $4.525483320e+01, v2  }
0xe5: {  	[tilespmem:s1+$0xFFFFFFD0] =	vst v3;
	v3 =	vmul.f32 $4.525483320e+01, v4  }
0xe6: {  	v4 =	vmul.f32 $4.525483320e+01, v6;
	[tilespmem:s1+$0xFFFFFFE0] =	vst v2  }
0xe7: {  	[tilespmem:s1+$0xFFFFFFF0] =	vst v3  }
0xe8: {  	[tilespmem:s1+$0xFFFFFF90] =	vst v4  }
0xe9: {  	v4 =	vld [tilespmem:s19+$0x0]  }
0xea: {  	v6 =	vld [tilespmem:s19+$0xFFFFFFA0]  }
0xeb: {  	v8 =	vld [tilespmem:s19+$0xFFFFFFB0]  }
0xec: {  	v5 =	vld [tilespmem:s19+$0xFFFFFFC0]  }
0xed: {  	v3 =	vld [tilespmem:s19+$0xFFFFFFD0]  }
0xee: {  	v2 =	vld [tilespmem:s19+$0xFFFFFFE0];
	v9 =	vmul.f32 $4.525483320e+01, v4  }
0xef: {  	s20 =	simm.s32 $0x0;
	v4 =	vld [tilespmem:s19+$0xFFFFFFF0];
	v7 =	vmul.f32 $4.525483320e+01, v6  }
0xf0: {  	s18 =	simm.s32 $0xC5F0;
	s1 =	simm.s32 $0x5F0;
	v6 =	vld [tilespmem:s19+$0xFFFFFF90];
	v8 =	vmul.f32 $4.525483320e+01, v8;
	s19 =	simm.s32 $0x970;
	[tilespmem:s0+$0x0] =	vst v9  }
.LBB2_15:
0xf1: {  	v9 =	vld [tilespmem:s19+$0x0];
	s20 =	sadd.s32 $0x8, s20;
	[tilespmem:s0+$0xFFFFFFA0] =	vst v7;
	v5 =	vmul.f32 $4.525483320e+01, v5  }
0xf2: {  	v7 =	vld [tilespmem:s19+$0xFFFFFFA0];
	p1 =	slt.u32 s20, $0x78;
	[tilespmem:s0+$0xFFFFFFB0] =	vst v8;
	v3 =	vmul.f32 $4.525483320e+01, v3  }
0xf3: {  	v8 =	vld [tilespmem:s19+$0xFFFFFFB0];
	[tilespmem:s0+$0xFFFFFFC0] =	vst v5;
	v2 =	vmul.f32 $4.525483320e+01, v2  }
.Ltmp6:
0xf4: {  	v5 =	vld [tilespmem:s19+$0xFFFFFFC0];
	[tilespmem:s0+$0xFFFFFFD0] =	vst v3;
	v4 =	vmul.f32 $4.525483320e+01, v4;
	(pc) =	sbr.rel @p1 .LBB2_15-.Ltmp6, $4  }
0xf5: {  	v3 =	vld [tilespmem:s19+$0xFFFFFFD0];
	v6 =	vmul.f32 $4.525483320e+01, v6;
	[tilespmem:s0+$0xFFFFFFE0] =	vst v2  }
0xf6: {  	v2 =	vld [tilespmem:s19+$0xFFFFFFE0];
	v9 =	vmul.f32 $4.525483320e+01, v9;
	[tilespmem:s0+$0xFFFFFFF0] =	vst v4  }
0xf7: {  	v7 =	vmul.f32 $4.525483320e+01, v7;
	v4 =	vld [tilespmem:s19+$0xFFFFFFF0];
	[tilespmem:s0+$0xFFFFFF90] =	vst v6;
	s0 =	sadd.s32 $0x400, s0  }
0xf8: {  	v6 =	vld [tilespmem:s19+$0xFFFFFF90];
	v8 =	vmul.f32 $4.525483320e+01, v8;
	[tilespmem:s0+$0x0] =	vst v9;
	s19 =	sadd.s32 $0x400, s19  }
0xf9: {  	[tilespmem:s0+$0xFFFFFFA0] =	vst v7;
	v5 =	vmul.f32 $4.525483320e+01, v5  }
0xfa: {  	[tilespmem:s0+$0xFFFFFFB0] =	vst v8;
	v3 =	vmul.f32 $4.525483320e+01, v3  }
0xfb: {  	[tilespmem:s0+$0xFFFFFFC0] =	vst v5;
	v2 =	vmul.f32 $4.525483320e+01, v2  }
0xfc: {  	[tilespmem:s0+$0xFFFFFFD0] =	vst v3;
	v3 =	vmul.f32 $4.525483320e+01, v4  }
0xfd: {  	v4 =	vmul.f32 $4.525483320e+01, v6;
	[tilespmem:s0+$0xFFFFFFE0] =	vst v2  }
0xfe: {  	[tilespmem:s0+$0xFFFFFFF0] =	vst v3  }
0xff: {  	[tilespmem:s0+$0xFFFFFF90] =	vst v4  }
0x100: {  	v3 =	vld [tilespmem:s1+$0x0]  }
0x101: {  	v6 =	vld [tilespmem:s1+$0xFFFFFFA0]  }
0x102: {  	v8 =	vld [tilespmem:s1+$0xFFFFFFB0]  }
0x103: {  	v5 =	vld [tilespmem:s1+$0xFFFFFFC0]  }
0x104: {  	v4 =	vld [tilespmem:s1+$0xFFFFFFD0]  }
0x105: {  	v2 =	vld [tilespmem:s1+$0xFFFFFFE0];
	v9 =	vmul.f32 $4.525483320e+01, v3  }
0x106: {  	v3 =	vld [tilespmem:s1+$0xFFFFFFF0];
	v7 =	vmul.f32 $4.525483320e+01, v6  }
0x107: {  	s0 =	simm.s32 $0x0;
	v6 =	vld [tilespmem:s1+$0xFFFFFF90];
	v8 =	vmul.f32 $4.525483320e+01, v8;
	s1 =	simm.s32 $0x9F0;
	[tilespmem:s18+$0x0] =	vst v9  }
.LBB2_17:
0x108: {  	v9 =	vld [tilespmem:s1+$0x0];
	s0 =	sadd.s32 $0x8, s0;
	[tilespmem:s18+$0xFFFFFFA0] =	vst v7;
	v5 =	vmul.f32 $4.525483320e+01, v5  }
0x109: {  	v7 =	vld [tilespmem:s1+$0xFFFFFFA0];
	p1 =	slt.u32 s0, $0x78;
	[tilespmem:s18+$0xFFFFFFB0] =	vst v8;
	v4 =	vmul.f32 $4.525483320e+01, v4  }
0x10a: {  	v8 =	vld [tilespmem:s1+$0xFFFFFFB0];
	[tilespmem:s18+$0xFFFFFFC0] =	vst v5;
	v2 =	vmul.f32 $4.525483320e+01, v2  }
.Ltmp7:
0x10b: {  	v5 =	vld [tilespmem:s1+$0xFFFFFFC0];
	[tilespmem:s18+$0xFFFFFFD0] =	vst v4;
	v3 =	vmul.f32 $4.525483320e+01, v3;
	(pc) =	sbr.rel @p1 .LBB2_17-.Ltmp7, $4  }
0x10c: {  	v4 =	vld [tilespmem:s1+$0xFFFFFFD0];
	v6 =	vmul.f32 $4.525483320e+01, v6;
	[tilespmem:s18+$0xFFFFFFE0] =	vst v2  }
0x10d: {  	v2 =	vld [tilespmem:s1+$0xFFFFFFE0];
	v9 =	vmul.f32 $4.525483320e+01, v9;
	[tilespmem:s18+$0xFFFFFFF0] =	vst v3  }
0x10e: {  	v7 =	vmul.f32 $4.525483320e+01, v7;
	v3 =	vld [tilespmem:s1+$0xFFFFFFF0];
	[tilespmem:s18+$0xFFFFFF90] =	vst v6;
	s18 =	sadd.s32 $0x400, s18  }
0x10f: {  	v6 =	vld [tilespmem:s1+$0xFFFFFF90];
	v8 =	vmul.f32 $4.525483320e+01, v8;
	[tilespmem:s18+$0x0] =	vst v9;
	s1 =	sadd.s32 $0x400, s1  }
0x110: {  	[tilespmem:s18+$0xFFFFFFA0] =	vst v7;
	v5 =	vmul.f32 $4.525483320e+01, v5  }
0x111: {  	[tilespmem:s18+$0xFFFFFFB0] =	vst v8;
	v4 =	vmul.f32 $4.525483320e+01, v4  }
0x112: {  	s1 =	smul.u32 $0x18, s31;
	[tilespmem:s18+$0xFFFFFFC0] =	vst v5;
	v2 =	vmul.f32 $4.525483320e+01, v2  }
0x113: {  	[tilespmem:s18+$0xFFFFFFD0] =	vst v4;
	v3 =	vmul.f32 $4.525483320e+01, v3  }
0x114: {  	s0 =	sadd.s32 s4, s1;
	v4 =	vmul.f32 $4.525483320e+01, v6;
	[tilespmem:s18+$0xFFFFFFE0] =	vst v2  }
0x115: {  	s0 =	sshll.u32 s0, $0x8;
	[tilespmem:s18+$0xFFFFFFF0] =	vst v3  }
0x116: {  	s21 =	smul.u32 $0x60, s31;
	s0 =	sadd.s32 s3, s0;
	[tilespmem:s18+$0xFFFFFF90] =	vst v4  }
0x117: {  	[hbm4b:s0+s5] =	stream.linear.scatter [tilespmem:s16], [sflag:$0x4], $0x4000, $0x38;
	[tilespmem:$0x18200] =	vst v63  }
0x118: {  	s0 =	sshra.s32 s21, $0x2  }
0x119: {  	v2 =	vld.msk [tilespmem:s0+$0x18], $0xff;
	_ =	sdelay $0x4  }
0x11a: {  	v3 =	vshll.u32 v2, $0x4  }
0x11b: {  	v2 =	vand.u32 $0x7, v2;
	v3 =	vand.u32 $0xFFFFFF80, v3  }
0x11c: {  	v2 =	vor.u32 v2, v3  }
0x11d: {  	v2 =	vperm.xlane v2, v0;
	_ =	sdelay $0x1  }
0x11e: {  	v2 =	vadd.s32 v1, v2;
	_ =	sdelay $0x3  }
0x11f: {  	s19 =	simm.s32 $0x200  }
0x120: {  	[tilespmem:s19], [sflag:$0x1] =	stream.indirect_vreg.gather [hbm4b:s2+s5], $0x80, v2, vm0, $0xb8;
	[tilespmem:$0x18200] =	vst v63  }
0x121: {  	s20 =	simm.s32 $0xA00  }
0x122: {  	[tilespmem:s20], [sflag:$0x1] =	stream.indirect_vreg.gather [hbm4b:s7+s5], $0x80, v2, vm0, $0xb8;
	[tilespmem:$0x18200] =	vst v63  }
0x123: {  	s21 =	simm.s32 $0x1200  }
0x124: {  	[tilespmem:s21], [sflag:$0x1] =	stream.indirect_vreg.gather [hbm4b:s8+s5], $0x80, v2, vm0, $0xb8;
	[tilespmem:$0x18200] =	vst v63  }
0x125: {  	_ = 	snop  }
0x126: {  	[tilespmem:s22], [sflag:$0x1] =	stream.indirect_vreg.gather [hbm4b:s9+s5], $0x80, v2, vm0, $0xb8;
	[tilespmem:$0x18200] =	vst v63  }
0x127: {  	_ = 	snop  }
0x128: {  	[tilespmem:s23], [sflag:$0x1] =	stream.indirect_vreg.gather [hbm4b:s10+s5], $0x80, v2, vm0, $0xb8;
	[tilespmem:$0x18200] =	vst v63  }
0x129: {  	_ = 	snop  }
0x12a: {  	[tilespmem:s24], [sflag:$0x1] =	stream.indirect_vreg.gather [hbm4b:s11+s5], $0x80, v2, vm0, $0xb8;
	[tilespmem:$0x18200] =	vst v63  }
0x12b: {  	_ = 	snop  }
0x12c: {  	[tilespmem:s25], [sflag:$0x1] =	stream.indirect_vreg.gather [hbm4b:s12+s5], $0x80, v2, vm0, $0xb8;
	[tilespmem:$0x18200] =	vst v63  }
0x12d: {  	_ = 	snop  }
0x12e: {  	[tilespmem:s26], [sflag:$0x1] =	stream.indirect_vreg.gather [hbm4b:s13+s5], $0x80, v2, vm0, $0xb8;
	[tilespmem:$0x18200] =	vst v63  }
0x12f: {  	_ =	swait.ge [sflag:s17], $0x4000  }
0x130: {  	[sflag:s17] =	ssyncset.done $0x0  }
0x131: {  	s18 =	simm.s32 @!p0 $0x5;
	[sflag:s17] =	ssyncadd.s32 $0xFFFFC000  }
0x132: {  	_ =	swait.ge @!p0 [sflag:s18], $0x4000  }
0x133: {  	[sflag:s18] =	ssyncset.done @!p0 $0x0  }
0x134: {  	s21 =	simm.s32 $0x4240;
	[sflag:s18] =	ssyncadd.s32 @!p0 $0xFFFFC000  }
0x135: {  	v4 =	vld [tilespmem:s21+$0x30]  }
0x136: {  	v6 =	vld [tilespmem:s21+$0xFFFFFFD0]  }
0x137: {  	v8 =	vld [tilespmem:s21+$0xFFFFFFE0]  }
0x138: {  	v5 =	vld [tilespmem:s21+$0xFFFFFFF0]  }
0x139: {  	v3 =	vld [tilespmem:s21+$0x0]  }
0x13a: {  	v2 =	vld [tilespmem:s21+$0x10];
	v9 =	vmul.f32 $4.525483320e+01, v4  }
0x13b: {  	s30 =	simm.s32 $0x102F0;
	s18 =	simm.s32 $0x10240;
	v4 =	vld [tilespmem:s21+$0x20];
	v7 =	vmul.f32 $4.525483320e+01, v6  }
0x13c: {  	s19 =	simm.s32 $0x42F0;
	s20 =	simm.s32 $0x0;
	v6 =	vld [tilespmem:s21+$0xFFFFFFC0];
	v8 =	vmul.f32 $4.525483320e+01, v8;
	s21 =	simm.s32 $0x4640;
	[tilespmem:s18+$0x30] =	vst v9  }
.LBB2_19:
0x13d: {  	v9 =	vld [tilespmem:s21+$0x30];
	s20 =	sadd.s32 $0x8, s20;
	[tilespmem:s18+$0xFFFFFFD0] =	vst v7;
	v5 =	vmul.f32 $4.525483320e+01, v5  }
0x13e: {  	v7 =	vld [tilespmem:s21+$0xFFFFFFD0];
	p1 =	slt.u32 s20, $0x78;
	[tilespmem:s18+$0xFFFFFFE0] =	vst v8;
	v3 =	vmul.f32 $4.525483320e+01, v3  }
0x13f: {  	v8 =	vld [tilespmem:s21+$0xFFFFFFE0];
	[tilespmem:s18+$0xFFFFFFF0] =	vst v5;
	v2 =	vmul.f32 $4.525483320e+01, v2  }
.Ltmp8:
0x140: {  	v5 =	vld [tilespmem:s21+$0xFFFFFFF0];
	[tilespmem:s18+$0x0] =	vst v3;
	v4 =	vmul.f32 $4.525483320e+01, v4;
	(pc) =	sbr.rel @p1 .LBB2_19-.Ltmp8, $4  }
0x141: {  	v3 =	vld [tilespmem:s21+$0x0];
	v6 =	vmul.f32 $4.525483320e+01, v6;
	[tilespmem:s18+$0x10] =	vst v2  }
0x142: {  	v2 =	vld [tilespmem:s21+$0x10];
	v9 =	vmul.f32 $4.525483320e+01, v9;
	[tilespmem:s18+$0x20] =	vst v4  }
0x143: {  	v7 =	vmul.f32 $4.525483320e+01, v7;
	v4 =	vld [tilespmem:s21+$0x20];
	[tilespmem:s18+$0xFFFFFFC0] =	vst v6;
	s18 =	sadd.s32 $0x400, s18  }
0x144: {  	v6 =	vld [tilespmem:s21+$0xFFFFFFC0];
	v8 =	vmul.f32 $4.525483320e+01, v8;
	[tilespmem:s18+$0x30] =	vst v9;
	s21 =	sadd.s32 $0x400, s21  }
0x145: {  	[tilespmem:s18+$0xFFFFFFD0] =	vst v7;
	v5 =	vmul.f32 $4.525483320e+01, v5  }
0x146: {  	[tilespmem:s18+$0xFFFFFFE0] =	vst v8;
	v3 =	vmul.f32 $4.525483320e+01, v3  }
0x147: {  	[tilespmem:s18+$0xFFFFFFF0] =	vst v5;
	v2 =	vmul.f32 $4.525483320e+01, v2  }
0x148: {  	[tilespmem:s18+$0x0] =	vst v3;
	v3 =	vmul.f32 $4.525483320e+01, v4  }
0x149: {  	v4 =	vmul.f32 $4.525483320e+01, v6;
	[tilespmem:s18+$0x10] =	vst v2  }
0x14a: {  	[tilespmem:s18+$0x20] =	vst v3  }
0x14b: {  	[tilespmem:s18+$0xFFFFFFC0] =	vst v4  }
0x14c: {  	v4 =	vld [tilespmem:s19+$0x0]  }
0x14d: {  	v6 =	vld [tilespmem:s19+$0xFFFFFFA0]  }
0x14e: {  	v8 =	vld [tilespmem:s19+$0xFFFFFFB0]  }
0x14f: {  	v5 =	vld [tilespmem:s19+$0xFFFFFFC0]  }
0x150: {  	v3 =	vld [tilespmem:s19+$0xFFFFFFD0]  }
0x151: {  	v2 =	vld [tilespmem:s19+$0xFFFFFFE0];
	v9 =	vmul.f32 $4.525483320e+01, v4  }
0x152: {  	s21 =	simm.s32 $0x0;
	v4 =	vld [tilespmem:s19+$0xFFFFFFF0];
	v7 =	vmul.f32 $4.525483320e+01, v6  }
0x153: {  	s20 =	simm.s32 $0x4370;
	s18 =	simm.s32 $0x10370;
	v6 =	vld [tilespmem:s19+$0xFFFFFF90];
	v8 =	vmul.f32 $4.525483320e+01, v8;
	s19 =	simm.s32 $0x46F0;
	[tilespmem:s30+$0x0] =	vst v9  }
.LBB2_21:
0x154: {  	v9 =	vld [tilespmem:s19+$0x0];
	s21 =	sadd.s32 $0x8, s21;
	[tilespmem:s30+$0xFFFFFFA0] =	vst v7;
	v5 =	vmul.f32 $4.525483320e+01, v5  }
0x155: {  	v7 =	vld [tilespmem:s19+$0xFFFFFFA0];
	p1 =	slt.u32 s21, $0x78;
	[tilespmem:s30+$0xFFFFFFB0] =	vst v8;
	v3 =	vmul.f32 $4.525483320e+01, v3  }
0x156: {  	v8 =	vld [tilespmem:s19+$0xFFFFFFB0];
	[tilespmem:s30+$0xFFFFFFC0] =	vst v5;
	v2 =	vmul.f32 $4.525483320e+01, v2  }
.Ltmp9:
0x157: {  	v5 =	vld [tilespmem:s19+$0xFFFFFFC0];
	[tilespmem:s30+$0xFFFFFFD0] =	vst v3;
	v4 =	vmul.f32 $4.525483320e+01, v4;
	(pc) =	sbr.rel @p1 .LBB2_21-.Ltmp9, $4  }
0x158: {  	v3 =	vld [tilespmem:s19+$0xFFFFFFD0];
	v6 =	vmul.f32 $4.525483320e+01, v6;
	[tilespmem:s30+$0xFFFFFFE0] =	vst v2  }
0x159: {  	v2 =	vld [tilespmem:s19+$0xFFFFFFE0];
	v9 =	vmul.f32 $4.525483320e+01, v9;
	[tilespmem:s30+$0xFFFFFFF0] =	vst v4  }
0x15a: {  	v7 =	vmul.f32 $4.525483320e+01, v7;
	v4 =	vld [tilespmem:s19+$0xFFFFFFF0];
	[tilespmem:s30+$0xFFFFFF90] =	vst v6;
	s30 =	sadd.s32 $0x400, s30  }
0x15b: {  	v6 =	vld [tilespmem:s19+$0xFFFFFF90];
	v8 =	vmul.f32 $4.525483320e+01, v8;
	[tilespmem:s30+$0x0] =	vst v9;
	s19 =	sadd.s32 $0x400, s19  }
0x15c: {  	[tilespmem:s30+$0xFFFFFFA0] =	vst v7;
	v5 =	vmul.f32 $4.525483320e+01, v5  }
0x15d: {  	[tilespmem:s30+$0xFFFFFFB0] =	vst v8;
	v3 =	vmul.f32 $4.525483320e+01, v3  }
0x15e: {  	[tilespmem:s30+$0xFFFFFFC0] =	vst v5;
	v2 =	vmul.f32 $4.525483320e+01, v2  }
0x15f: {  	[tilespmem:s30+$0xFFFFFFD0] =	vst v3;
	v3 =	vmul.f32 $4.525483320e+01, v4  }
0x160: {  	v4 =	vmul.f32 $4.525483320e+01, v6;
	[tilespmem:s30+$0xFFFFFFE0] =	vst v2  }
0x161: {  	[tilespmem:s30+$0xFFFFFFF0] =	vst v3  }
0x162: {  	[tilespmem:s30+$0xFFFFFF90] =	vst v4  }
0x163: {  	v4 =	vld [tilespmem:s20+$0x0]  }
0x164: {  	v6 =	vld [tilespmem:s20+$0xFFFFFFA0]  }
0x165: {  	v8 =	vld [tilespmem:s20+$0xFFFFFFB0]  }
0x166: {  	v5 =	vld [tilespmem:s20+$0xFFFFFFC0]  }
0x167: {  	v3 =	vld [tilespmem:s20+$0xFFFFFFD0]  }
0x168: {  	v2 =	vld [tilespmem:s20+$0xFFFFFFE0];
	v9 =	vmul.f32 $4.525483320e+01, v4  }
0x169: {  	s21 =	simm.s32 $0x0;
	v4 =	vld [tilespmem:s20+$0xFFFFFFF0];
	v7 =	vmul.f32 $4.525483320e+01, v6  }
0x16a: {  	s19 =	simm.s32 $0x43F0;
	s30 =	simm.s32 $0x103F0;
	v6 =	vld [tilespmem:s20+$0xFFFFFF90];
	v8 =	vmul.f32 $4.525483320e+01, v8;
	s20 =	simm.s32 $0x4770;
	[tilespmem:s18+$0x0] =	vst v9  }
.LBB2_23:
0x16b: {  	v9 =	vld [tilespmem:s20+$0x0];
	s21 =	sadd.s32 $0x8, s21;
	[tilespmem:s18+$0xFFFFFFA0] =	vst v7;
	v5 =	vmul.f32 $4.525483320e+01, v5  }
0x16c: {  	v7 =	vld [tilespmem:s20+$0xFFFFFFA0];
	p1 =	slt.u32 s21, $0x78;
	[tilespmem:s18+$0xFFFFFFB0] =	vst v8;
	v3 =	vmul.f32 $4.525483320e+01, v3  }
0x16d: {  	v8 =	vld [tilespmem:s20+$0xFFFFFFB0];
	[tilespmem:s18+$0xFFFFFFC0] =	vst v5;
	v2 =	vmul.f32 $4.525483320e+01, v2  }
.Ltmp10:
0x16e: {  	v5 =	vld [tilespmem:s20+$0xFFFFFFC0];
	[tilespmem:s18+$0xFFFFFFD0] =	vst v3;
	v4 =	vmul.f32 $4.525483320e+01, v4;
	(pc) =	sbr.rel @p1 .LBB2_23-.Ltmp10, $4  }
0x16f: {  	v3 =	vld [tilespmem:s20+$0xFFFFFFD0];
	v6 =	vmul.f32 $4.525483320e+01, v6;
	[tilespmem:s18+$0xFFFFFFE0] =	vst v2  }
0x170: {  	v2 =	vld [tilespmem:s20+$0xFFFFFFE0];
	v9 =	vmul.f32 $4.525483320e+01, v9;
	[tilespmem:s18+$0xFFFFFFF0] =	vst v4  }
0x171: {  	v7 =	vmul.f32 $4.525483320e+01, v7;
	v4 =	vld [tilespmem:s20+$0xFFFFFFF0];
	[tilespmem:s18+$0xFFFFFF90] =	vst v6;
	s18 =	sadd.s32 $0x400, s18  }
0x172: {  	v6 =	vld [tilespmem:s20+$0xFFFFFF90];
	v8 =	vmul.f32 $4.525483320e+01, v8;
	[tilespmem:s18+$0x0] =	vst v9;
	s20 =	sadd.s32 $0x400, s20  }
0x173: {  	[tilespmem:s18+$0xFFFFFFA0] =	vst v7;
	v5 =	vmul.f32 $4.525483320e+01, v5  }
0x174: {  	[tilespmem:s18+$0xFFFFFFB0] =	vst v8;
	v3 =	vmul.f32 $4.525483320e+01, v3  }
0x175: {  	[tilespmem:s18+$0xFFFFFFC0] =	vst v5;
	v2 =	vmul.f32 $4.525483320e+01, v2  }
0x176: {  	[tilespmem:s18+$0xFFFFFFD0] =	vst v3;
	v3 =	vmul.f32 $4.525483320e+01, v4  }
0x177: {  	v4 =	vmul.f32 $4.525483320e+01, v6;
	[tilespmem:s18+$0xFFFFFFE0] =	vst v2  }
0x178: {  	[tilespmem:s18+$0xFFFFFFF0] =	vst v3  }
0x179: {  	[tilespmem:s18+$0xFFFFFF90] =	vst v4  }
0x17a: {  	v4 =	vld [tilespmem:s19+$0x0]  }
0x17b: {  	v6 =	vld [tilespmem:s19+$0xFFFFFFA0]  }
0x17c: {  	v8 =	vld [tilespmem:s19+$0xFFFFFFB0]  }
0x17d: {  	v5 =	vld [tilespmem:s19+$0xFFFFFFC0]  }
0x17e: {  	v3 =	vld [tilespmem:s19+$0xFFFFFFD0]  }
0x17f: {  	v2 =	vld [tilespmem:s19+$0xFFFFFFE0];
	v9 =	vmul.f32 $4.525483320e+01, v4  }
0x180: {  	s21 =	simm.s32 $0x0;
	v4 =	vld [tilespmem:s19+$0xFFFFFFF0];
	v7 =	vmul.f32 $4.525483320e+01, v6  }
0x181: {  	s20 =	simm.s32 $0x4470;
	s18 =	simm.s32 $0x10470;
	v6 =	vld [tilespmem:s19+$0xFFFFFF90];
	v8 =	vmul.f32 $4.525483320e+01, v8;
	s19 =	simm.s32 $0x47F0;
	[tilespmem:s30+$0x0] =	vst v9  }
.LBB2_25:
0x182: {  	v9 =	vld [tilespmem:s19+$0x0];
	s21 =	sadd.s32 $0x8, s21;
	[tilespmem:s30+$0xFFFFFFA0] =	vst v7;
	v5 =	vmul.f32 $4.525483320e+01, v5  }
0x183: {  	v7 =	vld [tilespmem:s19+$0xFFFFFFA0];
	p1 =	slt.u32 s21, $0x78;
	[tilespmem:s30+$0xFFFFFFB0] =	vst v8;
	v3 =	vmul.f32 $4.525483320e+01, v3  }
0x184: {  	v8 =	vld [tilespmem:s19+$0xFFFFFFB0];
	[tilespmem:s30+$0xFFFFFFC0] =	vst v5;
	v2 =	vmul.f32 $4.525483320e+01, v2  }
.Ltmp11:
0x185: {  	v5 =	vld [tilespmem:s19+$0xFFFFFFC0];
	[tilespmem:s30+$0xFFFFFFD0] =	vst v3;
	v4 =	vmul.f32 $4.525483320e+01, v4;
	(pc) =	sbr.rel @p1 .LBB2_25-.Ltmp11, $4  }
0x186: {  	v3 =	vld [tilespmem:s19+$0xFFFFFFD0];
	v6 =	vmul.f32 $4.525483320e+01, v6;
	[tilespmem:s30+$0xFFFFFFE0] =	vst v2  }
0x187: {  	v2 =	vld [tilespmem:s19+$0xFFFFFFE0];
	v9 =	vmul.f32 $4.525483320e+01, v9;
	[tilespmem:s30+$0xFFFFFFF0] =	vst v4  }
0x188: {  	v7 =	vmul.f32 $4.525483320e+01, v7;
	v4 =	vld [tilespmem:s19+$0xFFFFFFF0];
	[tilespmem:s30+$0xFFFFFF90] =	vst v6;
	s30 =	sadd.s32 $0x400, s30  }
0x189: {  	v6 =	vld [tilespmem:s19+$0xFFFFFF90];
	v8 =	vmul.f32 $4.525483320e+01, v8;
	[tilespmem:s30+$0x0] =	vst v9;
	s19 =	sadd.s32 $0x400, s19  }
0x18a: {  	[tilespmem:s30+$0xFFFFFFA0] =	vst v7;
	v5 =	vmul.f32 $4.525483320e+01, v5  }
0x18b: {  	[tilespmem:s30+$0xFFFFFFB0] =	vst v8;
	v3 =	vmul.f32 $4.525483320e+01, v3  }
0x18c: {  	[tilespmem:s30+$0xFFFFFFC0] =	vst v5;
	v2 =	vmul.f32 $4.525483320e+01, v2  }
0x18d: {  	[tilespmem:s30+$0xFFFFFFD0] =	vst v3;
	v3 =	vmul.f32 $4.525483320e+01, v4  }
0x18e: {  	v4 =	vmul.f32 $4.525483320e+01, v6;
	[tilespmem:s30+$0xFFFFFFE0] =	vst v2  }
0x18f: {  	[tilespmem:s30+$0xFFFFFFF0] =	vst v3  }
0x190: {  	[tilespmem:s30+$0xFFFFFF90] =	vst v4  }
0x191: {  	v4 =	vld [tilespmem:s20+$0x0]  }
0x192: {  	v6 =	vld [tilespmem:s20+$0xFFFFFFA0]  }
0x193: {  	v8 =	vld [tilespmem:s20+$0xFFFFFFB0]  }
0x194: {  	v5 =	vld [tilespmem:s20+$0xFFFFFFC0]  }
0x195: {  	v3 =	vld [tilespmem:s20+$0xFFFFFFD0]  }
0x196: {  	v2 =	vld [tilespmem:s20+$0xFFFFFFE0];
	v9 =	vmul.f32 $4.525483320e+01, v4  }
0x197: {  	s21 =	simm.s32 $0x0;
	v4 =	vld [tilespmem:s20+$0xFFFFFFF0];
	v7 =	vmul.f32 $4.525483320e+01, v6  }
0x198: {  	s19 =	simm.s32 $0x44F0;
	s30 =	simm.s32 $0x104F0;
	v6 =	vld [tilespmem:s20+$0xFFFFFF90];
	v8 =	vmul.f32 $4.525483320e+01, v8;
	s20 =	simm.s32 $0x4870;
	[tilespmem:s18+$0x0] =	vst v9  }
.LBB2_27:
0x199: {  	v9 =	vld [tilespmem:s20+$0x0];
	s21 =	sadd.s32 $0x8, s21;
	[tilespmem:s18+$0xFFFFFFA0] =	vst v7;
	v5 =	vmul.f32 $4.525483320e+01, v5  }
0x19a: {  	v7 =	vld [tilespmem:s20+$0xFFFFFFA0];
	p1 =	slt.u32 s21, $0x78;
	[tilespmem:s18+$0xFFFFFFB0] =	vst v8;
	v3 =	vmul.f32 $4.525483320e+01, v3  }
0x19b: {  	v8 =	vld [tilespmem:s20+$0xFFFFFFB0];
	[tilespmem:s18+$0xFFFFFFC0] =	vst v5;
	v2 =	vmul.f32 $4.525483320e+01, v2  }
.Ltmp12:
0x19c: {  	v5 =	vld [tilespmem:s20+$0xFFFFFFC0];
	[tilespmem:s18+$0xFFFFFFD0] =	vst v3;
	v4 =	vmul.f32 $4.525483320e+01, v4;
	(pc) =	sbr.rel @p1 .LBB2_27-.Ltmp12, $4  }
0x19d: {  	v3 =	vld [tilespmem:s20+$0xFFFFFFD0];
	v6 =	vmul.f32 $4.525483320e+01, v6;
	[tilespmem:s18+$0xFFFFFFE0] =	vst v2  }
0x19e: {  	v2 =	vld [tilespmem:s20+$0xFFFFFFE0];
	v9 =	vmul.f32 $4.525483320e+01, v9;
	[tilespmem:s18+$0xFFFFFFF0] =	vst v4  }
0x19f: {  	v7 =	vmul.f32 $4.525483320e+01, v7;
	v4 =	vld [tilespmem:s20+$0xFFFFFFF0];
	[tilespmem:s18+$0xFFFFFF90] =	vst v6;
	s18 =	sadd.s32 $0x400, s18  }
0x1a0: {  	v6 =	vld [tilespmem:s20+$0xFFFFFF90];
	v8 =	vmul.f32 $4.525483320e+01, v8;
	[tilespmem:s18+$0x0] =	vst v9;
	s20 =	sadd.s32 $0x400, s20  }
0x1a1: {  	[tilespmem:s18+$0xFFFFFFA0] =	vst v7;
	v5 =	vmul.f32 $4.525483320e+01, v5  }
0x1a2: {  	[tilespmem:s18+$0xFFFFFFB0] =	vst v8;
	v3 =	vmul.f32 $4.525483320e+01, v3  }
0x1a3: {  	[tilespmem:s18+$0xFFFFFFC0] =	vst v5;
	v2 =	vmul.f32 $4.525483320e+01, v2  }
0x1a4: {  	[tilespmem:s18+$0xFFFFFFD0] =	vst v3;
	v3 =	vmul.f32 $4.525483320e+01, v4  }
0x1a5: {  	v4 =	vmul.f32 $4.525483320e+01, v6;
	[tilespmem:s18+$0xFFFFFFE0] =	vst v2  }
0x1a6: {  	[tilespmem:s18+$0xFFFFFFF0] =	vst v3  }
0x1a7: {  	[tilespmem:s18+$0xFFFFFF90] =	vst v4  }
0x1a8: {  	v4 =	vld [tilespmem:s19+$0x0]  }
0x1a9: {  	v6 =	vld [tilespmem:s19+$0xFFFFFFA0]  }
0x1aa: {  	v8 =	vld [tilespmem:s19+$0xFFFFFFB0]  }
0x1ab: {  	v5 =	vld [tilespmem:s19+$0xFFFFFFC0]  }
0x1ac: {  	v3 =	vld [tilespmem:s19+$0xFFFFFFD0]  }
0x1ad: {  	v2 =	vld [tilespmem:s19+$0xFFFFFFE0];
	v9 =	vmul.f32 $4.525483320e+01, v4  }
0x1ae: {  	s21 =	simm.s32 $0x0;
	v4 =	vld [tilespmem:s19+$0xFFFFFFF0];
	v7 =	vmul.f32 $4.525483320e+01, v6  }
0x1af: {  	s20 =	simm.s32 $0x4570;
	s18 =	simm.s32 $0x10570;
	v6 =	vld [tilespmem:s19+$0xFFFFFF90];
	v8 =	vmul.f32 $4.525483320e+01, v8;
	s19 =	simm.s32 $0x48F0;
	[tilespmem:s30+$0x0] =	vst v9  }
.LBB2_29:
0x1b0: {  	v9 =	vld [tilespmem:s19+$0x0];
	s21 =	sadd.s32 $0x8, s21;
	[tilespmem:s30+$0xFFFFFFA0] =	vst v7;
	v5 =	vmul.f32 $4.525483320e+01, v5  }
0x1b1: {  	v7 =	vld [tilespmem:s19+$0xFFFFFFA0];
	p1 =	slt.u32 s21, $0x78;
	[tilespmem:s30+$0xFFFFFFB0] =	vst v8;
	v3 =	vmul.f32 $4.525483320e+01, v3  }
0x1b2: {  	v8 =	vld [tilespmem:s19+$0xFFFFFFB0];
	[tilespmem:s30+$0xFFFFFFC0] =	vst v5;
	v2 =	vmul.f32 $4.525483320e+01, v2  }
.Ltmp13:
0x1b3: {  	v5 =	vld [tilespmem:s19+$0xFFFFFFC0];
	[tilespmem:s30+$0xFFFFFFD0] =	vst v3;
	v4 =	vmul.f32 $4.525483320e+01, v4;
	(pc) =	sbr.rel @p1 .LBB2_29-.Ltmp13, $4  }
0x1b4: {  	v3 =	vld [tilespmem:s19+$0xFFFFFFD0];
	v6 =	vmul.f32 $4.525483320e+01, v6;
	[tilespmem:s30+$0xFFFFFFE0] =	vst v2  }
0x1b5: {  	v2 =	vld [tilespmem:s19+$0xFFFFFFE0];
	v9 =	vmul.f32 $4.525483320e+01, v9;
	[tilespmem:s30+$0xFFFFFFF0] =	vst v4  }
0x1b6: {  	v7 =	vmul.f32 $4.525483320e+01, v7;
	v4 =	vld [tilespmem:s19+$0xFFFFFFF0];
	[tilespmem:s30+$0xFFFFFF90] =	vst v6;
	s30 =	sadd.s32 $0x400, s30  }
0x1b7: {  	v6 =	vld [tilespmem:s19+$0xFFFFFF90];
	v8 =	vmul.f32 $4.525483320e+01, v8;
	[tilespmem:s30+$0x0] =	vst v9;
	s19 =	sadd.s32 $0x400, s19  }
0x1b8: {  	[tilespmem:s30+$0xFFFFFFA0] =	vst v7;
	v5 =	vmul.f32 $4.525483320e+01, v5  }
0x1b9: {  	[tilespmem:s30+$0xFFFFFFB0] =	vst v8;
	v3 =	vmul.f32 $4.525483320e+01, v3  }
0x1ba: {  	[tilespmem:s30+$0xFFFFFFC0] =	vst v5;
	v2 =	vmul.f32 $4.525483320e+01, v2  }
0x1bb: {  	[tilespmem:s30+$0xFFFFFFD0] =	vst v3;
	v3 =	vmul.f32 $4.525483320e+01, v4  }
0x1bc: {  	v4 =	vmul.f32 $4.525483320e+01, v6;
	[tilespmem:s30+$0xFFFFFFE0] =	vst v2  }
0x1bd: {  	[tilespmem:s30+$0xFFFFFFF0] =	vst v3  }
0x1be: {  	[tilespmem:s30+$0xFFFFFF90] =	vst v4  }
0x1bf: {  	v4 =	vld [tilespmem:s20+$0x0]  }
0x1c0: {  	v6 =	vld [tilespmem:s20+$0xFFFFFFA0]  }
0x1c1: {  	v8 =	vld [tilespmem:s20+$0xFFFFFFB0]  }
0x1c2: {  	v5 =	vld [tilespmem:s20+$0xFFFFFFC0]  }
0x1c3: {  	v3 =	vld [tilespmem:s20+$0xFFFFFFD0]  }
0x1c4: {  	v2 =	vld [tilespmem:s20+$0xFFFFFFE0];
	v9 =	vmul.f32 $4.525483320e+01, v4  }
0x1c5: {  	s21 =	simm.s32 $0x0;
	v4 =	vld [tilespmem:s20+$0xFFFFFFF0];
	v7 =	vmul.f32 $4.525483320e+01, v6  }
0x1c6: {  	s19 =	simm.s32 $0x45F0;
	s30 =	simm.s32 $0x105F0;
	v6 =	vld [tilespmem:s20+$0xFFFFFF90];
	v8 =	vmul.f32 $4.525483320e+01, v8;
	s20 =	simm.s32 $0x4970;
	[tilespmem:s18+$0x0] =	vst v9  }
.LBB2_31:
0x1c7: {  	v9 =	vld [tilespmem:s20+$0x0];
	s21 =	sadd.s32 $0x8, s21;
	[tilespmem:s18+$0xFFFFFFA0] =	vst v7;
	v5 =	vmul.f32 $4.525483320e+01, v5  }
0x1c8: {  	v7 =	vld [tilespmem:s20+$0xFFFFFFA0];
	p1 =	slt.u32 s21, $0x78;
	[tilespmem:s18+$0xFFFFFFB0] =	vst v8;
	v3 =	vmul.f32 $4.525483320e+01, v3  }
0x1c9: {  	v8 =	vld [tilespmem:s20+$0xFFFFFFB0];
	[tilespmem:s18+$0xFFFFFFC0] =	vst v5;
	v2 =	vmul.f32 $4.525483320e+01, v2  }
.Ltmp14:
0x1ca: {  	v5 =	vld [tilespmem:s20+$0xFFFFFFC0];
	[tilespmem:s18+$0xFFFFFFD0] =	vst v3;
	v4 =	vmul.f32 $4.525483320e+01, v4;
	(pc) =	sbr.rel @p1 .LBB2_31-.Ltmp14, $4  }
0x1cb: {  	v3 =	vld [tilespmem:s20+$0xFFFFFFD0];
	v6 =	vmul.f32 $4.525483320e+01, v6;
	[tilespmem:s18+$0xFFFFFFE0] =	vst v2  }
0x1cc: {  	v2 =	vld [tilespmem:s20+$0xFFFFFFE0];
	v9 =	vmul.f32 $4.525483320e+01, v9;
	[tilespmem:s18+$0xFFFFFFF0] =	vst v4  }
0x1cd: {  	v7 =	vmul.f32 $4.525483320e+01, v7;
	v4 =	vld [tilespmem:s20+$0xFFFFFFF0];
	[tilespmem:s18+$0xFFFFFF90] =	vst v6;
	s18 =	sadd.s32 $0x400, s18  }
0x1ce: {  	v6 =	vld [tilespmem:s20+$0xFFFFFF90];
	v8 =	vmul.f32 $4.525483320e+01, v8;
	[tilespmem:s18+$0x0] =	vst v9;
	s20 =	sadd.s32 $0x400, s20  }
0x1cf: {  	[tilespmem:s18+$0xFFFFFFA0] =	vst v7;
	v5 =	vmul.f32 $4.525483320e+01, v5  }
0x1d0: {  	[tilespmem:s18+$0xFFFFFFB0] =	vst v8;
	v3 =	vmul.f32 $4.525483320e+01, v3  }
0x1d1: {  	[tilespmem:s18+$0xFFFFFFC0] =	vst v5;
	v2 =	vmul.f32 $4.525483320e+01, v2  }
0x1d2: {  	[tilespmem:s18+$0xFFFFFFD0] =	vst v3;
	v3 =	vmul.f32 $4.525483320e+01, v4  }
0x1d3: {  	v4 =	vmul.f32 $4.525483320e+01, v6;
	[tilespmem:s18+$0xFFFFFFE0] =	vst v2  }
0x1d4: {  	[tilespmem:s18+$0xFFFFFFF0] =	vst v3  }
0x1d5: {  	[tilespmem:s18+$0xFFFFFF90] =	vst v4  }
0x1d6: {  	v4 =	vld [tilespmem:s19+$0x0]  }
0x1d7: {  	v6 =	vld [tilespmem:s19+$0xFFFFFFA0]  }
0x1d8: {  	v8 =	vld [tilespmem:s19+$0xFFFFFFB0]  }
0x1d9: {  	v5 =	vld [tilespmem:s19+$0xFFFFFFC0]  }
0x1da: {  	v3 =	vld [tilespmem:s19+$0xFFFFFFD0]  }
0x1db: {  	v2 =	vld [tilespmem:s19+$0xFFFFFFE0];
	v9 =	vmul.f32 $4.525483320e+01, v4  }
0x1dc: {  	v4 =	vld [tilespmem:s19+$0xFFFFFFF0];
	v7 =	vmul.f32 $4.525483320e+01, v6  }
0x1dd: {  	s18 =	simm.s32 $0x0;
	v6 =	vld [tilespmem:s19+$0xFFFFFF90];
	v8 =	vmul.f32 $4.525483320e+01, v8;
	s19 =	simm.s32 $0x49F0;
	[tilespmem:s30+$0x0] =	vst v9  }
.LBB2_33:
0x1de: {  	v9 =	vld [tilespmem:s19+$0x0];
	s18 =	sadd.s32 $0x8, s18;
	[tilespmem:s30+$0xFFFFFFA0] =	vst v7;
	v5 =	vmul.f32 $4.525483320e+01, v5  }
0x1df: {  	v7 =	vld [tilespmem:s19+$0xFFFFFFA0];
	p1 =	slt.u32 s18, $0x78;
	[tilespmem:s30+$0xFFFFFFB0] =	vst v8;
	v3 =	vmul.f32 $4.525483320e+01, v3  }
0x1e0: {  	v8 =	vld [tilespmem:s19+$0xFFFFFFB0];
	[tilespmem:s30+$0xFFFFFFC0] =	vst v5;
	v2 =	vmul.f32 $4.525483320e+01, v2  }
.Ltmp15:
0x1e1: {  	v5 =	vld [tilespmem:s19+$0xFFFFFFC0];
	[tilespmem:s30+$0xFFFFFFD0] =	vst v3;
	v4 =	vmul.f32 $4.525483320e+01, v4;
	(pc) =	sbr.rel @p1 .LBB2_33-.Ltmp15, $4  }
0x1e2: {  	v3 =	vld [tilespmem:s19+$0xFFFFFFD0];
	v6 =	vmul.f32 $4.525483320e+01, v6;
	[tilespmem:s30+$0xFFFFFFE0] =	vst v2  }
0x1e3: {  	v2 =	vld [tilespmem:s19+$0xFFFFFFE0];
	v9 =	vmul.f32 $4.525483320e+01, v9;
	[tilespmem:s30+$0xFFFFFFF0] =	vst v4  }
0x1e4: {  	v7 =	vmul.f32 $4.525483320e+01, v7;
	v4 =	vld [tilespmem:s19+$0xFFFFFFF0];
	[tilespmem:s30+$0xFFFFFF90] =	vst v6;
	s30 =	sadd.s32 $0x400, s30  }
0x1e5: {  	v6 =	vld [tilespmem:s19+$0xFFFFFF90];
	v8 =	vmul.f32 $4.525483320e+01, v8;
	[tilespmem:s30+$0x0] =	vst v9;
	s19 =	sadd.s32 $0x400, s19  }
0x1e6: {  	[tilespmem:s30+$0xFFFFFFA0] =	vst v7;
	v5 =	vmul.f32 $4.525483320e+01, v5  }
0x1e7: {  	[tilespmem:s30+$0xFFFFFFB0] =	vst v8;
	v3 =	vmul.f32 $4.525483320e+01, v3  }
0x1e8: {  	p1 =	sne.s32 s31, $0x14;
	[tilespmem:s30+$0xFFFFFFC0] =	vst v5;
	v2 =	vmul.f32 $4.525483320e+01, v2  }
.Ltmp16:
0x1e9: {  	[tilespmem:s30+$0xFFFFFFD0] =	vst v3;
	v3 =	vmul.f32 $4.525483320e+01, v4;
	(pc) =	sbr.rel @p1 .LBB2_36-.Ltmp16, $4  }
0x1ea: {  	s18 =	sadd.s32 s1, s14;
	v63 =	vmul.f32 $4.525483320e+01, v6;
	[tilespmem:s30+$0xFFFFFFE0] =	vst v2  }
0x1eb: {  	s18 =	sshll.u32 s18, $0x8;
	[tilespmem:s30+$0xFFFFFFF0] =	vst v3  }
0x1ec: {  	s19 =	simm.s32 $0x10200;
	s18 =	sadd.s32 s3, s18;
	[tilespmem:s30+$0xFFFFFF90] =	vst v63  }
0x1ed: {  	[hbm4b:s18+s5] =	stream.linear.scatter [tilespmem:s19], [sflag:$0x5], $0x4000, $0x38;
	[tilespmem:$0x18200] =	vst v63  }
.Ltmp17:
0x1ee: {  	(pc) =	sbr.rel .LBB2_37-.Ltmp17, $4  }
0x1ef: {  	_ = 	snop  }
0x1f0: {  	_ =	swait.ge [sflag:s28], $0x4000  }
0x1f1: {  	[sflag:s28] =	ssyncset.done $0x0  }
0x1f2: {  	[sflag:s28] =	ssyncadd.s32 $0xFFFFC000  }
.LBB2_36:
0x1f3: {  	v2 =	vld.msk [tilespmem:s0+$0x20], $0xff;
	_ =	sdelay $0x4  }
0x1f4: {  	v3 =	vshll.u32 v2, $0x4  }
0x1f5: {  	v2 =	vand.u32 $0x7, v2;
	v3 =	vand.u32 $0xFFFFFF80, v3  }
0x1f6: {  	v2 =	vor.u32 v2, v3  }
0x1f7: {  	v2 =	vperm.xlane v2, v0;
	_ =	sdelay $0x1  }
0x1f8: {  	v2 =	vadd.s32 v1, v2;
	_ =	sdelay $0x3  }
0x1f9: {  	s18 =	simm.s32 $0x4200  }
0x1fa: {  	[tilespmem:s18], [sflag:$0x2] =	stream.indirect_vreg.gather [hbm4b:s2+s5], $0x80, v2, vm0, $0xb8;
	[tilespmem:$0x18200] =	vst v63  }
0x1fb: {  	s20 =	simm.s32 $0x4A00  }
0x1fc: {  	[tilespmem:s20], [sflag:$0x2] =	stream.indirect_vreg.gather [hbm4b:s7+s5], $0x80, v2, vm0, $0xb8;
	[tilespmem:$0x18200] =	vst v63  }
0x1fd: {  	s21 =	simm.s32 $0x5200  }
0x1fe: {  	[tilespmem:s21], [sflag:$0x2] =	stream.indirect_vreg.gather [hbm4b:s8+s5], $0x80, v2, vm0, $0xb8;
	[tilespmem:$0x18200] =	vst v63  }
0x1ff: {  	s30 =	simm.s32 $0x5A00  }
0x200: {  	[tilespmem:s30], [sflag:$0x2] =	stream.indirect_vreg.gather [hbm4b:s9+s5], $0x80, v2, vm0, $0xb8;
	[tilespmem:$0x18200] =	vst v63  }
0x201: {  	s19 =	simm.s32 $0x6200  }
0x202: {  	[tilespmem:s19], [sflag:$0x2] =	stream.indirect_vreg.gather [hbm4b:s10+s5], $0x80, v2, vm0, $0xb8;
	[tilespmem:$0x18200] =	vst v63  }
0x203: {  	s20 =	simm.s32 $0x6A00  }
0x204: {  	[tilespmem:s20], [sflag:$0x2] =	stream.indirect_vreg.gather [hbm4b:s11+s5], $0x80, v2, vm0, $0xb8;
	[tilespmem:$0x18200] =	vst v63  }
0x205: {  	s21 =	simm.s32 $0x7200  }
0x206: {  	[tilespmem:s21], [sflag:$0x2] =	stream.indirect_vreg.gather [hbm4b:s12+s5], $0x80, v2, vm0, $0xb8;
	[tilespmem:$0x18200] =	vst v63  }
.Ltmp18:
0x207: {  	s30 =	simm.s32 $0x7A00;
	(pc) =	sbr.rel @p0 .LBB2_38-.Ltmp18, $4  }
0x208: {  	[tilespmem:s30], [sflag:$0x2] =	stream.indirect_vreg.gather [hbm4b:s13+s5], $0x80, v2, vm0, $0xb8;
	[tilespmem:$0x18200] =	vst v63  }
0x209: {  	_ =	swait.ge [sflag:s28], $0x4000  }
0x20a: {  	[sflag:s28] =	ssyncset.done $0x0  }
0x20b: {  	[sflag:s28] =	ssyncadd.s32 $0xFFFFC000  }
.LBB2_37:
0x20c: {  	_ =	swait.ge [sflag:s29], $0x4000  }
0x20d: {  	[sflag:s29] =	ssyncset.done $0x0  }
0x20e: {  	[sflag:s29] =	ssyncadd.s32 $0xFFFFC000  }
.LBB2_38:
0x20f: {  	s21 =	simm.s32 $0x8240  }
0x210: {  	v4 =	vld [tilespmem:s21+$0x30]  }
0x211: {  	v6 =	vld [tilespmem:s21+$0xFFFFFFD0]  }
0x212: {  	v8 =	vld [tilespmem:s21+$0xFFFFFFE0]  }
0x213: {  	v5 =	vld [tilespmem:s21+$0xFFFFFFF0]  }
0x214: {  	v3 =	vld [tilespmem:s21+$0x0]  }
0x215: {  	v2 =	vld [tilespmem:s21+$0x10];
	v9 =	vmul.f32 $4.525483320e+01, v4  }
0x216: {  	s18 =	simm.s32 $0x14240;
	s19 =	simm.s32 $0x82F0;
	v4 =	vld [tilespmem:s21+$0x20];
	v7 =	vmul.f32 $4.525483320e+01, v6  }
0x217: {  	s20 =	simm.s32 $0x0;
	s30 =	simm.s32 $0x142F0;
	v6 =	vld [tilespmem:s21+$0xFFFFFFC0];
	v8 =	vmul.f32 $4.525483320e+01, v8;
	s21 =	simm.s32 $0x8640;
	[tilespmem:s18+$0x30] =	vst v9  }
.LBB2_39:
0x218: {  	v9 =	vld [tilespmem:s21+$0x30];
	s20 =	sadd.s32 $0x8, s20;
	[tilespmem:s18+$0xFFFFFFD0] =	vst v7;
	v5 =	vmul.f32 $4.525483320e+01, v5  }
0x219: {  	v7 =	vld [tilespmem:s21+$0xFFFFFFD0];
	p0 =	slt.u32 s20, $0x78;
	[tilespmem:s18+$0xFFFFFFE0] =	vst v8;
	v3 =	vmul.f32 $4.525483320e+01, v3  }
0x21a: {  	v8 =	vld [tilespmem:s21+$0xFFFFFFE0];
	[tilespmem:s18+$0xFFFFFFF0] =	vst v5;
	v2 =	vmul.f32 $4.525483320e+01, v2  }
.Ltmp19:
0x21b: {  	v5 =	vld [tilespmem:s21+$0xFFFFFFF0];
	[tilespmem:s18+$0x0] =	vst v3;
	v4 =	vmul.f32 $4.525483320e+01, v4;
	(pc) =	sbr.rel @p0 .LBB2_39-.Ltmp19, $4  }
0x21c: {  	v3 =	vld [tilespmem:s21+$0x0];
	v6 =	vmul.f32 $4.525483320e+01, v6;
	[tilespmem:s18+$0x10] =	vst v2  }
0x21d: {  	v2 =	vld [tilespmem:s21+$0x10];
	v9 =	vmul.f32 $4.525483320e+01, v9;
	[tilespmem:s18+$0x20] =	vst v4  }
0x21e: {  	v7 =	vmul.f32 $4.525483320e+01, v7;
	v4 =	vld [tilespmem:s21+$0x20];
	[tilespmem:s18+$0xFFFFFFC0] =	vst v6;
	s18 =	sadd.s32 $0x400, s18  }
0x21f: {  	v6 =	vld [tilespmem:s21+$0xFFFFFFC0];
	v8 =	vmul.f32 $4.525483320e+01, v8;
	[tilespmem:s18+$0x30] =	vst v9;
	s21 =	sadd.s32 $0x400, s21  }
0x220: {  	[tilespmem:s18+$0xFFFFFFD0] =	vst v7;
	v5 =	vmul.f32 $4.525483320e+01, v5  }
0x221: {  	[tilespmem:s18+$0xFFFFFFE0] =	vst v8;
	v3 =	vmul.f32 $4.525483320e+01, v3  }
0x222: {  	[tilespmem:s18+$0xFFFFFFF0] =	vst v5;
	v2 =	vmul.f32 $4.525483320e+01, v2  }
0x223: {  	[tilespmem:s18+$0x0] =	vst v3;
	v3 =	vmul.f32 $4.525483320e+01, v4  }
0x224: {  	v4 =	vmul.f32 $4.525483320e+01, v6;
	[tilespmem:s18+$0x10] =	vst v2  }
0x225: {  	[tilespmem:s18+$0x20] =	vst v3  }
0x226: {  	[tilespmem:s18+$0xFFFFFFC0] =	vst v4  }
0x227: {  	v4 =	vld [tilespmem:s19+$0x0]  }
0x228: {  	v6 =	vld [tilespmem:s19+$0xFFFFFFA0]  }
0x229: {  	v8 =	vld [tilespmem:s19+$0xFFFFFFB0]  }
0x22a: {  	v5 =	vld [tilespmem:s19+$0xFFFFFFC0]  }
0x22b: {  	v3 =	vld [tilespmem:s19+$0xFFFFFFD0]  }
0x22c: {  	v2 =	vld [tilespmem:s19+$0xFFFFFFE0];
	v9 =	vmul.f32 $4.525483320e+01, v4  }
0x22d: {  	s21 =	simm.s32 $0x0;
	v4 =	vld [tilespmem:s19+$0xFFFFFFF0];
	v7 =	vmul.f32 $4.525483320e+01, v6  }
0x22e: {  	s20 =	simm.s32 $0x8370;
	s18 =	simm.s32 $0x14370;
	v6 =	vld [tilespmem:s19+$0xFFFFFF90];
	v8 =	vmul.f32 $4.525483320e+01, v8;
	s19 =	simm.s32 $0x86F0;
	[tilespmem:s30+$0x0] =	vst v9  }
.LBB2_41:
0x22f: {  	v9 =	vld [tilespmem:s19+$0x0];
	s21 =	sadd.s32 $0x8, s21;
	[tilespmem:s30+$0xFFFFFFA0] =	vst v7;
	v5 =	vmul.f32 $4.525483320e+01, v5  }
0x230: {  	v7 =	vld [tilespmem:s19+$0xFFFFFFA0];
	p0 =	slt.u32 s21, $0x78;
	[tilespmem:s30+$0xFFFFFFB0] =	vst v8;
	v3 =	vmul.f32 $4.525483320e+01, v3  }
0x231: {  	v8 =	vld [tilespmem:s19+$0xFFFFFFB0];
	[tilespmem:s30+$0xFFFFFFC0] =	vst v5;
	v2 =	vmul.f32 $4.525483320e+01, v2  }
.Ltmp20:
0x232: {  	v5 =	vld [tilespmem:s19+$0xFFFFFFC0];
	[tilespmem:s30+$0xFFFFFFD0] =	vst v3;
	v4 =	vmul.f32 $4.525483320e+01, v4;
	(pc) =	sbr.rel @p0 .LBB2_41-.Ltmp20, $4  }
0x233: {  	v3 =	vld [tilespmem:s19+$0xFFFFFFD0];
	v6 =	vmul.f32 $4.525483320e+01, v6;
	[tilespmem:s30+$0xFFFFFFE0] =	vst v2  }
0x234: {  	v2 =	vld [tilespmem:s19+$0xFFFFFFE0];
	v9 =	vmul.f32 $4.525483320e+01, v9;
	[tilespmem:s30+$0xFFFFFFF0] =	vst v4  }
0x235: {  	v7 =	vmul.f32 $4.525483320e+01, v7;
	v4 =	vld [tilespmem:s19+$0xFFFFFFF0];
	[tilespmem:s30+$0xFFFFFF90] =	vst v6;
	s30 =	sadd.s32 $0x400, s30  }
0x236: {  	v6 =	vld [tilespmem:s19+$0xFFFFFF90];
	v8 =	vmul.f32 $4.525483320e+01, v8;
	[tilespmem:s30+$0x0] =	vst v9;
	s19 =	sadd.s32 $0x400, s19  }
0x237: {  	[tilespmem:s30+$0xFFFFFFA0] =	vst v7;
	v5 =	vmul.f32 $4.525483320e+01, v5  }
0x238: {  	[tilespmem:s30+$0xFFFFFFB0] =	vst v8;
	v3 =	vmul.f32 $4.525483320e+01, v3  }
0x239: {  	[tilespmem:s30+$0xFFFFFFC0] =	vst v5;
	v2 =	vmul.f32 $4.525483320e+01, v2  }
0x23a: {  	[tilespmem:s30+$0xFFFFFFD0] =	vst v3;
	v3 =	vmul.f32 $4.525483320e+01, v4  }
0x23b: {  	v4 =	vmul.f32 $4.525483320e+01, v6;
	[tilespmem:s30+$0xFFFFFFE0] =	vst v2  }
0x23c: {  	[tilespmem:s30+$0xFFFFFFF0] =	vst v3  }
0x23d: {  	[tilespmem:s30+$0xFFFFFF90] =	vst v4  }
0x23e: {  	v4 =	vld [tilespmem:s20+$0x0]  }
0x23f: {  	v6 =	vld [tilespmem:s20+$0xFFFFFFA0]  }
0x240: {  	v8 =	vld [tilespmem:s20+$0xFFFFFFB0]  }
0x241: {  	v5 =	vld [tilespmem:s20+$0xFFFFFFC0]  }
0x242: {  	v3 =	vld [tilespmem:s20+$0xFFFFFFD0]  }
0x243: {  	v2 =	vld [tilespmem:s20+$0xFFFFFFE0];
	v9 =	vmul.f32 $4.525483320e+01, v4  }
0x244: {  	s21 =	simm.s32 $0x0;
	v4 =	vld [tilespmem:s20+$0xFFFFFFF0];
	v7 =	vmul.f32 $4.525483320e+01, v6  }
0x245: {  	s19 =	simm.s32 $0x83F0;
	s30 =	simm.s32 $0x143F0;
	v6 =	vld [tilespmem:s20+$0xFFFFFF90];
	v8 =	vmul.f32 $4.525483320e+01, v8;
	s20 =	simm.s32 $0x8770;
	[tilespmem:s18+$0x0] =	vst v9  }
.LBB2_43:
0x246: {  	v9 =	vld [tilespmem:s20+$0x0];
	s21 =	sadd.s32 $0x8, s21;
	[tilespmem:s18+$0xFFFFFFA0] =	vst v7;
	v5 =	vmul.f32 $4.525483320e+01, v5  }
0x247: {  	v7 =	vld [tilespmem:s20+$0xFFFFFFA0];
	p0 =	slt.u32 s21, $0x78;
	[tilespmem:s18+$0xFFFFFFB0] =	vst v8;
	v3 =	vmul.f32 $4.525483320e+01, v3  }
0x248: {  	v8 =	vld [tilespmem:s20+$0xFFFFFFB0];
	[tilespmem:s18+$0xFFFFFFC0] =	vst v5;
	v2 =	vmul.f32 $4.525483320e+01, v2  }
.Ltmp21:
0x249: {  	v5 =	vld [tilespmem:s20+$0xFFFFFFC0];
	[tilespmem:s18+$0xFFFFFFD0] =	vst v3;
	v4 =	vmul.f32 $4.525483320e+01, v4;
	(pc) =	sbr.rel @p0 .LBB2_43-.Ltmp21, $4  }
0x24a: {  	v3 =	vld [tilespmem:s20+$0xFFFFFFD0];
	v6 =	vmul.f32 $4.525483320e+01, v6;
	[tilespmem:s18+$0xFFFFFFE0] =	vst v2  }
0x24b: {  	v2 =	vld [tilespmem:s20+$0xFFFFFFE0];
	v9 =	vmul.f32 $4.525483320e+01, v9;
	[tilespmem:s18+$0xFFFFFFF0] =	vst v4  }
0x24c: {  	v7 =	vmul.f32 $4.525483320e+01, v7;
	v4 =	vld [tilespmem:s20+$0xFFFFFFF0];
	[tilespmem:s18+$0xFFFFFF90] =	vst v6;
	s18 =	sadd.s32 $0x400, s18  }
0x24d: {  	v6 =	vld [tilespmem:s20+$0xFFFFFF90];
	v8 =	vmul.f32 $4.525483320e+01, v8;
	[tilespmem:s18+$0x0] =	vst v9;
	s20 =	sadd.s32 $0x400, s20  }
0x24e: {  	[tilespmem:s18+$0xFFFFFFA0] =	vst v7;
	v5 =	vmul.f32 $4.525483320e+01, v5  }
0x24f: {  	[tilespmem:s18+$0xFFFFFFB0] =	vst v8;
	v3 =	vmul.f32 $4.525483320e+01, v3  }
0x250: {  	[tilespmem:s18+$0xFFFFFFC0] =	vst v5;
	v2 =	vmul.f32 $4.525483320e+01, v2  }
0x251: {  	[tilespmem:s18+$0xFFFFFFD0] =	vst v3;
	v3 =	vmul.f32 $4.525483320e+01, v4  }
0x252: {  	v4 =	vmul.f32 $4.525483320e+01, v6;
	[tilespmem:s18+$0xFFFFFFE0] =	vst v2  }
0x253: {  	[tilespmem:s18+$0xFFFFFFF0] =	vst v3  }
0x254: {  	[tilespmem:s18+$0xFFFFFF90] =	vst v4  }
0x255: {  	v4 =	vld [tilespmem:s19+$0x0]  }
0x256: {  	v6 =	vld [tilespmem:s19+$0xFFFFFFA0]  }
0x257: {  	v8 =	vld [tilespmem:s19+$0xFFFFFFB0]  }
0x258: {  	v5 =	vld [tilespmem:s19+$0xFFFFFFC0]  }
0x259: {  	v3 =	vld [tilespmem:s19+$0xFFFFFFD0]  }
0x25a: {  	v2 =	vld [tilespmem:s19+$0xFFFFFFE0];
	v9 =	vmul.f32 $4.525483320e+01, v4  }
0x25b: {  	s21 =	simm.s32 $0x0;
	v4 =	vld [tilespmem:s19+$0xFFFFFFF0];
	v7 =	vmul.f32 $4.525483320e+01, v6  }
0x25c: {  	s20 =	simm.s32 $0x8470;
	s18 =	simm.s32 $0x14470;
	v6 =	vld [tilespmem:s19+$0xFFFFFF90];
	v8 =	vmul.f32 $4.525483320e+01, v8;
	s19 =	simm.s32 $0x87F0;
	[tilespmem:s30+$0x0] =	vst v9  }
.LBB2_45:
0x25d: {  	v9 =	vld [tilespmem:s19+$0x0];
	s21 =	sadd.s32 $0x8, s21;
	[tilespmem:s30+$0xFFFFFFA0] =	vst v7;
	v5 =	vmul.f32 $4.525483320e+01, v5  }
0x25e: {  	v7 =	vld [tilespmem:s19+$0xFFFFFFA0];
	p0 =	slt.u32 s21, $0x78;
	[tilespmem:s30+$0xFFFFFFB0] =	vst v8;
	v3 =	vmul.f32 $4.525483320e+01, v3  }
0x25f: {  	v8 =	vld [tilespmem:s19+$0xFFFFFFB0];
	[tilespmem:s30+$0xFFFFFFC0] =	vst v5;
	v2 =	vmul.f32 $4.525483320e+01, v2  }
.Ltmp22:
0x260: {  	v5 =	vld [tilespmem:s19+$0xFFFFFFC0];
	[tilespmem:s30+$0xFFFFFFD0] =	vst v3;
	v4 =	vmul.f32 $4.525483320e+01, v4;
	(pc) =	sbr.rel @p0 .LBB2_45-.Ltmp22, $4  }
0x261: {  	v3 =	vld [tilespmem:s19+$0xFFFFFFD0];
	v6 =	vmul.f32 $4.525483320e+01, v6;
	[tilespmem:s30+$0xFFFFFFE0] =	vst v2  }
0x262: {  	v2 =	vld [tilespmem:s19+$0xFFFFFFE0];
	v9 =	vmul.f32 $4.525483320e+01, v9;
	[tilespmem:s30+$0xFFFFFFF0] =	vst v4  }
0x263: {  	v7 =	vmul.f32 $4.525483320e+01, v7;
	v4 =	vld [tilespmem:s19+$0xFFFFFFF0];
	[tilespmem:s30+$0xFFFFFF90] =	vst v6;
	s30 =	sadd.s32 $0x400, s30  }
0x264: {  	v6 =	vld [tilespmem:s19+$0xFFFFFF90];
	v8 =	vmul.f32 $4.525483320e+01, v8;
	[tilespmem:s30+$0x0] =	vst v9;
	s19 =	sadd.s32 $0x400, s19  }
0x265: {  	[tilespmem:s30+$0xFFFFFFA0] =	vst v7;
	v5 =	vmul.f32 $4.525483320e+01, v5  }
0x266: {  	[tilespmem:s30+$0xFFFFFFB0] =	vst v8;
	v3 =	vmul.f32 $4.525483320e+01, v3  }
0x267: {  	[tilespmem:s30+$0xFFFFFFC0] =	vst v5;
	v2 =	vmul.f32 $4.525483320e+01, v2  }
0x268: {  	[tilespmem:s30+$0xFFFFFFD0] =	vst v3;
	v3 =	vmul.f32 $4.525483320e+01, v4  }
0x269: {  	v4 =	vmul.f32 $4.525483320e+01, v6;
	[tilespmem:s30+$0xFFFFFFE0] =	vst v2  }
0x26a: {  	[tilespmem:s30+$0xFFFFFFF0] =	vst v3  }
0x26b: {  	[tilespmem:s30+$0xFFFFFF90] =	vst v4  }
0x26c: {  	v4 =	vld [tilespmem:s20+$0x0]  }
0x26d: {  	v6 =	vld [tilespmem:s20+$0xFFFFFFA0]  }
0x26e: {  	v8 =	vld [tilespmem:s20+$0xFFFFFFB0]  }
0x26f: {  	v5 =	vld [tilespmem:s20+$0xFFFFFFC0]  }
0x270: {  	v3 =	vld [tilespmem:s20+$0xFFFFFFD0]  }
0x271: {  	v2 =	vld [tilespmem:s20+$0xFFFFFFE0];
	v9 =	vmul.f32 $4.525483320e+01, v4  }
0x272: {  	s21 =	simm.s32 $0x0;
	v4 =	vld [tilespmem:s20+$0xFFFFFFF0];
	v7 =	vmul.f32 $4.525483320e+01, v6  }
0x273: {  	s19 =	simm.s32 $0x84F0;
	s30 =	simm.s32 $0x144F0;
	v6 =	vld [tilespmem:s20+$0xFFFFFF90];
	v8 =	vmul.f32 $4.525483320e+01, v8;
	s20 =	simm.s32 $0x8870;
	[tilespmem:s18+$0x0] =	vst v9  }
.LBB2_47:
0x274: {  	v9 =	vld [tilespmem:s20+$0x0];
	s21 =	sadd.s32 $0x8, s21;
	[tilespmem:s18+$0xFFFFFFA0] =	vst v7;
	v5 =	vmul.f32 $4.525483320e+01, v5  }
0x275: {  	v7 =	vld [tilespmem:s20+$0xFFFFFFA0];
	p0 =	slt.u32 s21, $0x78;
	[tilespmem:s18+$0xFFFFFFB0] =	vst v8;
	v3 =	vmul.f32 $4.525483320e+01, v3  }
0x276: {  	v8 =	vld [tilespmem:s20+$0xFFFFFFB0];
	[tilespmem:s18+$0xFFFFFFC0] =	vst v5;
	v2 =	vmul.f32 $4.525483320e+01, v2  }
.Ltmp23:
0x277: {  	v5 =	vld [tilespmem:s20+$0xFFFFFFC0];
	[tilespmem:s18+$0xFFFFFFD0] =	vst v3;
	v4 =	vmul.f32 $4.525483320e+01, v4;
	(pc) =	sbr.rel @p0 .LBB2_47-.Ltmp23, $4  }
0x278: {  	v3 =	vld [tilespmem:s20+$0xFFFFFFD0];
	v6 =	vmul.f32 $4.525483320e+01, v6;
	[tilespmem:s18+$0xFFFFFFE0] =	vst v2  }
0x279: {  	v2 =	vld [tilespmem:s20+$0xFFFFFFE0];
	v9 =	vmul.f32 $4.525483320e+01, v9;
	[tilespmem:s18+$0xFFFFFFF0] =	vst v4  }
0x27a: {  	v7 =	vmul.f32 $4.525483320e+01, v7;
	v4 =	vld [tilespmem:s20+$0xFFFFFFF0];
	[tilespmem:s18+$0xFFFFFF90] =	vst v6;
	s18 =	sadd.s32 $0x400, s18  }
0x27b: {  	v6 =	vld [tilespmem:s20+$0xFFFFFF90];
	v8 =	vmul.f32 $4.525483320e+01, v8;
	[tilespmem:s18+$0x0] =	vst v9;
	s20 =	sadd.s32 $0x400, s20  }
0x27c: {  	[tilespmem:s18+$0xFFFFFFA0] =	vst v7;
	v5 =	vmul.f32 $4.525483320e+01, v5  }
0x27d: {  	[tilespmem:s18+$0xFFFFFFB0] =	vst v8;
	v3 =	vmul.f32 $4.525483320e+01, v3  }
0x27e: {  	[tilespmem:s18+$0xFFFFFFC0] =	vst v5;
	v2 =	vmul.f32 $4.525483320e+01, v2  }
0x27f: {  	[tilespmem:s18+$0xFFFFFFD0] =	vst v3;
	v3 =	vmul.f32 $4.525483320e+01, v4  }
0x280: {  	v4 =	vmul.f32 $4.525483320e+01, v6;
	[tilespmem:s18+$0xFFFFFFE0] =	vst v2  }
0x281: {  	[tilespmem:s18+$0xFFFFFFF0] =	vst v3  }
0x282: {  	[tilespmem:s18+$0xFFFFFF90] =	vst v4  }
0x283: {  	v4 =	vld [tilespmem:s19+$0x0]  }
0x284: {  	v6 =	vld [tilespmem:s19+$0xFFFFFFA0]  }
0x285: {  	v8 =	vld [tilespmem:s19+$0xFFFFFFB0]  }
0x286: {  	v5 =	vld [tilespmem:s19+$0xFFFFFFC0]  }
0x287: {  	v3 =	vld [tilespmem:s19+$0xFFFFFFD0]  }
0x288: {  	v2 =	vld [tilespmem:s19+$0xFFFFFFE0];
	v9 =	vmul.f32 $4.525483320e+01, v4  }
0x289: {  	s21 =	simm.s32 $0x0;
	v4 =	vld [tilespmem:s19+$0xFFFFFFF0];
	v7 =	vmul.f32 $4.525483320e+01, v6  }
0x28a: {  	s20 =	simm.s32 $0x8570;
	s18 =	simm.s32 $0x14570;
	v6 =	vld [tilespmem:s19+$0xFFFFFF90];
	v8 =	vmul.f32 $4.525483320e+01, v8;
	s19 =	simm.s32 $0x88F0;
	[tilespmem:s30+$0x0] =	vst v9  }
.LBB2_49:
0x28b: {  	v9 =	vld [tilespmem:s19+$0x0];
	s21 =	sadd.s32 $0x8, s21;
	[tilespmem:s30+$0xFFFFFFA0] =	vst v7;
	v5 =	vmul.f32 $4.525483320e+01, v5  }
0x28c: {  	v7 =	vld [tilespmem:s19+$0xFFFFFFA0];
	p0 =	slt.u32 s21, $0x78;
	[tilespmem:s30+$0xFFFFFFB0] =	vst v8;
	v3 =	vmul.f32 $4.525483320e+01, v3  }
0x28d: {  	v8 =	vld [tilespmem:s19+$0xFFFFFFB0];
	[tilespmem:s30+$0xFFFFFFC0] =	vst v5;
	v2 =	vmul.f32 $4.525483320e+01, v2  }
.Ltmp24:
0x28e: {  	v5 =	vld [tilespmem:s19+$0xFFFFFFC0];
	[tilespmem:s30+$0xFFFFFFD0] =	vst v3;
	v4 =	vmul.f32 $4.525483320e+01, v4;
	(pc) =	sbr.rel @p0 .LBB2_49-.Ltmp24, $4  }
0x28f: {  	v3 =	vld [tilespmem:s19+$0xFFFFFFD0];
	v6 =	vmul.f32 $4.525483320e+01, v6;
	[tilespmem:s30+$0xFFFFFFE0] =	vst v2  }
0x290: {  	v2 =	vld [tilespmem:s19+$0xFFFFFFE0];
	v9 =	vmul.f32 $4.525483320e+01, v9;
	[tilespmem:s30+$0xFFFFFFF0] =	vst v4  }
0x291: {  	v7 =	vmul.f32 $4.525483320e+01, v7;
	v4 =	vld [tilespmem:s19+$0xFFFFFFF0];
	[tilespmem:s30+$0xFFFFFF90] =	vst v6;
	s30 =	sadd.s32 $0x400, s30  }
0x292: {  	v6 =	vld [tilespmem:s19+$0xFFFFFF90];
	v8 =	vmul.f32 $4.525483320e+01, v8;
	[tilespmem:s30+$0x0] =	vst v9;
	s19 =	sadd.s32 $0x400, s19  }
0x293: {  	[tilespmem:s30+$0xFFFFFFA0] =	vst v7;
	v5 =	vmul.f32 $4.525483320e+01, v5  }
0x294: {  	[tilespmem:s30+$0xFFFFFFB0] =	vst v8;
	v3 =	vmul.f32 $4.525483320e+01, v3  }
0x295: {  	[tilespmem:s30+$0xFFFFFFC0] =	vst v5;
	v2 =	vmul.f32 $4.525483320e+01, v2  }
0x296: {  	[tilespmem:s30+$0xFFFFFFD0] =	vst v3;
	v3 =	vmul.f32 $4.525483320e+01, v4  }
0x297: {  	v4 =	vmul.f32 $4.525483320e+01, v6;
	[tilespmem:s30+$0xFFFFFFE0] =	vst v2  }
0x298: {  	[tilespmem:s30+$0xFFFFFFF0] =	vst v3  }
0x299: {  	[tilespmem:s30+$0xFFFFFF90] =	vst v4  }
0x29a: {  	v4 =	vld [tilespmem:s20+$0x0]  }
0x29b: {  	v6 =	vld [tilespmem:s20+$0xFFFFFFA0]  }
0x29c: {  	v8 =	vld [tilespmem:s20+$0xFFFFFFB0]  }
0x29d: {  	v5 =	vld [tilespmem:s20+$0xFFFFFFC0]  }
0x29e: {  	v3 =	vld [tilespmem:s20+$0xFFFFFFD0]  }
0x29f: {  	v2 =	vld [tilespmem:s20+$0xFFFFFFE0];
	v9 =	vmul.f32 $4.525483320e+01, v4  }
0x2a0: {  	s21 =	simm.s32 $0x0;
	v4 =	vld [tilespmem:s20+$0xFFFFFFF0];
	v7 =	vmul.f32 $4.525483320e+01, v6  }
0x2a1: {  	s19 =	simm.s32 $0x85F0;
	s30 =	simm.s32 $0x145F0;
	v6 =	vld [tilespmem:s20+$0xFFFFFF90];
	v8 =	vmul.f32 $4.525483320e+01, v8;
	s20 =	simm.s32 $0x8970;
	[tilespmem:s18+$0x0] =	vst v9  }
.LBB2_51:
0x2a2: {  	v9 =	vld [tilespmem:s20+$0x0];
	s21 =	sadd.s32 $0x8, s21;
	[tilespmem:s18+$0xFFFFFFA0] =	vst v7;
	v5 =	vmul.f32 $4.525483320e+01, v5  }
0x2a3: {  	v7 =	vld [tilespmem:s20+$0xFFFFFFA0];
	p0 =	slt.u32 s21, $0x78;
	[tilespmem:s18+$0xFFFFFFB0] =	vst v8;
	v3 =	vmul.f32 $4.525483320e+01, v3  }
0x2a4: {  	v8 =	vld [tilespmem:s20+$0xFFFFFFB0];
	[tilespmem:s18+$0xFFFFFFC0] =	vst v5;
	v2 =	vmul.f32 $4.525483320e+01, v2  }
.Ltmp25:
0x2a5: {  	v5 =	vld [tilespmem:s20+$0xFFFFFFC0];
	[tilespmem:s18+$0xFFFFFFD0] =	vst v3;
	v4 =	vmul.f32 $4.525483320e+01, v4;
	(pc) =	sbr.rel @p0 .LBB2_51-.Ltmp25, $4  }
0x2a6: {  	v3 =	vld [tilespmem:s20+$0xFFFFFFD0];
	v6 =	vmul.f32 $4.525483320e+01, v6;
	[tilespmem:s18+$0xFFFFFFE0] =	vst v2  }
0x2a7: {  	v2 =	vld [tilespmem:s20+$0xFFFFFFE0];
	v9 =	vmul.f32 $4.525483320e+01, v9;
	[tilespmem:s18+$0xFFFFFFF0] =	vst v4  }
0x2a8: {  	v7 =	vmul.f32 $4.525483320e+01, v7;
	v4 =	vld [tilespmem:s20+$0xFFFFFFF0];
	[tilespmem:s18+$0xFFFFFF90] =	vst v6;
	s18 =	sadd.s32 $0x400, s18  }
0x2a9: {  	v6 =	vld [tilespmem:s20+$0xFFFFFF90];
	v8 =	vmul.f32 $4.525483320e+01, v8;
	[tilespmem:s18+$0x0] =	vst v9;
	s20 =	sadd.s32 $0x400, s20  }
0x2aa: {  	[tilespmem:s18+$0xFFFFFFA0] =	vst v7;
	v5 =	vmul.f32 $4.525483320e+01, v5  }
0x2ab: {  	[tilespmem:s18+$0xFFFFFFB0] =	vst v8;
	v3 =	vmul.f32 $4.525483320e+01, v3  }
0x2ac: {  	[tilespmem:s18+$0xFFFFFFC0] =	vst v5;
	v2 =	vmul.f32 $4.525483320e+01, v2  }
0x2ad: {  	[tilespmem:s18+$0xFFFFFFD0] =	vst v3;
	v3 =	vmul.f32 $4.525483320e+01, v4  }
0x2ae: {  	v4 =	vmul.f32 $4.525483320e+01, v6;
	[tilespmem:s18+$0xFFFFFFE0] =	vst v2  }
0x2af: {  	[tilespmem:s18+$0xFFFFFFF0] =	vst v3  }
0x2b0: {  	[tilespmem:s18+$0xFFFFFF90] =	vst v4  }
0x2b1: {  	v4 =	vld [tilespmem:s19+$0x0]  }
0x2b2: {  	v6 =	vld [tilespmem:s19+$0xFFFFFFA0]  }
0x2b3: {  	v8 =	vld [tilespmem:s19+$0xFFFFFFB0]  }
0x2b4: {  	v5 =	vld [tilespmem:s19+$0xFFFFFFC0]  }
0x2b5: {  	v3 =	vld [tilespmem:s19+$0xFFFFFFD0]  }
0x2b6: {  	v2 =	vld [tilespmem:s19+$0xFFFFFFE0];
	v9 =	vmul.f32 $4.525483320e+01, v4  }
0x2b7: {  	v4 =	vld [tilespmem:s19+$0xFFFFFFF0];
	v7 =	vmul.f32 $4.525483320e+01, v6  }
0x2b8: {  	s18 =	simm.s32 $0x0;
	v6 =	vld [tilespmem:s19+$0xFFFFFF90];
	v8 =	vmul.f32 $4.525483320e+01, v8;
	s19 =	simm.s32 $0x89F0;
	[tilespmem:s30+$0x0] =	vst v9  }
.LBB2_53:
0x2b9: {  	v9 =	vld [tilespmem:s19+$0x0];
	s18 =	sadd.s32 $0x8, s18;
	[tilespmem:s30+$0xFFFFFFA0] =	vst v7;
	v5 =	vmul.f32 $4.525483320e+01, v5  }
0x2ba: {  	v7 =	vld [tilespmem:s19+$0xFFFFFFA0];
	p0 =	slt.u32 s18, $0x78;
	[tilespmem:s30+$0xFFFFFFB0] =	vst v8;
	v3 =	vmul.f32 $4.525483320e+01, v3  }
0x2bb: {  	v8 =	vld [tilespmem:s19+$0xFFFFFFB0];
	[tilespmem:s30+$0xFFFFFFC0] =	vst v5;
	v2 =	vmul.f32 $4.525483320e+01, v2  }
.Ltmp26:
0x2bc: {  	v5 =	vld [tilespmem:s19+$0xFFFFFFC0];
	[tilespmem:s30+$0xFFFFFFD0] =	vst v3;
	v4 =	vmul.f32 $4.525483320e+01, v4;
	(pc) =	sbr.rel @p0 .LBB2_53-.Ltmp26, $4  }
0x2bd: {  	v3 =	vld [tilespmem:s19+$0xFFFFFFD0];
	v6 =	vmul.f32 $4.525483320e+01, v6;
	[tilespmem:s30+$0xFFFFFFE0] =	vst v2  }
0x2be: {  	v2 =	vld [tilespmem:s19+$0xFFFFFFE0];
	v9 =	vmul.f32 $4.525483320e+01, v9;
	[tilespmem:s30+$0xFFFFFFF0] =	vst v4  }
0x2bf: {  	v7 =	vmul.f32 $4.525483320e+01, v7;
	v4 =	vld [tilespmem:s19+$0xFFFFFFF0];
	[tilespmem:s30+$0xFFFFFF90] =	vst v6;
	s30 =	sadd.s32 $0x400, s30  }
0x2c0: {  	v6 =	vld [tilespmem:s19+$0xFFFFFF90];
	v8 =	vmul.f32 $4.525483320e+01, v8;
	[tilespmem:s30+$0x0] =	vst v9;
	s19 =	sadd.s32 $0x400, s19  }
0x2c1: {  	[tilespmem:s30+$0xFFFFFFA0] =	vst v7;
	v5 =	vmul.f32 $4.525483320e+01, v5  }
0x2c2: {  	[tilespmem:s30+$0xFFFFFFB0] =	vst v8;
	v3 =	vmul.f32 $4.525483320e+01, v3  }
0x2c3: {  	p0 =	seq.s32 s31, $0x14;
	[tilespmem:s30+$0xFFFFFFC0] =	vst v5;
	v2 =	vmul.f32 $4.525483320e+01, v2  }
.Ltmp27:
0x2c4: {  	[tilespmem:s30+$0xFFFFFFD0] =	vst v3;
	v3 =	vmul.f32 $4.525483320e+01, v4;
	(pc) =	sbr.rel @p0 .LBB2_56-.Ltmp27, $4  }
0x2c5: {  	s1 =	sadd.s32 s1, s15;
	v63 =	vmul.f32 $4.525483320e+01, v6;
	[tilespmem:s30+$0xFFFFFFE0] =	vst v2  }
0x2c6: {  	s1 =	sshll.u32 s1, $0x8;
	[tilespmem:s30+$0xFFFFFFF0] =	vst v3  }
0x2c7: {  	s18 =	simm.s32 $0x14200;
	s1 =	sadd.s32 s3, s1;
	[tilespmem:s30+$0xFFFFFF90] =	vst v63  }
0x2c8: {  	[hbm4b:s1+s5] =	stream.linear.scatter [tilespmem:s18], [sflag:$0x6], $0x4000, $0x38;
	[tilespmem:$0x18200] =	vst v63  }
0x2c9: {  	v2 =	vld.msk [tilespmem:s0+$0x28], $0xff;
	_ =	sdelay $0x4  }
0x2ca: {  	v3 =	vshll.u32 v2, $0x4  }
0x2cb: {  	v2 =	vand.u32 $0x7, v2;
	v3 =	vand.u32 $0xFFFFFF80, v3  }
0x2cc: {  	v2 =	vor.u32 v2, v3  }
0x2cd: {  	v2 =	vperm.xlane v2, v0;
	_ =	sdelay $0x1  }
0x2ce: {  	v2 =	vadd.s32 v1, v2;
	_ =	sdelay $0x3  }
0x2cf: {  	s21 =	simm.s32 $0x8200  }
0x2d0: {  	[tilespmem:s21], [sflag:$0x3] =	stream.indirect_vreg.gather [hbm4b:s2+s5], $0x80, v2, vm0, $0xb8;
	[tilespmem:$0x18200] =	vst v63  }
0x2d1: {  	s30 =	simm.s32 $0x8A00  }
0x2d2: {  	[tilespmem:s30], [sflag:$0x3] =	stream.indirect_vreg.gather [hbm4b:s7+s5], $0x80, v2, vm0, $0xb8;
	[tilespmem:$0x18200] =	vst v63  }
0x2d3: {  	s1 =	simm.s32 $0x9200  }
0x2d4: {  	[tilespmem:s1], [sflag:$0x3] =	stream.indirect_vreg.gather [hbm4b:s8+s5], $0x80, v2, vm0, $0xb8;
	[tilespmem:$0x18200] =	vst v63  }
0x2d5: {  	s18 =	simm.s32 $0x9A00  }
0x2d6: {  	[tilespmem:s18], [sflag:$0x3] =	stream.indirect_vreg.gather [hbm4b:s9+s5], $0x80, v2, vm0, $0xb8;
	[tilespmem:$0x18200] =	vst v63  }
0x2d7: {  	s19 =	simm.s32 $0xA200  }
0x2d8: {  	[tilespmem:s19], [sflag:$0x3] =	stream.indirect_vreg.gather [hbm4b:s10+s5], $0x80, v2, vm0, $0xb8;
	[tilespmem:$0x18200] =	vst v63  }
0x2d9: {  	s20 =	simm.s32 $0xAA00  }
0x2da: {  	[tilespmem:s20], [sflag:$0x3] =	stream.indirect_vreg.gather [hbm4b:s11+s5], $0x80, v2, vm0, $0xb8;
	[tilespmem:$0x18200] =	vst v63  }
.Ltmp28:
0x2db: {  	_ = 	snop;
	(pc) =	sbr.rel .LBB2_2-.Ltmp28, $4  }
0x2dc: {  	s21 =	simm.s32 $0xB200  }
0x2dd: {  	[tilespmem:s21], [sflag:$0x3] =	stream.indirect_vreg.gather [hbm4b:s12+s5], $0x80, v2, vm0, $0xb8;
	[tilespmem:$0x18200] =	vst v63  }
0x2de: {  	s31 =	sadd.s32 $0x1, s31;
	s30 =	simm.s32 $0xBA00  }
0x2df: {  	[tilespmem:s30], [sflag:$0x3] =	stream.indirect_vreg.gather [hbm4b:s13+s5], $0x80, v2, vm0, $0xb8;
	[tilespmem:$0x18200] =	vst v63  }
.LBB2_56:
0x2e0: {  	_ =	swait.ge [sflag:s6], $0x4000  }
0x2e1: {  	[sflag:s6] =	ssyncset.done $0x0  }
0x2e2: {  	s21 =	simm.s32 $0x4;
	[sflag:s6] =	ssyncadd.s32 $0xFFFFC000  }
0x2e3: {  	_ =	swait.ge [sflag:s21], $0x4000  }
0x2e4: {  	[sflag:s21] =	ssyncset.done $0x0  }
0x2e5: {  	s1 =	simm.s32 $0x240;
	[sflag:s21] =	ssyncadd.s32 $0xFFFFC000  }
0x2e6: {  	v4 =	vld [tilespmem:s1+$0x30]  }
0x2e7: {  	v6 =	vld [tilespmem:s1+$0xFFFFFFD0]  }
0x2e8: {  	v8 =	vld [tilespmem:s1+$0xFFFFFFE0]  }
0x2e9: {  	v5 =	vld [tilespmem:s1+$0xFFFFFFF0]  }
0x2ea: {  	v3 =	vld [tilespmem:s1+$0x0]  }
0x2eb: {  	v2 =	vld [tilespmem:s1+$0x10];
	v9 =	vmul.f32 $4.525483320e+01, v4  }
0x2ec: {  	s0 =	simm.s32 $0xC240;
	v4 =	vld [tilespmem:s1+$0x20];
	v7 =	vmul.f32 $4.525483320e+01, v6  }
0x2ed: {  	s18 =	simm.s32 $0x0;
	s19 =	simm.s32 $0x640;
	v6 =	vld [tilespmem:s1+$0xFFFFFFC0];
	v8 =	vmul.f32 $4.525483320e+01, v8;
	[tilespmem:s0+$0x30] =	vst v9  }
.LBB2_57:
0x2ee: {  	v9 =	vld [tilespmem:s19+$0x30];
	s18 =	sadd.s32 $0x8, s18;
	[tilespmem:s0+$0xFFFFFFD0] =	vst v7;
	v5 =	vmul.f32 $4.525483320e+01, v5  }
0x2ef: {  	v7 =	vld [tilespmem:s19+$0xFFFFFFD0];
	p0 =	slt.u32 s18, $0x78;
	[tilespmem:s0+$0xFFFFFFE0] =	vst v8;
	v3 =	vmul.f32 $4.525483320e+01, v3  }
0x2f0: {  	v8 =	vld [tilespmem:s19+$0xFFFFFFE0];
	[tilespmem:s0+$0xFFFFFFF0] =	vst v5;
	v2 =	vmul.f32 $4.525483320e+01, v2  }
.Ltmp29:
0x2f1: {  	v5 =	vld [tilespmem:s19+$0xFFFFFFF0];
	[tilespmem:s0+$0x0] =	vst v3;
	v4 =	vmul.f32 $4.525483320e+01, v4;
	(pc) =	sbr.rel @p0 .LBB2_57-.Ltmp29, $4  }
0x2f2: {  	v3 =	vld [tilespmem:s19+$0x0];
	v6 =	vmul.f32 $4.525483320e+01, v6;
	[tilespmem:s0+$0x10] =	vst v2  }
0x2f3: {  	v2 =	vld [tilespmem:s19+$0x10];
	v9 =	vmul.f32 $4.525483320e+01, v9;
	[tilespmem:s0+$0x20] =	vst v4  }
0x2f4: {  	s20 =	simm.s32 $0x2F0;
	v7 =	vmul.f32 $4.525483320e+01, v7;
	v4 =	vld [tilespmem:s19+$0x20];
	[tilespmem:s0+$0xFFFFFFC0] =	vst v6;
	s0 =	sadd.s32 $0x400, s0  }
0x2f5: {  	s1 =	simm.s32 $0xC2F0;
	v6 =	vld [tilespmem:s19+$0xFFFFFFC0];
	v8 =	vmul.f32 $4.525483320e+01, v8;
	[tilespmem:s0+$0x30] =	vst v9;
	s19 =	sadd.s32 $0x400, s19  }
0x2f6: {  	[tilespmem:s0+$0xFFFFFFD0] =	vst v7;
	v5 =	vmul.f32 $4.525483320e+01, v5  }
0x2f7: {  	[tilespmem:s0+$0xFFFFFFE0] =	vst v8;
	v3 =	vmul.f32 $4.525483320e+01, v3  }
0x2f8: {  	[tilespmem:s0+$0xFFFFFFF0] =	vst v5;
	v2 =	vmul.f32 $4.525483320e+01, v2  }
0x2f9: {  	[tilespmem:s0+$0x0] =	vst v3;
	v3 =	vmul.f32 $4.525483320e+01, v4  }
0x2fa: {  	v4 =	vmul.f32 $4.525483320e+01, v6;
	[tilespmem:s0+$0x10] =	vst v2  }
0x2fb: {  	[tilespmem:s0+$0x20] =	vst v3  }
0x2fc: {  	[tilespmem:s0+$0xFFFFFFC0] =	vst v4  }
0x2fd: {  	v4 =	vld [tilespmem:s20+$0x0]  }
0x2fe: {  	v6 =	vld [tilespmem:s20+$0xFFFFFFA0]  }
0x2ff: {  	v8 =	vld [tilespmem:s20+$0xFFFFFFB0]  }
0x300: {  	v5 =	vld [tilespmem:s20+$0xFFFFFFC0]  }
0x301: {  	v3 =	vld [tilespmem:s20+$0xFFFFFFD0]  }
0x302: {  	v2 =	vld [tilespmem:s20+$0xFFFFFFE0];
	v9 =	vmul.f32 $4.525483320e+01, v4  }
0x303: {  	v4 =	vld [tilespmem:s20+$0xFFFFFFF0];
	v7 =	vmul.f32 $4.525483320e+01, v6  }
0x304: {  	s18 =	simm.s32 $0x0;
	s19 =	simm.s32 $0x6F0;
	v6 =	vld [tilespmem:s20+$0xFFFFFF90];
	v8 =	vmul.f32 $4.525483320e+01, v8;
	[tilespmem:s1+$0x0] =	vst v9  }
.LBB2_59:
0x305: {  	v9 =	vld [tilespmem:s19+$0x0];
	s18 =	sadd.s32 $0x8, s18;
	[tilespmem:s1+$0xFFFFFFA0] =	vst v7;
	v5 =	vmul.f32 $4.525483320e+01, v5  }
0x306: {  	v7 =	vld [tilespmem:s19+$0xFFFFFFA0];
	p0 =	slt.u32 s18, $0x78;
	[tilespmem:s1+$0xFFFFFFB0] =	vst v8;
	v3 =	vmul.f32 $4.525483320e+01, v3  }
0x307: {  	v8 =	vld [tilespmem:s19+$0xFFFFFFB0];
	[tilespmem:s1+$0xFFFFFFC0] =	vst v5;
	v2 =	vmul.f32 $4.525483320e+01, v2  }
.Ltmp30:
0x308: {  	v5 =	vld [tilespmem:s19+$0xFFFFFFC0];
	[tilespmem:s1+$0xFFFFFFD0] =	vst v3;
	v4 =	vmul.f32 $4.525483320e+01, v4;
	(pc) =	sbr.rel @p0 .LBB2_59-.Ltmp30, $4  }
0x309: {  	v3 =	vld [tilespmem:s19+$0xFFFFFFD0];
	v6 =	vmul.f32 $4.525483320e+01, v6;
	[tilespmem:s1+$0xFFFFFFE0] =	vst v2  }
0x30a: {  	s20 =	simm.s32 $0x370;
	v2 =	vld [tilespmem:s19+$0xFFFFFFE0];
	v9 =	vmul.f32 $4.525483320e+01, v9;
	[tilespmem:s1+$0xFFFFFFF0] =	vst v4  }
0x30b: {  	s0 =	simm.s32 $0xC370;
	v7 =	vmul.f32 $4.525483320e+01, v7;
	v4 =	vld [tilespmem:s19+$0xFFFFFFF0];
	[tilespmem:s1+$0xFFFFFF90] =	vst v6;
	s1 =	sadd.s32 $0x400, s1  }
0x30c: {  	v6 =	vld [tilespmem:s19+$0xFFFFFF90];
	v8 =	vmul.f32 $4.525483320e+01, v8;
	[tilespmem:s1+$0x0] =	vst v9;
	s19 =	sadd.s32 $0x400, s19  }
0x30d: {  	[tilespmem:s1+$0xFFFFFFA0] =	vst v7;
	v5 =	vmul.f32 $4.525483320e+01, v5  }
0x30e: {  	[tilespmem:s1+$0xFFFFFFB0] =	vst v8;
	v3 =	vmul.f32 $4.525483320e+01, v3  }
0x30f: {  	[tilespmem:s1+$0xFFFFFFC0] =	vst v5;
	v2 =	vmul.f32 $4.525483320e+01, v2  }
0x310: {  	[tilespmem:s1+$0xFFFFFFD0] =	vst v3;
	v3 =	vmul.f32 $4.525483320e+01, v4  }
0x311: {  	v4 =	vmul.f32 $4.525483320e+01, v6;
	[tilespmem:s1+$0xFFFFFFE0] =	vst v2  }
0x312: {  	[tilespmem:s1+$0xFFFFFFF0] =	vst v3  }
0x313: {  	[tilespmem:s1+$0xFFFFFF90] =	vst v4  }
0x314: {  	v4 =	vld [tilespmem:s20+$0x0]  }
0x315: {  	v6 =	vld [tilespmem:s20+$0xFFFFFFA0]  }
0x316: {  	v8 =	vld [tilespmem:s20+$0xFFFFFFB0]  }
0x317: {  	v5 =	vld [tilespmem:s20+$0xFFFFFFC0]  }
0x318: {  	v3 =	vld [tilespmem:s20+$0xFFFFFFD0]  }
0x319: {  	v2 =	vld [tilespmem:s20+$0xFFFFFFE0];
	v9 =	vmul.f32 $4.525483320e+01, v4  }
0x31a: {  	v4 =	vld [tilespmem:s20+$0xFFFFFFF0];
	v7 =	vmul.f32 $4.525483320e+01, v6  }
0x31b: {  	s18 =	simm.s32 $0x0;
	s19 =	simm.s32 $0x770;
	v6 =	vld [tilespmem:s20+$0xFFFFFF90];
	v8 =	vmul.f32 $4.525483320e+01, v8;
	[tilespmem:s0+$0x0] =	vst v9  }
.LBB2_61:
0x31c: {  	v9 =	vld [tilespmem:s19+$0x0];
	s18 =	sadd.s32 $0x8, s18;
	[tilespmem:s0+$0xFFFFFFA0] =	vst v7;
	v5 =	vmul.f32 $4.525483320e+01, v5  }
0x31d: {  	v7 =	vld [tilespmem:s19+$0xFFFFFFA0];
	p0 =	slt.u32 s18, $0x78;
	[tilespmem:s0+$0xFFFFFFB0] =	vst v8;
	v3 =	vmul.f32 $4.525483320e+01, v3  }
0x31e: {  	v8 =	vld [tilespmem:s19+$0xFFFFFFB0];
	[tilespmem:s0+$0xFFFFFFC0] =	vst v5;
	v2 =	vmul.f32 $4.525483320e+01, v2  }
.Ltmp31:
0x31f: {  	v5 =	vld [tilespmem:s19+$0xFFFFFFC0];
	[tilespmem:s0+$0xFFFFFFD0] =	vst v3;
	v4 =	vmul.f32 $4.525483320e+01, v4;
	(pc) =	sbr.rel @p0 .LBB2_61-.Ltmp31, $4  }
0x320: {  	v3 =	vld [tilespmem:s19+$0xFFFFFFD0];
	v6 =	vmul.f32 $4.525483320e+01, v6;
	[tilespmem:s0+$0xFFFFFFE0] =	vst v2  }
0x321: {  	v2 =	vld [tilespmem:s19+$0xFFFFFFE0];
	v9 =	vmul.f32 $4.525483320e+01, v9;
	[tilespmem:s0+$0xFFFFFFF0] =	vst v4  }
0x322: {  	s20 =	simm.s32 $0x3F0;
	v7 =	vmul.f32 $4.525483320e+01, v7;
	v4 =	vld [tilespmem:s19+$0xFFFFFFF0];
	[tilespmem:s0+$0xFFFFFF90] =	vst v6;
	s0 =	sadd.s32 $0x400, s0  }
0x323: {  	s1 =	simm.s32 $0xC3F0;
	v6 =	vld [tilespmem:s19+$0xFFFFFF90];
	v8 =	vmul.f32 $4.525483320e+01, v8;
	[tilespmem:s0+$0x0] =	vst v9;
	s19 =	sadd.s32 $0x400, s19  }
0x324: {  	[tilespmem:s0+$0xFFFFFFA0] =	vst v7;
	v5 =	vmul.f32 $4.525483320e+01, v5  }
0x325: {  	[tilespmem:s0+$0xFFFFFFB0] =	vst v8;
	v3 =	vmul.f32 $4.525483320e+01, v3  }
0x326: {  	[tilespmem:s0+$0xFFFFFFC0] =	vst v5;
	v2 =	vmul.f32 $4.525483320e+01, v2  }
0x327: {  	[tilespmem:s0+$0xFFFFFFD0] =	vst v3;
	v3 =	vmul.f32 $4.525483320e+01, v4  }
0x328: {  	v4 =	vmul.f32 $4.525483320e+01, v6;
	[tilespmem:s0+$0xFFFFFFE0] =	vst v2  }
0x329: {  	[tilespmem:s0+$0xFFFFFFF0] =	vst v3  }
0x32a: {  	[tilespmem:s0+$0xFFFFFF90] =	vst v4  }
0x32b: {  	v4 =	vld [tilespmem:s20+$0x0]  }
0x32c: {  	v6 =	vld [tilespmem:s20+$0xFFFFFFA0]  }
0x32d: {  	v8 =	vld [tilespmem:s20+$0xFFFFFFB0]  }
0x32e: {  	v5 =	vld [tilespmem:s20+$0xFFFFFFC0]  }
0x32f: {  	v3 =	vld [tilespmem:s20+$0xFFFFFFD0]  }
0x330: {  	v2 =	vld [tilespmem:s20+$0xFFFFFFE0];
	v9 =	vmul.f32 $4.525483320e+01, v4  }
0x331: {  	v4 =	vld [tilespmem:s20+$0xFFFFFFF0];
	v7 =	vmul.f32 $4.525483320e+01, v6  }
0x332: {  	s18 =	simm.s32 $0x0;
	s19 =	simm.s32 $0x7F0;
	v6 =	vld [tilespmem:s20+$0xFFFFFF90];
	v8 =	vmul.f32 $4.525483320e+01, v8;
	[tilespmem:s1+$0x0] =	vst v9  }
.LBB2_63:
0x333: {  	v9 =	vld [tilespmem:s19+$0x0];
	s18 =	sadd.s32 $0x8, s18;
	[tilespmem:s1+$0xFFFFFFA0] =	vst v7;
	v5 =	vmul.f32 $4.525483320e+01, v5  }
0x334: {  	v7 =	vld [tilespmem:s19+$0xFFFFFFA0];
	p0 =	slt.u32 s18, $0x78;
	[tilespmem:s1+$0xFFFFFFB0] =	vst v8;
	v3 =	vmul.f32 $4.525483320e+01, v3  }
0x335: {  	v8 =	vld [tilespmem:s19+$0xFFFFFFB0];
	[tilespmem:s1+$0xFFFFFFC0] =	vst v5;
	v2 =	vmul.f32 $4.525483320e+01, v2  }
.Ltmp32:
0x336: {  	v5 =	vld [tilespmem:s19+$0xFFFFFFC0];
	[tilespmem:s1+$0xFFFFFFD0] =	vst v3;
	v4 =	vmul.f32 $4.525483320e+01, v4;
	(pc) =	sbr.rel @p0 .LBB2_63-.Ltmp32, $4  }
0x337: {  	v3 =	vld [tilespmem:s19+$0xFFFFFFD0];
	v6 =	vmul.f32 $4.525483320e+01, v6;
	[tilespmem:s1+$0xFFFFFFE0] =	vst v2  }
0x338: {  	s20 =	simm.s32 $0x470;
	v2 =	vld [tilespmem:s19+$0xFFFFFFE0];
	v9 =	vmul.f32 $4.525483320e+01, v9;
	[tilespmem:s1+$0xFFFFFFF0] =	vst v4  }
0x339: {  	s0 =	simm.s32 $0xC470;
	v7 =	vmul.f32 $4.525483320e+01, v7;
	v4 =	vld [tilespmem:s19+$0xFFFFFFF0];
	[tilespmem:s1+$0xFFFFFF90] =	vst v6;
	s1 =	sadd.s32 $0x400, s1  }
0x33a: {  	v6 =	vld [tilespmem:s19+$0xFFFFFF90];
	v8 =	vmul.f32 $4.525483320e+01, v8;
	[tilespmem:s1+$0x0] =	vst v9;
	s19 =	sadd.s32 $0x400, s19  }
0x33b: {  	[tilespmem:s1+$0xFFFFFFA0] =	vst v7;
	v5 =	vmul.f32 $4.525483320e+01, v5  }
0x33c: {  	[tilespmem:s1+$0xFFFFFFB0] =	vst v8;
	v3 =	vmul.f32 $4.525483320e+01, v3  }
0x33d: {  	[tilespmem:s1+$0xFFFFFFC0] =	vst v5;
	v2 =	vmul.f32 $4.525483320e+01, v2  }
0x33e: {  	[tilespmem:s1+$0xFFFFFFD0] =	vst v3;
	v3 =	vmul.f32 $4.525483320e+01, v4  }
0x33f: {  	v4 =	vmul.f32 $4.525483320e+01, v6;
	[tilespmem:s1+$0xFFFFFFE0] =	vst v2  }
0x340: {  	[tilespmem:s1+$0xFFFFFFF0] =	vst v3  }
0x341: {  	[tilespmem:s1+$0xFFFFFF90] =	vst v4  }
0x342: {  	v4 =	vld [tilespmem:s20+$0x0]  }
0x343: {  	v6 =	vld [tilespmem:s20+$0xFFFFFFA0]  }
0x344: {  	v8 =	vld [tilespmem:s20+$0xFFFFFFB0]  }
0x345: {  	v5 =	vld [tilespmem:s20+$0xFFFFFFC0]  }
0x346: {  	v3 =	vld [tilespmem:s20+$0xFFFFFFD0]  }
0x347: {  	v2 =	vld [tilespmem:s20+$0xFFFFFFE0];
	v9 =	vmul.f32 $4.525483320e+01, v4  }
0x348: {  	v4 =	vld [tilespmem:s20+$0xFFFFFFF0];
	v7 =	vmul.f32 $4.525483320e+01, v6  }
0x349: {  	s18 =	simm.s32 $0x0;
	s19 =	simm.s32 $0x870;
	v6 =	vld [tilespmem:s20+$0xFFFFFF90];
	v8 =	vmul.f32 $4.525483320e+01, v8;
	[tilespmem:s0+$0x0] =	vst v9  }
.LBB2_65:
0x34a: {  	v9 =	vld [tilespmem:s19+$0x0];
	s18 =	sadd.s32 $0x8, s18;
	[tilespmem:s0+$0xFFFFFFA0] =	vst v7;
	v5 =	vmul.f32 $4.525483320e+01, v5  }
0x34b: {  	v7 =	vld [tilespmem:s19+$0xFFFFFFA0];
	p0 =	slt.u32 s18, $0x78;
	[tilespmem:s0+$0xFFFFFFB0] =	vst v8;
	v3 =	vmul.f32 $4.525483320e+01, v3  }
0x34c: {  	v8 =	vld [tilespmem:s19+$0xFFFFFFB0];
	[tilespmem:s0+$0xFFFFFFC0] =	vst v5;
	v2 =	vmul.f32 $4.525483320e+01, v2  }
.Ltmp33:
0x34d: {  	v5 =	vld [tilespmem:s19+$0xFFFFFFC0];
	[tilespmem:s0+$0xFFFFFFD0] =	vst v3;
	v4 =	vmul.f32 $4.525483320e+01, v4;
	(pc) =	sbr.rel @p0 .LBB2_65-.Ltmp33, $4  }
0x34e: {  	v3 =	vld [tilespmem:s19+$0xFFFFFFD0];
	v6 =	vmul.f32 $4.525483320e+01, v6;
	[tilespmem:s0+$0xFFFFFFE0] =	vst v2  }
0x34f: {  	v2 =	vld [tilespmem:s19+$0xFFFFFFE0];
	v9 =	vmul.f32 $4.525483320e+01, v9;
	[tilespmem:s0+$0xFFFFFFF0] =	vst v4  }
0x350: {  	s20 =	simm.s32 $0x4F0;
	v7 =	vmul.f32 $4.525483320e+01, v7;
	v4 =	vld [tilespmem:s19+$0xFFFFFFF0];
	[tilespmem:s0+$0xFFFFFF90] =	vst v6;
	s0 =	sadd.s32 $0x400, s0  }
0x351: {  	s1 =	simm.s32 $0xC4F0;
	v6 =	vld [tilespmem:s19+$0xFFFFFF90];
	v8 =	vmul.f32 $4.525483320e+01, v8;
	[tilespmem:s0+$0x0] =	vst v9;
	s19 =	sadd.s32 $0x400, s19  }
0x352: {  	[tilespmem:s0+$0xFFFFFFA0] =	vst v7;
	v5 =	vmul.f32 $4.525483320e+01, v5  }
0x353: {  	[tilespmem:s0+$0xFFFFFFB0] =	vst v8;
	v3 =	vmul.f32 $4.525483320e+01, v3  }
0x354: {  	[tilespmem:s0+$0xFFFFFFC0] =	vst v5;
	v2 =	vmul.f32 $4.525483320e+01, v2  }
0x355: {  	[tilespmem:s0+$0xFFFFFFD0] =	vst v3;
	v3 =	vmul.f32 $4.525483320e+01, v4  }
0x356: {  	v4 =	vmul.f32 $4.525483320e+01, v6;
	[tilespmem:s0+$0xFFFFFFE0] =	vst v2  }
0x357: {  	[tilespmem:s0+$0xFFFFFFF0] =	vst v3  }
0x358: {  	[tilespmem:s0+$0xFFFFFF90] =	vst v4  }
0x359: {  	v4 =	vld [tilespmem:s20+$0x0]  }
0x35a: {  	v6 =	vld [tilespmem:s20+$0xFFFFFFA0]  }
0x35b: {  	v8 =	vld [tilespmem:s20+$0xFFFFFFB0]  }
0x35c: {  	v5 =	vld [tilespmem:s20+$0xFFFFFFC0]  }
0x35d: {  	v3 =	vld [tilespmem:s20+$0xFFFFFFD0]  }
0x35e: {  	v2 =	vld [tilespmem:s20+$0xFFFFFFE0];
	v9 =	vmul.f32 $4.525483320e+01, v4  }
0x35f: {  	v4 =	vld [tilespmem:s20+$0xFFFFFFF0];
	v7 =	vmul.f32 $4.525483320e+01, v6  }
0x360: {  	s18 =	simm.s32 $0x0;
	s19 =	simm.s32 $0x8F0;
	v6 =	vld [tilespmem:s20+$0xFFFFFF90];
	v8 =	vmul.f32 $4.525483320e+01, v8;
	[tilespmem:s1+$0x0] =	vst v9  }
.LBB2_67:
0x361: {  	v9 =	vld [tilespmem:s19+$0x0];
	s18 =	sadd.s32 $0x8, s18;
	[tilespmem:s1+$0xFFFFFFA0] =	vst v7;
	v5 =	vmul.f32 $4.525483320e+01, v5  }
0x362: {  	v7 =	vld [tilespmem:s19+$0xFFFFFFA0];
	p0 =	slt.u32 s18, $0x78;
	[tilespmem:s1+$0xFFFFFFB0] =	vst v8;
	v3 =	vmul.f32 $4.525483320e+01, v3  }
0x363: {  	v8 =	vld [tilespmem:s19+$0xFFFFFFB0];
	[tilespmem:s1+$0xFFFFFFC0] =	vst v5;
	v2 =	vmul.f32 $4.525483320e+01, v2  }
.Ltmp34:
0x364: {  	v5 =	vld [tilespmem:s19+$0xFFFFFFC0];
	[tilespmem:s1+$0xFFFFFFD0] =	vst v3;
	v4 =	vmul.f32 $4.525483320e+01, v4;
	(pc) =	sbr.rel @p0 .LBB2_67-.Ltmp34, $4  }
0x365: {  	v3 =	vld [tilespmem:s19+$0xFFFFFFD0];
	v6 =	vmul.f32 $4.525483320e+01, v6;
	[tilespmem:s1+$0xFFFFFFE0] =	vst v2  }
0x366: {  	s20 =	simm.s32 $0x570;
	v2 =	vld [tilespmem:s19+$0xFFFFFFE0];
	v9 =	vmul.f32 $4.525483320e+01, v9;
	[tilespmem:s1+$0xFFFFFFF0] =	vst v4  }
0x367: {  	s0 =	simm.s32 $0xC570;
	v7 =	vmul.f32 $4.525483320e+01, v7;
	v4 =	vld [tilespmem:s19+$0xFFFFFFF0];
	[tilespmem:s1+$0xFFFFFF90] =	vst v6;
	s1 =	sadd.s32 $0x400, s1  }
0x368: {  	v6 =	vld [tilespmem:s19+$0xFFFFFF90];
	v8 =	vmul.f32 $4.525483320e+01, v8;
	[tilespmem:s1+$0x0] =	vst v9;
	s19 =	sadd.s32 $0x400, s19  }
0x369: {  	[tilespmem:s1+$0xFFFFFFA0] =	vst v7;
	v5 =	vmul.f32 $4.525483320e+01, v5  }
0x36a: {  	[tilespmem:s1+$0xFFFFFFB0] =	vst v8;
	v3 =	vmul.f32 $4.525483320e+01, v3  }
0x36b: {  	[tilespmem:s1+$0xFFFFFFC0] =	vst v5;
	v2 =	vmul.f32 $4.525483320e+01, v2  }
0x36c: {  	[tilespmem:s1+$0xFFFFFFD0] =	vst v3;
	v3 =	vmul.f32 $4.525483320e+01, v4  }
0x36d: {  	v4 =	vmul.f32 $4.525483320e+01, v6;
	[tilespmem:s1+$0xFFFFFFE0] =	vst v2  }
0x36e: {  	[tilespmem:s1+$0xFFFFFFF0] =	vst v3  }
0x36f: {  	[tilespmem:s1+$0xFFFFFF90] =	vst v4  }
0x370: {  	v4 =	vld [tilespmem:s20+$0x0]  }
0x371: {  	v6 =	vld [tilespmem:s20+$0xFFFFFFA0]  }
0x372: {  	v8 =	vld [tilespmem:s20+$0xFFFFFFB0]  }
0x373: {  	v5 =	vld [tilespmem:s20+$0xFFFFFFC0]  }
0x374: {  	v3 =	vld [tilespmem:s20+$0xFFFFFFD0]  }
0x375: {  	v2 =	vld [tilespmem:s20+$0xFFFFFFE0];
	v9 =	vmul.f32 $4.525483320e+01, v4  }
0x376: {  	v4 =	vld [tilespmem:s20+$0xFFFFFFF0];
	v7 =	vmul.f32 $4.525483320e+01, v6  }
0x377: {  	s18 =	simm.s32 $0x0;
	s19 =	simm.s32 $0x970;
	v6 =	vld [tilespmem:s20+$0xFFFFFF90];
	v8 =	vmul.f32 $4.525483320e+01, v8;
	[tilespmem:s0+$0x0] =	vst v9  }
.LBB2_69:
0x378: {  	v9 =	vld [tilespmem:s19+$0x0];
	s18 =	sadd.s32 $0x8, s18;
	[tilespmem:s0+$0xFFFFFFA0] =	vst v7;
	v5 =	vmul.f32 $4.525483320e+01, v5  }
0x379: {  	v7 =	vld [tilespmem:s19+$0xFFFFFFA0];
	p0 =	slt.u32 s18, $0x78;
	[tilespmem:s0+$0xFFFFFFB0] =	vst v8;
	v3 =	vmul.f32 $4.525483320e+01, v3  }
0x37a: {  	v8 =	vld [tilespmem:s19+$0xFFFFFFB0];
	[tilespmem:s0+$0xFFFFFFC0] =	vst v5;
	v2 =	vmul.f32 $4.525483320e+01, v2  }
.Ltmp35:
0x37b: {  	v5 =	vld [tilespmem:s19+$0xFFFFFFC0];
	[tilespmem:s0+$0xFFFFFFD0] =	vst v3;
	v4 =	vmul.f32 $4.525483320e+01, v4;
	(pc) =	sbr.rel @p0 .LBB2_69-.Ltmp35, $4  }
0x37c: {  	v3 =	vld [tilespmem:s19+$0xFFFFFFD0];
	v6 =	vmul.f32 $4.525483320e+01, v6;
	[tilespmem:s0+$0xFFFFFFE0] =	vst v2  }
0x37d: {  	v2 =	vld [tilespmem:s19+$0xFFFFFFE0];
	v9 =	vmul.f32 $4.525483320e+01, v9;
	[tilespmem:s0+$0xFFFFFFF0] =	vst v4  }
0x37e: {  	s20 =	simm.s32 $0x5F0;
	v7 =	vmul.f32 $4.525483320e+01, v7;
	v4 =	vld [tilespmem:s19+$0xFFFFFFF0];
	[tilespmem:s0+$0xFFFFFF90] =	vst v6;
	s0 =	sadd.s32 $0x400, s0  }
0x37f: {  	s1 =	simm.s32 $0xC5F0;
	v6 =	vld [tilespmem:s19+$0xFFFFFF90];
	v8 =	vmul.f32 $4.525483320e+01, v8;
	[tilespmem:s0+$0x0] =	vst v9;
	s19 =	sadd.s32 $0x400, s19  }
0x380: {  	[tilespmem:s0+$0xFFFFFFA0] =	vst v7;
	v5 =	vmul.f32 $4.525483320e+01, v5  }
0x381: {  	[tilespmem:s0+$0xFFFFFFB0] =	vst v8;
	v3 =	vmul.f32 $4.525483320e+01, v3  }
0x382: {  	[tilespmem:s0+$0xFFFFFFC0] =	vst v5;
	v2 =	vmul.f32 $4.525483320e+01, v2  }
0x383: {  	[tilespmem:s0+$0xFFFFFFD0] =	vst v3;
	v3 =	vmul.f32 $4.525483320e+01, v4  }
0x384: {  	v4 =	vmul.f32 $4.525483320e+01, v6;
	[tilespmem:s0+$0xFFFFFFE0] =	vst v2  }
0x385: {  	[tilespmem:s0+$0xFFFFFFF0] =	vst v3  }
0x386: {  	[tilespmem:s0+$0xFFFFFF90] =	vst v4  }
0x387: {  	v4 =	vld [tilespmem:s20+$0x0]  }
0x388: {  	v6 =	vld [tilespmem:s20+$0xFFFFFFA0]  }
0x389: {  	v8 =	vld [tilespmem:s20+$0xFFFFFFB0]  }
0x38a: {  	v5 =	vld [tilespmem:s20+$0xFFFFFFC0]  }
0x38b: {  	v3 =	vld [tilespmem:s20+$0xFFFFFFD0]  }
0x38c: {  	v2 =	vld [tilespmem:s20+$0xFFFFFFE0];
	v9 =	vmul.f32 $4.525483320e+01, v4  }
0x38d: {  	v4 =	vld [tilespmem:s20+$0xFFFFFFF0];
	v7 =	vmul.f32 $4.525483320e+01, v6  }
0x38e: {  	s18 =	simm.s32 $0x9F0;
	s0 =	simm.s32 $0x0;
	v6 =	vld [tilespmem:s20+$0xFFFFFF90];
	v8 =	vmul.f32 $4.525483320e+01, v8;
	[tilespmem:s1+$0x0] =	vst v9  }
.LBB2_71:
0x38f: {  	v9 =	vld [tilespmem:s18+$0x0];
	s0 =	sadd.s32 $0x8, s0;
	[tilespmem:s1+$0xFFFFFFA0] =	vst v7;
	v5 =	vmul.f32 $4.525483320e+01, v5  }
0x390: {  	v7 =	vld [tilespmem:s18+$0xFFFFFFA0];
	p0 =	slt.u32 s0, $0x78;
	[tilespmem:s1+$0xFFFFFFB0] =	vst v8;
	v3 =	vmul.f32 $4.525483320e+01, v3  }
0x391: {  	v8 =	vld [tilespmem:s18+$0xFFFFFFB0];
	[tilespmem:s1+$0xFFFFFFC0] =	vst v5;
	v2 =	vmul.f32 $4.525483320e+01, v2  }
.Ltmp36:
0x392: {  	v5 =	vld [tilespmem:s18+$0xFFFFFFC0];
	[tilespmem:s1+$0xFFFFFFD0] =	vst v3;
	v4 =	vmul.f32 $4.525483320e+01, v4;
	(pc) =	sbr.rel @p0 .LBB2_71-.Ltmp36, $4  }
0x393: {  	v3 =	vld [tilespmem:s18+$0xFFFFFFD0];
	v6 =	vmul.f32 $4.525483320e+01, v6;
	[tilespmem:s1+$0xFFFFFFE0] =	vst v2  }
0x394: {  	v2 =	vld [tilespmem:s18+$0xFFFFFFE0];
	v9 =	vmul.f32 $4.525483320e+01, v9;
	[tilespmem:s1+$0xFFFFFFF0] =	vst v4  }
0x395: {  	v7 =	vmul.f32 $4.525483320e+01, v7;
	v4 =	vld [tilespmem:s18+$0xFFFFFFF0];
	[tilespmem:s1+$0xFFFFFF90] =	vst v6;
	s1 =	sadd.s32 $0x400, s1  }
0x396: {  	v6 =	vld [tilespmem:s18+$0xFFFFFF90];
	v8 =	vmul.f32 $4.525483320e+01, v8;
	[tilespmem:s1+$0x0] =	vst v9;
	s18 =	sadd.s32 $0x400, s18  }
0x397: {  	[tilespmem:s1+$0xFFFFFFA0] =	vst v7;
	v5 =	vmul.f32 $4.525483320e+01, v5  }
0x398: {  	[tilespmem:s1+$0xFFFFFFB0] =	vst v8;
	v3 =	vmul.f32 $4.525483320e+01, v3  }
0x399: {  	[tilespmem:s1+$0xFFFFFFC0] =	vst v5;
	v2 =	vmul.f32 $4.525483320e+01, v2  }
0x39a: {  	[tilespmem:s1+$0xFFFFFFD0] =	vst v3;
	v3 =	vmul.f32 $4.525483320e+01, v4  }
0x39b: {  	v63 =	vmul.f32 $4.525483320e+01, v6;
	[tilespmem:s1+$0xFFFFFFE0] =	vst v2  }
0x39c: {  	[tilespmem:s1+$0xFFFFFFF0] =	vst v3  }
0x39d: {  	[tilespmem:s1+$0xFFFFFF90] =	vst v63  }
0x39e: {  	s0 =	rddreg [dreg:$0x5]  }
0x39f: {  	[hbm4b:s0+s5] =	stream.linear.scatter [tilespmem:s16], [sflag:$0x4], $0x4000, $0x38;
	[tilespmem:$0x18200] =	vst v63  }
0x3a0: {  	_ =	swait.ge [sflag:s21], $0x4000  }
0x3a1: {  	[sflag:s21] =	ssyncset.done $0x0  }
0x3a2: {  	[sflag:s21] =	ssyncadd.s32 $0xFFFFC000;
	s21 =	simm.s32 $0x5  }
0x3a3: {  	_ =	swait.ge [sflag:s21], $0x4000  }
0x3a4: {  	[sflag:s21] =	ssyncset.done $0x0  }
0x3a5: {  	[sflag:s21] =	ssyncadd.s32 $0xFFFFC000  }
0x3a6: {  	_ =	swait.ge [sflag:s29], $0x4000  }
0x3a7: {  	s30 =	rddreg [dreg:$0x7]  }
0x3a8: {  	s31 =	rddreg [dreg:$0x6];
	s1 =	sadd.s32 $0x1, s30  }
0x3a9: {  	p0 =	sne.s32 s1, s31  }
.Ltmp37:
0x3aa: {  	_ = 	snop;
	(pc) =	sbr.rel @p0 .LBB2_1-.Ltmp37, $3  }
0x3ab: {  	_ =	sdelay $0x1  }
0x3ac: {  	[sflag:s29] =	ssyncset.done $0x0  }
0x3ad: {  	[sflag:s29] =	ssyncadd.s32 $0xFFFFC000  }
0x3ae: {  	_ =	sfence.sel $0x180000  }
0x3af: {  	[bflag:$0x0] =	sbarrier.arrive $0xFFFF  }
0x3b0: {  	_ =	strace $0x90000047  }
0x3b1: {  	s0 =	stileid.u32;
	[bflag:$0x2] =	sbarrier.arrive $0xFFFF  }
0x3b2: {  	p0 =	sne.s32 s0, $0x0;
	s0 =	rddreg [dreg:$0x3]  }
0x3b3: {  	s0 =	sadd.s32 @!p0 $0x100000, s0  }
0x3b4: {  	[sflag:s0] =	ssyncadd.tile.s32 @!p0 $0x1;
	_ =	shalt  }
.Lfunc_end2:
_tile_overlayer_lowered:
.L_overlay_start_2:
0x3b5: {  	(tag) =	ssettag $0x2  }
0x3b6: {  	s0 =	rddreg [dreg:$0x0];
	s2 =	stileid.u32  }
0x3b7: {  	s1 =	rddreg [dreg:$0x1];
	p0 =	sne.s32 s2, $0x0  }
0x3b8: {  	s3 =	rddreg [dreg:$0x2];
	[bflag:$0x3] =	sbarrier.arrive $0xFFFF;
	s2 =	simm.s32 @!p0 $0x1C07  }
0x3b9: {  	[timem:s3], [sflag:s2] =	dma.local @!p0 [hbm:s0], s1  }
0x3ba: {  	s0 =	simm.s32 @!p0 $0x7  }
0x3bb: {  	_ =	swait.ge @!p0 [sflag:s0], s1  }
0x3bc: {  	s1 =	ssub.s32 @!p0 $0x0, s1;
	[sflag:s0] =	ssyncset.done @!p0 $0x0  }
0x3bd: {  	[sflag:s0] =	ssyncadd.s32 @!p0 s1  }
0x3be: {  	[bflag:$0x3] =	sbarrier.arrive $0xFFFF  }
0x3bf: {  	_ =	shalt  }

</sc_bundles>
